<compile_context>
chip_gen: v7x
topology: tpu7x:2x2x1
jax: 0.10.2.dev20260603
libtpu: 0.0.44.dev20260713+nightly
codegen_flags: <defaults>
</compile_context>

<pallas_src>
import functools

import jax
import jax.numpy as jnp
from jax import lax
from jax.experimental import pallas as pl
from jax.experimental.pallas import tpu as pltpu
from jax.experimental.pallas import tpu_sc as plsc

N = 10000
E = 320000
D = 128
NP_ = 10240

NC = 2
NS = 16
NW = NC * NS
EPW = E // NW
NPS = NP_ // NS

C_I, NCH_I = 80, 125
C_G, NCH_G = 125, 80

_MESH = plsc.VectorSubcoreMesh(core_axis_name="c", subcore_axis_name="s")


def _wid():
    return lax.axis_index("c") * NS + lax.axis_index("s")



def _sc_segsum_linear_body(width):

    def body(vals_hbm, dst_hbm, zeros_hbm, tok_hbm, out_hbm, idx_v, vals_v, acc):
        c = lax.axis_index("c")
        s = lax.axis_index("s")
        wid = c * NS + s
        pltpu.sync_copy(zeros_hbm, acc.at[pl.ds(s * NPS, NPS)])
        pltpu.sync_copy(dst_hbm.at[wid], idx_v)
        plsc.subcore_barrier()

        @pl.loop(0, NCH_I)
        def _(j):
            pltpu.sync_copy(vals_hbm.at[pl.ds(wid * EPW + j * C_I, C_I)], vals_v)
            pltpu.sync_copy(vals_v, acc.at[idx_v.at[j]], add=True)

        plsc.subcore_barrier()
        pltpu.sync_copy(acc.at[pl.ds(s * NPS, NPS)],
                        out_hbm.at[c, pl.ds(s * NPS, NPS)])

    return body


def _make_sc_segsum_linear(width):
    return pl.kernel(
        _sc_segsum_linear_body(width),
        out_type=jax.ShapeDtypeStruct((NC, NP_, width), jnp.float32),
        mesh=_MESH,
        scratch_types=[
            pltpu.VMEM((NCH_I, C_I), jnp.int32),
            pltpu.VMEM((C_I, width), jnp.float32),
            pltpu.VMEM_SHARED((NP_, width), jnp.float32),
        ],
    )


def _sc_gather_segsum_body(h_hbm, src_hbm, dst_hbm, zeros_hbm, out_hbm,
                           srci_v, dsti_v, vals_v, acc, sem):
    c = lax.axis_index("c")
    s = lax.axis_index("s")
    wid = c * NS + s
    pltpu.sync_copy(zeros_hbm, acc.at[pl.ds(s * NPS, NPS)])
    pltpu.sync_copy(src_hbm.at[wid], srci_v)
    pltpu.sync_copy(dst_hbm.at[wid], dsti_v)
    plsc.subcore_barrier()

    @pl.loop(0, NCH_G)
    def _(j):
        pltpu.async_copy(h_hbm.at[srci_v.at[j]], vals_v, sem).wait()
        pltpu.sync_copy(vals_v, acc.at[dsti_v.at[j]], add=True)

    plsc.subcore_barrier()
    pltpu.sync_copy(acc.at[pl.ds(s * NPS, NPS)],
                    out_hbm.at[c, pl.ds(s * NPS, NPS)])


_sc_gather_segsum = pl.kernel(
    _sc_gather_segsum_body,
    out_type=jax.ShapeDtypeStruct((NC, NP_, D), jnp.float32),
    mesh=_MESH,
    scratch_types=[
        pltpu.VMEM((NCH_G, C_G), jnp.int32),
        pltpu.VMEM((NCH_G, C_G), jnp.int32),
        pltpu.VMEM((C_G, D), jnp.float32),
        pltpu.VMEM_SHARED((NP_, D), jnp.float32),
        pltpu.SemaphoreType.DMA,
    ],
)

_sc_segsum_128 = _make_sc_segsum_linear(D)



_BE = 2000


def _bfr(v):
    return v.astype(jnp.bfloat16).astype(jnp.float32)


def _tc_prep_body(ea_ref, W1_ref, b1_ref, u1_ref, u2_ref, u3_ref, w_ref):
    ea = ea_ref[...]
    sg = jax.nn.sigmoid(ea[:, 2:3])
    eab = _bfr(ea)
    W1b = _bfr(W1_ref[...])
    a = b1_ref[...]
    a = (a + eab[:, 0:1] * W1b[0:1, :] + eab[:, 1:2] * W1b[1:2, :]
         + eab[:, 2:3] * W1b[2:3, :] + eab[:, 3:4] * W1b[3:4, :])
    a = _bfr(jnp.maximum(a, 0.0)) * sg
    u1_ref[...] = a[:, 0:128]
    u2_ref[...] = a[:, 128:256]
    u3_ref[...] = a[:, 256:384]
    w_ref[...] = jnp.concatenate(
        [jnp.ones((_BE, 1), jnp.float32), sg,
         jnp.zeros((_BE, 126), jnp.float32)], axis=1)


def _tc_prep(ea, W1all, b1all):
    return pl.pallas_call(
        _tc_prep_body,
        grid=(E // _BE,),
        in_specs=[
            pl.BlockSpec((_BE, 4), lambda i: (i, 0)),
            pl.BlockSpec((4, 384), lambda i: (0, 0)),
            pl.BlockSpec((1, 384), lambda i: (0, 0)),
        ],
        out_specs=[
            pl.BlockSpec((_BE, D), lambda i: (i, 0)),
            pl.BlockSpec((_BE, D), lambda i: (i, 0)),
            pl.BlockSpec((_BE, D), lambda i: (i, 0)),
            pl.BlockSpec((_BE, D), lambda i: (i, 0)),
        ],
        out_shape=[
            jax.ShapeDtypeStruct((E, D), jnp.float32),
            jax.ShapeDtypeStruct((E, D), jnp.float32),
            jax.ShapeDtypeStruct((E, D), jnp.float32),
            jax.ShapeDtypeStruct((E, D), jnp.float32),
        ],
    )(ea, W1all, b1all)


def _hdot(a, b):
    return jnp.dot(a, b, preferred_element_type=jnp.float32,
                   precision=lax.Precision.HIGHEST)


_R = 2000
_GR = N // _R


def _tc_inject_body(x_ref, t_ref, q_ref, W2_ref, b2_ref, h_ref):
    t = t_ref[0] + t_ref[1]
    scnt = q_ref[0, :, 1:2] + q_ref[1, :, 1:2]
    h_ref[...] = x_ref[...] + _hdot(t, _bfr(W2_ref[...])) + scnt * b2_ref[...]


def _tc_inject(x, t, q, W2, b2):
    return pl.pallas_call(
        _tc_inject_body,
        grid=(_GR,),
        in_specs=[
            pl.BlockSpec((_R, D), lambda i: (i, 0)),
            pl.BlockSpec((2, _R, D), lambda i: (0, i, 0)),
            pl.BlockSpec((2, _R, D), lambda i: (0, i, 0)),
            pl.BlockSpec((D, D), lambda i: (0, 0)),
            pl.BlockSpec((1, D), lambda i: (0, 0)),
        ],
        out_specs=pl.BlockSpec((_R, D), lambda i: (i, 0)),
        out_shape=jax.ShapeDtypeStruct((N, D), jnp.float32),
    )(x, t, q, W2, b2)


def _tc_sage_body(a_ref, h_ref, q_ref, Wl_ref, bl_ref, Wr_ref,
                  y_ref, s1_ref, s2_ref):
    cnt = q_ref[0, :, 0:1] + q_ref[1, :, 0:1]
    agg = (a_ref[0] + a_ref[1]) / jnp.maximum(cnt, 1.0)
    y = (jnp.dot(agg, Wl_ref[...], preferred_element_type=jnp.float32)
         + bl_ref[...]
         + jnp.dot(h_ref[...], Wr_ref[...], preferred_element_type=jnp.float32))
    y_ref[...] = y
    s1_ref[...] = jnp.broadcast_to(jnp.sum(y, axis=0, keepdims=True),
                                   (8, D)).reshape(1, 8, D)
    s2_ref[...] = jnp.broadcast_to(jnp.sum(y * y, axis=0, keepdims=True),
                                   (8, D)).reshape(1, 8, D)


def _tc_sage(a, h, q, Wl, bl, Wr):
    return pl.pallas_call(
        _tc_sage_body,
        grid=(_GR,),
        in_specs=[
            pl.BlockSpec((2, _R, D), lambda i: (0, i, 0)),
            pl.BlockSpec((_R, D), lambda i: (i, 0)),
            pl.BlockSpec((2, _R, D), lambda i: (0, i, 0)),
            pl.BlockSpec((D, D), lambda i: (0, 0)),
            pl.BlockSpec((1, D), lambda i: (0, 0)),
            pl.BlockSpec((D, D), lambda i: (0, 0)),
        ],
        out_specs=[
            pl.BlockSpec((_R, D), lambda i: (i, 0)),
            pl.BlockSpec((1, 8, D), lambda i: (i, 0, 0)),
            pl.BlockSpec((1, 8, D), lambda i: (i, 0, 0)),
        ],
        out_shape=[
            jax.ShapeDtypeStruct((N, D), jnp.float32),
            jax.ShapeDtypeStruct((_GR, 8, D), jnp.float32),
            jax.ShapeDtypeStruct((_GR, 8, D), jnp.float32),
        ],
    )(a, h, q, Wl, bl, Wr)


def _bn_relu(y_ref, s1_ref, s2_ref, g_ref, be_ref):
    mu = jnp.sum(s1_ref[...], axis=(0, 1)).reshape(1, D) * (1.0 / (8 * N))
    ey2 = jnp.sum(s2_ref[...], axis=(0, 1)).reshape(1, D) * (1.0 / (8 * N))
    var = ey2 - mu * mu
    z = (y_ref[...] - mu) * lax.rsqrt(var + 1e-5) * g_ref[...] + be_ref[...]
    return jnp.maximum(z, 0.0)


def _tc_bn_inject_body(y_ref, s1_ref, s2_ref, g_ref, be_ref,
                       t_ref, q_ref, W2n_ref, b2n_ref, out_ref):
    z = _bn_relu(y_ref, s1_ref, s2_ref, g_ref, be_ref)
    t = t_ref[0] + t_ref[1]
    scnt = q_ref[0, :, 1:2] + q_ref[1, :, 1:2]
    out_ref[...] = z + _hdot(t, _bfr(W2n_ref[...])) + scnt * b2n_ref[...]


def _tc_bn_inject(y, s1, s2, g, be, t, q, W2n, b2n):
    return pl.pallas_call(
        _tc_bn_inject_body,
        grid=(_GR,),
        in_specs=[
            pl.BlockSpec((_R, D), lambda i: (i, 0)),
            pl.BlockSpec((_GR, 8, D), lambda i: (0, 0, 0)),
            pl.BlockSpec((_GR, 8, D), lambda i: (0, 0, 0)),
            pl.BlockSpec((1, D), lambda i: (0, 0)),
            pl.BlockSpec((1, D), lambda i: (0, 0)),
            pl.BlockSpec((2, _R, D), lambda i: (0, i, 0)),
            pl.BlockSpec((2, _R, D), lambda i: (0, i, 0)),
            pl.BlockSpec((D, D), lambda i: (0, 0)),
            pl.BlockSpec((1, D), lambda i: (0, 0)),
        ],
        out_specs=pl.BlockSpec((_R, D), lambda i: (i, 0)),
        out_shape=jax.ShapeDtypeStruct((N, D), jnp.float32),
    )(y, s1, s2, g, be, t, q, W2n, b2n)


def _tc_bn_fin_body(y_ref, s1_ref, s2_ref, g_ref, be_ref, out_ref):
    out_ref[...] = _bn_relu(y_ref, s1_ref, s2_ref, g_ref, be_ref)


def _tc_bn_fin(y, s1, s2, g, be):
    return pl.pallas_call(
        _tc_bn_fin_body,
        grid=(_GR,),
        in_specs=[
            pl.BlockSpec((_R, D), lambda i: (i, 0)),
            pl.BlockSpec((_GR, 8, D), lambda i: (0, 0, 0)),
            pl.BlockSpec((_GR, 8, D), lambda i: (0, 0, 0)),
            pl.BlockSpec((1, D), lambda i: (0, 0)),
            pl.BlockSpec((1, D), lambda i: (0, 0)),
        ],
        out_specs=pl.BlockSpec((_R, D), lambda i: (i, 0)),
        out_shape=jax.ShapeDtypeStruct((N, D), jnp.float32),
    )(y, s1, s2, g, be)



def kernel(x, edge_index, edge_attr, i1W1, i1b1, i1W2, i1b2, c1Wl, c1bl, c1Wr,
           g1, be1, i2W1, i2b1, i2W2, i2b2, c2Wl, c2bl, c2Wr, g2, be2, i3W1,
           i3b1, i3W2, i3b2, c3Wl, c3bl, c3Wr, g3, be3):
    src = edge_index[0]
    dst = edge_index[1]
    dst3i = dst.reshape(NW, NCH_I, C_I)
    dst3g = dst.reshape(NW, NCH_G, C_G)
    src3g = src.reshape(NW, NCH_G, C_G)

    W1all = jnp.concatenate([i1W1, i2W1, i3W1], axis=1)
    b1all = jnp.concatenate([i1b1, i2b1, i3b1]).reshape(1, 384)

    u1, u2, u3, w = _tc_prep(edge_attr, W1all, b1all)

    zeros128 = jnp.zeros((NPS, D), jnp.float32)

    t1 = _sc_segsum_128(u1, dst3i, zeros128, w)
    q = _sc_segsum_128(w, dst3i, zeros128, t1)

    r2 = lambda v: v.reshape(1, -1)

    h1 = _tc_inject(x, t1, q, i1W2, r2(i1b2))
    a1 = _sc_gather_segsum(h1, src3g, dst3g, zeros128)
    y1, s11, s21 = _tc_sage(a1, h1, q, c1Wl, r2(c1bl), c1Wr)
    t2 = _sc_segsum_128(u2, dst3i, zeros128, t1)
    h2 = _tc_bn_inject(y1, s11, s21, r2(g1), r2(be1), t2, q, i2W2, r2(i2b2))
    a2 = _sc_gather_segsum(h2, src3g, dst3g, zeros128)
    y2, s12, s22 = _tc_sage(a2, h2, q, c2Wl, r2(c2bl), c2Wr)
    t3 = _sc_segsum_128(u3, dst3i, zeros128, t2)
    h3 = _tc_bn_inject(y2, s12, s22, r2(g2), r2(be2), t3, q, i3W2, r2(i3b2))
    a3 = _sc_gather_segsum(h3, src3g, dst3g, zeros128)
    y3, s13, s23 = _tc_sage(a3, h3, q, c3Wl, r2(c3bl), c3Wr)
    out = _tc_bn_fin(y3, s13, s23, r2(g3), r2(be3))
    out, *_ = lax.optimization_barrier((out, t1, t2, t3, q, a1, a2, a3))
    return out

# --- scband reference (transcript-rebuilt; emitter-appended) ---
"""Pipeline reference for scband-pyro-gnnencoder-21045339750819 (READ-ONLY COPY).

The authoritative reference and input builder live on the scoring server;
editing this copy changes nothing except your own understanding.
"""

import jax, jax.numpy as jnp
import numpy as np

N = 10000
E = 320000
D = 128
ED = 4


def setup_inputs(seed: int = 0) -> dict:
    key = jax.random.key(seed)
    ks = jax.random.split(key, 40)
    inp = {}
    inp['x'] = jax.random.normal(ks[0], (N, D), dtype=jnp.float32)
    inp['edge_index'] = jax.random.randint(ks[1], (2, E), 0, N, dtype=jnp.int32)
    inp['edge_attr'] = jax.random.uniform(ks[2], (E, ED), dtype=jnp.float32)
    i = [3]
    def p(shape):
        w = jax.random.normal(ks[i[0]], shape, dtype=jnp.float32) * 0.1
        i[0] += 1
        return w
    for L in (1, 2, 3):
        inp['i%dW1' % L] = p((ED, D)); inp['i%db1' % L] = p((D,))
        inp['i%dW2' % L] = p((D, D)); inp['i%db2' % L] = p((D,))
        inp['c%dWl' % L] = p((D, D)); inp['c%dbl' % L] = p((D,))
        inp['c%dWr' % L] = p((D, D))
        inp['g%d' % L] = jnp.ones((D,), jnp.float32)
        inp['be%d' % L] = jnp.zeros((D,), jnp.float32)
    return inp


def _edge_inject(x, dst, ea, W1, b1, W2, b2):
    m = jax.nn.relu(ea @ W1 + b1) @ W2 + b2
    m = m * jax.nn.sigmoid(ea[:, 2:3])
    return x + jnp.zeros_like(x).at[dst].add(m)


def _sage(x, src, dst, Wl, bl, Wr):
    agg = jax.ops.segment_sum(x[src], dst, num_segments=x.shape[0])
    cnt = jax.ops.segment_sum(jnp.ones((src.shape[0], 1), x.dtype), dst, num_segments=x.shape[0])
    agg = agg / jnp.maximum(cnt, 1.0)
    return agg @ Wl + bl + x @ Wr


def _bn(x, g, b):
    mu = jnp.mean(x, axis=0)
    var = jnp.var(x, axis=0)
    return (x - mu) / jnp.sqrt(var + 1e-5) * g + b


def reference(x, edge_index, edge_attr, i1W1, i1b1, i1W2, i1b2, c1Wl, c1bl, c1Wr, g1, be1, i2W1, i2b1, i2W2, i2b2, c2Wl, c2bl, c2Wr, g2, be2, i3W1, i3b1, i3W2, i3b2, c3Wl, c3bl, c3Wr, g3, be3):
    src, dst = edge_index[0], edge_index[1]
    h = _edge_inject(x, dst, edge_attr, i1W1, i1b1, i1W2, i1b2)
    h = jax.nn.relu(_bn(_sage(h, src, dst, c1Wl, c1bl, c1Wr), g1, be1))
    h = _edge_inject(h, dst, edge_attr, i2W1, i2b1, i2W2, i2b2)
    h = jax.nn.relu(_bn(_sage(h, src, dst, c2Wl, c2bl, c2Wr), g2, be2))
    h = _edge_inject(h, dst, edge_attr, i3W1, i3b1, i3W2, i3b2)
    h = jax.nn.relu(_bn(_sage(h, src, dst, c3Wl, c3bl, c3Wr), g3, be3))
    return h

if __name__ == "__main__":
    import jax
    _d = setup_inputs()
    print(jax.jit(kernel)(*tuple(_d.values())))

</pallas_src>

<mosaic_0001>
#map = affine_map<(d0, d1) -> (0, 0)>
#map1 = affine_map<(d0, d1) -> (0, 0, 0)>
module attributes {stable_mosaic.version = 14 : i64} {
  func.func @_sc_gather_segsum_body(%arg0: i32, %arg1: i32, %arg2: memref<10000x128xf32, #tpu.memory_space<hbm>>, %arg3: memref<32x80x125xi32, #tpu.memory_space<hbm>>, %arg4: memref<32x80x125xi32, #tpu.memory_space<hbm>>, %arg5: memref<640x128xf32, #tpu.memory_space<hbm>>, %arg6: memref<2x10240x128xf32, #tpu.memory_space<hbm>>, %arg7: memref<80x125xi32, #tpu.memory_space<vmem>>, %arg8: memref<80x125xi32, #tpu.memory_space<vmem>>, %arg9: memref<125x128xf32, #tpu.memory_space<vmem>>, %arg10: memref<10240x128xf32, #tpu.memory_space<vmem_shared>>, %arg11: memref<!tpu.dma_semaphore, #tpu.memory_space<semaphore_mem>>) attributes {dimension_semantics = [#tpu.dimension_semantics<core_parallel>, #tpu.dimension_semantics<subcore_parallel>], iteration_bounds = array<i64: 2, 16>, scalar_prefetch = 0 : i64, scratch_operands = 5 : i64, tpu.core_type = #tpu.core_type<sc_vector_subcore>, window_params = [{transform_indices = #map}, {transform_indices = #map1}, {transform_indices = #map1}, {transform_indices = #map}, {transform_indices = #map1}]} {
    %mul3A = arith.constant 16 : i32
    %mul3A_0 = arith.muli %arg0, %mul3A : i32
    %add3A = arith.addi %mul3A_0, %arg1 : i32
    %mul3A_1 = arith.constant 640 : i32
    %mul3A_2 = arith.muli %arg1, %mul3A_1 : i32
    "tpu.region"() ({
      %run_scoped3A = tpu.sem_alloc : memref<!tpu.dma_semaphore, #tpu.memory_space<semaphore_mem>>
      %dma_start3A = arith.constant 0 : i32
      %dma_start3A_12 = tpu.memref_slice %arg10[%mul3A_2, %dma_start3A] : memref<10240x128xf32, #tpu.memory_space<vmem_shared>> -> memref<640x128xf32, #tpu.memory_space<vmem_shared>>
      tpu.enqueue_dma source(%arg5 : memref<640x128xf32, #tpu.memory_space<hbm>>) target(%dma_start3A_12 : memref<640x128xf32, #tpu.memory_space<vmem_shared>>) target_semaphore(%run_scoped3A : memref<!tpu.dma_semaphore, #tpu.memory_space<semaphore_mem>>)
      %dma_wait3A = arith.constant 0 : i32
      %dma_wait3A_13 = tpu.memref_slice %arg10[%mul3A_2, %dma_wait3A] : memref<10240x128xf32, #tpu.memory_space<vmem_shared>> -> memref<640x128xf32, #tpu.memory_space<vmem_shared>>
      tpu.wait_dma2 semaphore(%run_scoped3A : memref<!tpu.dma_semaphore, #tpu.memory_space<semaphore_mem>>) src(%arg5 : memref<640x128xf32, #tpu.memory_space<hbm>>) dst(%dma_wait3A_13 : memref<640x128xf32, #tpu.memory_space<vmem_shared>>)
      tpu.yield
    }) : () -> ()
    "tpu.region"() ({
      %run_scoped3A = tpu.sem_alloc : memref<!tpu.dma_semaphore, #tpu.memory_space<semaphore_mem>>
      %dma_start3A = arith.constant 0 : i32
      %dma_start3A_12 = arith.constant 0 : i32
      %dma_start3A_13 = tpu.memref_slice %arg3[%add3A, %dma_start3A, %dma_start3A_12] : memref<32x80x125xi32, #tpu.memory_space<hbm>> -> memref<1x80x125xi32, #tpu.memory_space<hbm>>
      %dma_start3A_14 = tpu.memref_squeeze %dma_start3A_13 : memref<1x80x125xi32, #tpu.memory_space<hbm>> -> memref<80x125xi32, #tpu.memory_space<hbm>>
      %dma_start3A_15 = arith.constant 0 : i32
      %dma_start3A_16 = arith.constant 0 : i32
      %dma_start3A_17 = tpu.memref_slice %arg3[%add3A, %dma_start3A_15, %dma_start3A_16] : memref<32x80x125xi32, #tpu.memory_space<hbm>> -> memref<1x80x125xi32, #tpu.memory_space<hbm>>
      %dma_start3A_18 = tpu.memref_squeeze %dma_start3A_17 : memref<1x80x125xi32, #tpu.memory_space<hbm>> -> memref<80x125xi32, #tpu.memory_space<hbm>>
      tpu.enqueue_dma source(%dma_start3A_18 : memref<80x125xi32, #tpu.memory_space<hbm>>) target(%arg7 : memref<80x125xi32, #tpu.memory_space<vmem>>) target_semaphore(%run_scoped3A : memref<!tpu.dma_semaphore, #tpu.memory_space<semaphore_mem>>)
      %dma_wait3A = arith.constant 0 : i32
      %dma_wait3A_19 = arith.constant 0 : i32
      %dma_wait3A_20 = tpu.memref_slice %arg3[%add3A, %dma_wait3A, %dma_wait3A_19] : memref<32x80x125xi32, #tpu.memory_space<hbm>> -> memref<1x80x125xi32, #tpu.memory_space<hbm>>
      %dma_wait3A_21 = tpu.memref_squeeze %dma_wait3A_20 : memref<1x80x125xi32, #tpu.memory_space<hbm>> -> memref<80x125xi32, #tpu.memory_space<hbm>>
      %dma_wait3A_22 = arith.constant 0 : i32
      %dma_wait3A_23 = arith.constant 0 : i32
      %dma_wait3A_24 = tpu.memref_slice %arg3[%add3A, %dma_wait3A_22, %dma_wait3A_23] : memref<32x80x125xi32, #tpu.memory_space<hbm>> -> memref<1x80x125xi32, #tpu.memory_space<hbm>>
      %dma_wait3A_25 = tpu.memref_squeeze %dma_wait3A_24 : memref<1x80x125xi32, #tpu.memory_space<hbm>> -> memref<80x125xi32, #tpu.memory_space<hbm>>
      tpu.wait_dma2 semaphore(%run_scoped3A : memref<!tpu.dma_semaphore, #tpu.memory_space<semaphore_mem>>) src(%dma_wait3A_25 : memref<80x125xi32, #tpu.memory_space<hbm>>) dst(%arg7 : memref<80x125xi32, #tpu.memory_space<vmem>>)
      tpu.yield
    }) : () -> ()
    "tpu.region"() ({
      %run_scoped3A = tpu.sem_alloc : memref<!tpu.dma_semaphore, #tpu.memory_space<semaphore_mem>>
      %dma_start3A = arith.constant 0 : i32
      %dma_start3A_12 = arith.constant 0 : i32
      %dma_start3A_13 = tpu.memref_slice %arg4[%add3A, %dma_start3A, %dma_start3A_12] : memref<32x80x125xi32, #tpu.memory_space<hbm>> -> memref<1x80x125xi32, #tpu.memory_space<hbm>>
      %dma_start3A_14 = tpu.memref_squeeze %dma_start3A_13 : memref<1x80x125xi32, #tpu.memory_space<hbm>> -> memref<80x125xi32, #tpu.memory_space<hbm>>
      %dma_start3A_15 = arith.constant 0 : i32
      %dma_start3A_16 = arith.constant 0 : i32
      %dma_start3A_17 = tpu.memref_slice %arg4[%add3A, %dma_start3A_15, %dma_start3A_16] : memref<32x80x125xi32, #tpu.memory_space<hbm>> -> memref<1x80x125xi32, #tpu.memory_space<hbm>>
      %dma_start3A_18 = tpu.memref_squeeze %dma_start3A_17 : memref<1x80x125xi32, #tpu.memory_space<hbm>> -> memref<80x125xi32, #tpu.memory_space<hbm>>
      tpu.enqueue_dma source(%dma_start3A_18 : memref<80x125xi32, #tpu.memory_space<hbm>>) target(%arg8 : memref<80x125xi32, #tpu.memory_space<vmem>>) target_semaphore(%run_scoped3A : memref<!tpu.dma_semaphore, #tpu.memory_space<semaphore_mem>>)
      %dma_wait3A = arith.constant 0 : i32
      %dma_wait3A_19 = arith.constant 0 : i32
      %dma_wait3A_20 = tpu.memref_slice %arg4[%add3A, %dma_wait3A, %dma_wait3A_19] : memref<32x80x125xi32, #tpu.memory_space<hbm>> -> memref<1x80x125xi32, #tpu.memory_space<hbm>>
      %dma_wait3A_21 = tpu.memref_squeeze %dma_wait3A_20 : memref<1x80x125xi32, #tpu.memory_space<hbm>> -> memref<80x125xi32, #tpu.memory_space<hbm>>
      %dma_wait3A_22 = arith.constant 0 : i32
      %dma_wait3A_23 = arith.constant 0 : i32
      %dma_wait3A_24 = tpu.memref_slice %arg4[%add3A, %dma_wait3A_22, %dma_wait3A_23] : memref<32x80x125xi32, #tpu.memory_space<hbm>> -> memref<1x80x125xi32, #tpu.memory_space<hbm>>
      %dma_wait3A_25 = tpu.memref_squeeze %dma_wait3A_24 : memref<1x80x125xi32, #tpu.memory_space<hbm>> -> memref<80x125xi32, #tpu.memory_space<hbm>>
      tpu.wait_dma2 semaphore(%run_scoped3A : memref<!tpu.dma_semaphore, #tpu.memory_space<semaphore_mem>>) src(%dma_wait3A_25 : memref<80x125xi32, #tpu.memory_space<hbm>>) dst(%arg8 : memref<80x125xi32, #tpu.memory_space<vmem>>)
      tpu.yield
    }) : () -> ()
    %barrier3A = arith.constant 0 : index
    tpu.barrier barrier_id(%barrier3A)
    %scan3A = arith.constant 0 : i32
    %scan3A_3 = arith.constant 80 : i32
    %scan3A_4 = arith.addi %scan3A, %scan3A_3 : i32
    %scan3A_5 = arith.constant 1 : i32
    scf.for %scan3A_12 = %scan3A to %scan3A_4 step %scan3A_5  : i32 {
      %mul3A_13 = arith.constant 1 : i32
      %mul3A_14 = arith.muli %scan3A_12, %mul3A_13 : i32
      %add3A_15 = arith.constant 0 : i32
      %add3A_16 = arith.addi %add3A_15, %mul3A_14 : i32
      %dma_start3A = arith.constant 0 : i32
      %dma_start3A_17 = tpu.memref_slice %arg7[%add3A_16, %dma_start3A] : memref<80x125xi32, #tpu.memory_space<vmem>> -> memref<1x125xi32, #tpu.memory_space<vmem>>
      %dma_start3A_18 = tpu.memref_squeeze %dma_start3A_17 : memref<1x125xi32, #tpu.memory_space<vmem>> -> memref<125xi32, #tpu.memory_space<vmem>>
      %dma_start3A_19 = arith.constant 0 : i32
      %dma_start3A_20 = arith.constant 0 : i32
      %dma_start3A_21 = tpu.memref_slice %arg2[%dma_start3A_19, %dma_start3A_20] : memref<10000x128xf32, #tpu.memory_space<hbm>> -> memref<10000x128xf32, #tpu.memory_space<hbm>>
      tpu.enqueue_indirect_dma source(%dma_start3A_21 : memref<10000x128xf32, #tpu.memory_space<hbm>>) target(%arg9 : memref<125x128xf32, #tpu.memory_space<vmem>>) offsets(%dma_start3A_18 : memref<125xi32, #tpu.memory_space<vmem>>) semaphore(%arg11 : memref<!tpu.dma_semaphore, #tpu.memory_space<semaphore_mem>>)
      %dma_wait3A = arith.constant 0 : i32
      %dma_wait3A_22 = tpu.memref_slice %arg7[%add3A_16, %dma_wait3A] : memref<80x125xi32, #tpu.memory_space<vmem>> -> memref<1x125xi32, #tpu.memory_space<vmem>>
      %dma_wait3A_23 = tpu.memref_squeeze %dma_wait3A_22 : memref<1x125xi32, #tpu.memory_space<vmem>> -> memref<125xi32, #tpu.memory_space<vmem>>
      %dma_wait3A_24 = arith.constant 0 : i32
      %dma_wait3A_25 = arith.constant 0 : i32
      %dma_wait3A_26 = tpu.memref_slice %arg2[%dma_wait3A_24, %dma_wait3A_25] : memref<10000x128xf32, #tpu.memory_space<hbm>> -> memref<10000x128xf32, #tpu.memory_space<hbm>>
      tpu.wait_indirect_dma semaphore(%arg11 : memref<!tpu.dma_semaphore, #tpu.memory_space<semaphore_mem>>) src(%dma_wait3A_26 : memref<10000x128xf32, #tpu.memory_space<hbm>>) dst(%arg9 : memref<125x128xf32, #tpu.memory_space<vmem>>)
      "tpu.region"() ({
        %run_scoped3A = tpu.sem_alloc : memref<!tpu.dma_semaphore, #tpu.memory_space<semaphore_mem>>
        %dma_start3A_27 = arith.constant 0 : i32
        %dma_start3A_28 = tpu.memref_slice %arg8[%add3A_16, %dma_start3A_27] : memref<80x125xi32, #tpu.memory_space<vmem>> -> memref<1x125xi32, #tpu.memory_space<vmem>>
        %dma_start3A_29 = tpu.memref_squeeze %dma_start3A_28 : memref<1x125xi32, #tpu.memory_space<vmem>> -> memref<125xi32, #tpu.memory_space<vmem>>
        %dma_start3A_30 = arith.constant 0 : i32
        %dma_start3A_31 = arith.constant 0 : i32
        %dma_start3A_32 = tpu.memref_slice %arg10[%dma_start3A_30, %dma_start3A_31] : memref<10240x128xf32, #tpu.memory_space<vmem_shared>> -> memref<10240x128xf32, #tpu.memory_space<vmem_shared>>
        tpu.enqueue_indirect_dma source(%arg9 : memref<125x128xf32, #tpu.memory_space<vmem>>) target(%dma_start3A_32 : memref<10240x128xf32, #tpu.memory_space<vmem_shared>>) offsets(%dma_start3A_29 : memref<125xi32, #tpu.memory_space<vmem>>) semaphore(%run_scoped3A : memref<!tpu.dma_semaphore, #tpu.memory_space<semaphore_mem>>) {add = true}
        %dma_wait3A_33 = arith.constant 0 : i32
        %dma_wait3A_34 = tpu.memref_slice %arg8[%add3A_16, %dma_wait3A_33] : memref<80x125xi32, #tpu.memory_space<vmem>> -> memref<1x125xi32, #tpu.memory_space<vmem>>
        %dma_wait3A_35 = tpu.memref_squeeze %dma_wait3A_34 : memref<1x125xi32, #tpu.memory_space<vmem>> -> memref<125xi32, #tpu.memory_space<vmem>>
        %dma_wait3A_36 = arith.constant 0 : i32
        %dma_wait3A_37 = arith.constant 0 : i32
        %dma_wait3A_38 = tpu.memref_slice %arg10[%dma_wait3A_36, %dma_wait3A_37] : memref<10240x128xf32, #tpu.memory_space<vmem_shared>> -> memref<10240x128xf32, #tpu.memory_space<vmem_shared>>
        tpu.wait_indirect_dma semaphore(%run_scoped3A : memref<!tpu.dma_semaphore, #tpu.memory_space<semaphore_mem>>) src(%arg9 : memref<125x128xf32, #tpu.memory_space<vmem>>) dst(%dma_wait3A_38 : memref<10240x128xf32, #tpu.memory_space<vmem_shared>>)
        tpu.yield
      }) : () -> ()
    }
    %scan3A_6 = arith.constant 80 : i32
    %barrier3A_7 = arith.constant 0 : index
    tpu.barrier barrier_id(%barrier3A_7)
    %mul3A_8 = arith.constant 640 : i32
    %mul3A_9 = arith.muli %arg1, %mul3A_8 : i32
    %mul3A_10 = arith.constant 640 : i32
    %mul3A_11 = arith.muli %arg1, %mul3A_10 : i32
    "tpu.region"() ({
      %run_scoped3A = tpu.sem_alloc : memref<!tpu.dma_semaphore, #tpu.memory_space<semaphore_mem>>
      %dma_start3A = arith.constant 0 : i32
      %dma_start3A_12 = tpu.memref_slice %arg6[%arg0, %mul3A_11, %dma_start3A] : memref<2x10240x128xf32, #tpu.memory_space<hbm>> -> memref<1x640x128xf32, #tpu.memory_space<hbm>>
      %dma_start3A_13 = tpu.memref_squeeze %dma_start3A_12 : memref<1x640x128xf32, #tpu.memory_space<hbm>> -> memref<640x128xf32, #tpu.memory_space<hbm>>
      %dma_start3A_14 = arith.constant 0 : i32
      %dma_start3A_15 = tpu.memref_slice %arg10[%mul3A_9, %dma_start3A_14] : memref<10240x128xf32, #tpu.memory_space<vmem_shared>> -> memref<640x128xf32, #tpu.memory_space<vmem_shared>>
      tpu.enqueue_dma source(%dma_start3A_15 : memref<640x128xf32, #tpu.memory_space<vmem_shared>>) target(%dma_start3A_13 : memref<640x128xf32, #tpu.memory_space<hbm>>) target_semaphore(%run_scoped3A : memref<!tpu.dma_semaphore, #tpu.memory_space<semaphore_mem>>)
      %dma_wait3A = arith.constant 0 : i32
      %dma_wait3A_16 = tpu.memref_slice %arg6[%arg0, %mul3A_11, %dma_wait3A] : memref<2x10240x128xf32, #tpu.memory_space<hbm>> -> memref<1x640x128xf32, #tpu.memory_space<hbm>>
      %dma_wait3A_17 = tpu.memref_squeeze %dma_wait3A_16 : memref<1x640x128xf32, #tpu.memory_space<hbm>> -> memref<640x128xf32, #tpu.memory_space<hbm>>
      %dma_wait3A_18 = arith.constant 0 : i32
      %dma_wait3A_19 = tpu.memref_slice %arg10[%mul3A_9, %dma_wait3A_18] : memref<10240x128xf32, #tpu.memory_space<vmem_shared>> -> memref<640x128xf32, #tpu.memory_space<vmem_shared>>
      tpu.wait_dma2 semaphore(%run_scoped3A : memref<!tpu.dma_semaphore, #tpu.memory_space<semaphore_mem>>) src(%dma_wait3A_19 : memref<640x128xf32, #tpu.memory_space<vmem_shared>>) dst(%dma_wait3A_17 : memref<640x128xf32, #tpu.memory_space<hbm>>)
      tpu.yield
    }) : () -> ()
    return
  }
}

#map = affine_map<(d0, d1) -> (0, 0)>
#map1 = affine_map<(d0, d1) -> (0, 0, 0)>
module attributes {stable_mosaic.version = 14 : i64} {
  func.func @body(%arg0: i32, %arg1: i32, %arg2: memref<320000x128xf32, #tpu.memory_space<hbm>>, %arg3: memref<32x125x80xi32, #tpu.memory_space<hbm>>, %arg4: memref<640x128xf32, #tpu.memory_space<hbm>>, %arg5: memref<320000x128xf32, #tpu.memory_space<hbm>>, %arg6: memref<2x10240x128xf32, #tpu.memory_space<hbm>>, %arg7: memref<125x80xi32, #tpu.memory_space<vmem>>, %arg8: memref<80x128xf32, #tpu.memory_space<vmem>>, %arg9: memref<10240x128xf32, #tpu.memory_space<vmem_shared>>) attributes {dimension_semantics = [#tpu.dimension_semantics<core_parallel>, #tpu.dimension_semantics<subcore_parallel>], iteration_bounds = array<i64: 2, 16>, scalar_prefetch = 0 : i64, scratch_operands = 3 : i64, tpu.core_type = #tpu.core_type<sc_vector_subcore>, window_params = [{transform_indices = #map}, {transform_indices = #map1}, {transform_indices = #map}, {transform_indices = #map}, {transform_indices = #map1}]} {
    %mul3A = arith.constant 16 : i32
    %mul3A_0 = arith.muli %arg0, %mul3A : i32
    %add3A = arith.addi %mul3A_0, %arg1 : i32
    %mul3A_1 = arith.constant 640 : i32
    %mul3A_2 = arith.muli %arg1, %mul3A_1 : i32
    "tpu.region"() ({
      %run_scoped3A = tpu.sem_alloc : memref<!tpu.dma_semaphore, #tpu.memory_space<semaphore_mem>>
      %dma_start3A = arith.constant 0 : i32
      %dma_start3A_12 = tpu.memref_slice %arg9[%mul3A_2, %dma_start3A] : memref<10240x128xf32, #tpu.memory_space<vmem_shared>> -> memref<640x128xf32, #tpu.memory_space<vmem_shared>>
      tpu.enqueue_dma source(%arg4 : memref<640x128xf32, #tpu.memory_space<hbm>>) target(%dma_start3A_12 : memref<640x128xf32, #tpu.memory_space<vmem_shared>>) target_semaphore(%run_scoped3A : memref<!tpu.dma_semaphore, #tpu.memory_space<semaphore_mem>>)
      %dma_wait3A = arith.constant 0 : i32
      %dma_wait3A_13 = tpu.memref_slice %arg9[%mul3A_2, %dma_wait3A] : memref<10240x128xf32, #tpu.memory_space<vmem_shared>> -> memref<640x128xf32, #tpu.memory_space<vmem_shared>>
      tpu.wait_dma2 semaphore(%run_scoped3A : memref<!tpu.dma_semaphore, #tpu.memory_space<semaphore_mem>>) src(%arg4 : memref<640x128xf32, #tpu.memory_space<hbm>>) dst(%dma_wait3A_13 : memref<640x128xf32, #tpu.memory_space<vmem_shared>>)
      tpu.yield
    }) : () -> ()
    "tpu.region"() ({
      %run_scoped3A = tpu.sem_alloc : memref<!tpu.dma_semaphore, #tpu.memory_space<semaphore_mem>>
      %dma_start3A = arith.constant 0 : i32
      %dma_start3A_12 = arith.constant 0 : i32
      %dma_start3A_13 = tpu.memref_slice %arg3[%add3A, %dma_start3A, %dma_start3A_12] : memref<32x125x80xi32, #tpu.memory_space<hbm>> -> memref<1x125x80xi32, #tpu.memory_space<hbm>>
      %dma_start3A_14 = tpu.memref_squeeze %dma_start3A_13 : memref<1x125x80xi32, #tpu.memory_space<hbm>> -> memref<125x80xi32, #tpu.memory_space<hbm>>
      %dma_start3A_15 = arith.constant 0 : i32
      %dma_start3A_16 = arith.constant 0 : i32
      %dma_start3A_17 = tpu.memref_slice %arg3[%add3A, %dma_start3A_15, %dma_start3A_16] : memref<32x125x80xi32, #tpu.memory_space<hbm>> -> memref<1x125x80xi32, #tpu.memory_space<hbm>>
      %dma_start3A_18 = tpu.memref_squeeze %dma_start3A_17 : memref<1x125x80xi32, #tpu.memory_space<hbm>> -> memref<125x80xi32, #tpu.memory_space<hbm>>
      tpu.enqueue_dma source(%dma_start3A_18 : memref<125x80xi32, #tpu.memory_space<hbm>>) target(%arg7 : memref<125x80xi32, #tpu.memory_space<vmem>>) target_semaphore(%run_scoped3A : memref<!tpu.dma_semaphore, #tpu.memory_space<semaphore_mem>>)
      %dma_wait3A = arith.constant 0 : i32
      %dma_wait3A_19 = arith.constant 0 : i32
      %dma_wait3A_20 = tpu.memref_slice %arg3[%add3A, %dma_wait3A, %dma_wait3A_19] : memref<32x125x80xi32, #tpu.memory_space<hbm>> -> memref<1x125x80xi32, #tpu.memory_space<hbm>>
      %dma_wait3A_21 = tpu.memref_squeeze %dma_wait3A_20 : memref<1x125x80xi32, #tpu.memory_space<hbm>> -> memref<125x80xi32, #tpu.memory_space<hbm>>
      %dma_wait3A_22 = arith.constant 0 : i32
      %dma_wait3A_23 = arith.constant 0 : i32
      %dma_wait3A_24 = tpu.memref_slice %arg3[%add3A, %dma_wait3A_22, %dma_wait3A_23] : memref<32x125x80xi32, #tpu.memory_space<hbm>> -> memref<1x125x80xi32, #tpu.memory_space<hbm>>
      %dma_wait3A_25 = tpu.memref_squeeze %dma_wait3A_24 : memref<1x125x80xi32, #tpu.memory_space<hbm>> -> memref<125x80xi32, #tpu.memory_space<hbm>>
      tpu.wait_dma2 semaphore(%run_scoped3A : memref<!tpu.dma_semaphore, #tpu.memory_space<semaphore_mem>>) src(%dma_wait3A_25 : memref<125x80xi32, #tpu.memory_space<hbm>>) dst(%arg7 : memref<125x80xi32, #tpu.memory_space<vmem>>)
      tpu.yield
    }) : () -> ()
    %barrier3A = arith.constant 0 : index
    tpu.barrier barrier_id(%barrier3A)
    %scan3A = arith.constant 0 : i32
    %scan3A_3 = arith.constant 125 : i32
    %scan3A_4 = arith.addi %scan3A, %scan3A_3 : i32
    %scan3A_5 = arith.constant 1 : i32
    scf.for %scan3A_12 = %scan3A to %scan3A_4 step %scan3A_5  : i32 {
      %mul3A_13 = arith.constant 1 : i32
      %mul3A_14 = arith.muli %scan3A_12, %mul3A_13 : i32
      %add3A_15 = arith.constant 0 : i32
      %add3A_16 = arith.addi %add3A_15, %mul3A_14 : i32
      %mul3A_17 = arith.constant 10000 : i32
      %mul3A_18 = arith.muli %add3A, %mul3A_17 : i32
      %mul3A_19 = arith.constant 80 : i32
      %mul3A_20 = arith.muli %add3A_16, %mul3A_19 : i32
      %add3A_21 = arith.addi %mul3A_18, %mul3A_20 : i32
      "tpu.region"() ({
        %run_scoped3A = tpu.sem_alloc : memref<!tpu.dma_semaphore, #tpu.memory_space<semaphore_mem>>
        %dma_start3A = arith.constant 0 : i32
        %dma_start3A_22 = tpu.memref_slice %arg2[%add3A_21, %dma_start3A] : memref<320000x128xf32, #tpu.memory_space<hbm>> -> memref<80x128xf32, #tpu.memory_space<hbm>>
        %dma_start3A_23 = arith.constant 0 : i32
        %dma_start3A_24 = tpu.memref_slice %arg2[%add3A_21, %dma_start3A_23] : memref<320000x128xf32, #tpu.memory_space<hbm>> -> memref<80x128xf32, #tpu.memory_space<hbm>>
        tpu.enqueue_dma source(%dma_start3A_24 : memref<80x128xf32, #tpu.memory_space<hbm>>) target(%arg8 : memref<80x128xf32, #tpu.memory_space<vmem>>) target_semaphore(%run_scoped3A : memref<!tpu.dma_semaphore, #tpu.memory_space<semaphore_mem>>)
        %dma_wait3A = arith.constant 0 : i32
        %dma_wait3A_25 = tpu.memref_slice %arg2[%add3A_21, %dma_wait3A] : memref<320000x128xf32, #tpu.memory_space<hbm>> -> memref<80x128xf32, #tpu.memory_space<hbm>>
        %dma_wait3A_26 = arith.constant 0 : i32
        %dma_wait3A_27 = tpu.memref_slice %arg2[%add3A_21, %dma_wait3A_26] : memref<320000x128xf32, #tpu.memory_space<hbm>> -> memref<80x128xf32, #tpu.memory_space<hbm>>
        tpu.wait_dma2 semaphore(%run_scoped3A : memref<!tpu.dma_semaphore, #tpu.memory_space<semaphore_mem>>) src(%dma_wait3A_27 : memref<80x128xf32, #tpu.memory_space<hbm>>) dst(%arg8 : memref<80x128xf32, #tpu.memory_space<vmem>>)
        tpu.yield
      }) : () -> ()
      "tpu.region"() ({
        %run_scoped3A = tpu.sem_alloc : memref<!tpu.dma_semaphore, #tpu.memory_space<semaphore_mem>>
        %dma_start3A = arith.constant 0 : i32
        %dma_start3A_22 = tpu.memref_slice %arg7[%add3A_16, %dma_start3A] : memref<125x80xi32, #tpu.memory_space<vmem>> -> memref<1x80xi32, #tpu.memory_space<vmem>>
        %dma_start3A_23 = tpu.memref_squeeze %dma_start3A_22 : memref<1x80xi32, #tpu.memory_space<vmem>> -> memref<80xi32, #tpu.memory_space<vmem>>
        %dma_start3A_24 = arith.constant 0 : i32
        %dma_start3A_25 = arith.constant 0 : i32
        %dma_start3A_26 = tpu.memref_slice %arg9[%dma_start3A_24, %dma_start3A_25] : memref<10240x128xf32, #tpu.memory_space<vmem_shared>> -> memref<10240x128xf32, #tpu.memory_space<vmem_shared>>
        tpu.enqueue_indirect_dma source(%arg8 : memref<80x128xf32, #tpu.memory_space<vmem>>) target(%dma_start3A_26 : memref<10240x128xf32, #tpu.memory_space<vmem_shared>>) offsets(%dma_start3A_23 : memref<80xi32, #tpu.memory_space<vmem>>) semaphore(%run_scoped3A : memref<!tpu.dma_semaphore, #tpu.memory_space<semaphore_mem>>) {add = true}
        %dma_wait3A = arith.constant 0 : i32
        %dma_wait3A_27 = tpu.memref_slice %arg7[%add3A_16, %dma_wait3A] : memref<125x80xi32, #tpu.memory_space<vmem>> -> memref<1x80xi32, #tpu.memory_space<vmem>>
        %dma_wait3A_28 = tpu.memref_squeeze %dma_wait3A_27 : memref<1x80xi32, #tpu.memory_space<vmem>> -> memref<80xi32, #tpu.memory_space<vmem>>
        %dma_wait3A_29 = arith.constant 0 : i32
        %dma_wait3A_30 = arith.constant 0 : i32
        %dma_wait3A_31 = tpu.memref_slice %arg9[%dma_wait3A_29, %dma_wait3A_30] : memref<10240x128xf32, #tpu.memory_space<vmem_shared>> -> memref<10240x128xf32, #tpu.memory_space<vmem_shared>>
        tpu.wait_indirect_dma semaphore(%run_scoped3A : memref<!tpu.dma_semaphore, #tpu.memory_space<semaphore_mem>>) src(%arg8 : memref<80x128xf32, #tpu.memory_space<vmem>>) dst(%dma_wait3A_31 : memref<10240x128xf32, #tpu.memory_space<vmem_shared>>)
        tpu.yield
      }) : () -> ()
    }
    %scan3A_6 = arith.constant 125 : i32
    %barrier3A_7 = arith.constant 0 : index
    tpu.barrier barrier_id(%barrier3A_7)
    %mul3A_8 = arith.constant 640 : i32
    %mul3A_9 = arith.muli %arg1, %mul3A_8 : i32
    %mul3A_10 = arith.constant 640 : i32
    %mul3A_11 = arith.muli %arg1, %mul3A_10 : i32
    "tpu.region"() ({
      %run_scoped3A = tpu.sem_alloc : memref<!tpu.dma_semaphore, #tpu.memory_space<semaphore_mem>>
      %dma_start3A = arith.constant 0 : i32
      %dma_start3A_12 = tpu.memref_slice %arg6[%arg0, %mul3A_11, %dma_start3A] : memref<2x10240x128xf32, #tpu.memory_space<hbm>> -> memref<1x640x128xf32, #tpu.memory_space<hbm>>
      %dma_start3A_13 = tpu.memref_squeeze %dma_start3A_12 : memref<1x640x128xf32, #tpu.memory_space<hbm>> -> memref<640x128xf32, #tpu.memory_space<hbm>>
      %dma_start3A_14 = arith.constant 0 : i32
      %dma_start3A_15 = tpu.memref_slice %arg9[%mul3A_9, %dma_start3A_14] : memref<10240x128xf32, #tpu.memory_space<vmem_shared>> -> memref<640x128xf32, #tpu.memory_space<vmem_shared>>
      tpu.enqueue_dma source(%dma_start3A_15 : memref<640x128xf32, #tpu.memory_space<vmem_shared>>) target(%dma_start3A_13 : memref<640x128xf32, #tpu.memory_space<hbm>>) target_semaphore(%run_scoped3A : memref<!tpu.dma_semaphore, #tpu.memory_space<semaphore_mem>>)
      %dma_wait3A = arith.constant 0 : i32
      %dma_wait3A_16 = tpu.memref_slice %arg6[%arg0, %mul3A_11, %dma_wait3A] : memref<2x10240x128xf32, #tpu.memory_space<hbm>> -> memref<1x640x128xf32, #tpu.memory_space<hbm>>
      %dma_wait3A_17 = tpu.memref_squeeze %dma_wait3A_16 : memref<1x640x128xf32, #tpu.memory_space<hbm>> -> memref<640x128xf32, #tpu.memory_space<hbm>>
      %dma_wait3A_18 = arith.constant 0 : i32
      %dma_wait3A_19 = tpu.memref_slice %arg9[%mul3A_9, %dma_wait3A_18] : memref<10240x128xf32, #tpu.memory_space<vmem_shared>> -> memref<640x128xf32, #tpu.memory_space<vmem_shared>>
      tpu.wait_dma2 semaphore(%run_scoped3A : memref<!tpu.dma_semaphore, #tpu.memory_space<semaphore_mem>>) src(%dma_wait3A_19 : memref<640x128xf32, #tpu.memory_space<vmem_shared>>) dst(%dma_wait3A_17 : memref<640x128xf32, #tpu.memory_space<hbm>>)
      tpu.yield
    }) : () -> ()
    return
  }
}

#map = affine_map<(d0, d1) -> (0, 0)>
#map1 = affine_map<(d0, d1) -> (0, 0, 0)>
module attributes {stable_mosaic.version = 14 : i64} {
  func.func @body(%arg0: i32, %arg1: i32, %arg2: memref<320000x128xf32, #tpu.memory_space<hbm>>, %arg3: memref<32x125x80xi32, #tpu.memory_space<hbm>>, %arg4: memref<640x128xf32, #tpu.memory_space<hbm>>, %arg5: memref<2x10240x128xf32, #tpu.memory_space<hbm>>, %arg6: memref<2x10240x128xf32, #tpu.memory_space<hbm>>, %arg7: memref<125x80xi32, #tpu.memory_space<vmem>>, %arg8: memref<80x128xf32, #tpu.memory_space<vmem>>, %arg9: memref<10240x128xf32, #tpu.memory_space<vmem_shared>>) attributes {dimension_semantics = [#tpu.dimension_semantics<core_parallel>, #tpu.dimension_semantics<subcore_parallel>], iteration_bounds = array<i64: 2, 16>, scalar_prefetch = 0 : i64, scratch_operands = 3 : i64, tpu.core_type = #tpu.core_type<sc_vector_subcore>, window_params = [{transform_indices = #map}, {transform_indices = #map1}, {transform_indices = #map}, {transform_indices = #map1}, {transform_indices = #map1}]} {
    %mul3A = arith.constant 16 : i32
    %mul3A_0 = arith.muli %arg0, %mul3A : i32
    %add3A = arith.addi %mul3A_0, %arg1 : i32
    %mul3A_1 = arith.constant 640 : i32
    %mul3A_2 = arith.muli %arg1, %mul3A_1 : i32
    "tpu.region"() ({
      %run_scoped3A = tpu.sem_alloc : memref<!tpu.dma_semaphore, #tpu.memory_space<semaphore_mem>>
      %dma_start3A = arith.constant 0 : i32
      %dma_start3A_12 = tpu.memref_slice %arg9[%mul3A_2, %dma_start3A] : memref<10240x128xf32, #tpu.memory_space<vmem_shared>> -> memref<640x128xf32, #tpu.memory_space<vmem_shared>>
      tpu.enqueue_dma source(%arg4 : memref<640x128xf32, #tpu.memory_space<hbm>>) target(%dma_start3A_12 : memref<640x128xf32, #tpu.memory_space<vmem_shared>>) target_semaphore(%run_scoped3A : memref<!tpu.dma_semaphore, #tpu.memory_space<semaphore_mem>>)
      %dma_wait3A = arith.constant 0 : i32
      %dma_wait3A_13 = tpu.memref_slice %arg9[%mul3A_2, %dma_wait3A] : memref<10240x128xf32, #tpu.memory_space<vmem_shared>> -> memref<640x128xf32, #tpu.memory_space<vmem_shared>>
      tpu.wait_dma2 semaphore(%run_scoped3A : memref<!tpu.dma_semaphore, #tpu.memory_space<semaphore_mem>>) src(%arg4 : memref<640x128xf32, #tpu.memory_space<hbm>>) dst(%dma_wait3A_13 : memref<640x128xf32, #tpu.memory_space<vmem_shared>>)
      tpu.yield
    }) : () -> ()
    "tpu.region"() ({
      %run_scoped3A = tpu.sem_alloc : memref<!tpu.dma_semaphore, #tpu.memory_space<semaphore_mem>>
      %dma_start3A = arith.constant 0 : i32
      %dma_start3A_12 = arith.constant 0 : i32
      %dma_start3A_13 = tpu.memref_slice %arg3[%add3A, %dma_start3A, %dma_start3A_12] : memref<32x125x80xi32, #tpu.memory_space<hbm>> -> memref<1x125x80xi32, #tpu.memory_space<hbm>>
      %dma_start3A_14 = tpu.memref_squeeze %dma_start3A_13 : memref<1x125x80xi32, #tpu.memory_space<hbm>> -> memref<125x80xi32, #tpu.memory_space<hbm>>
      %dma_start3A_15 = arith.constant 0 : i32
      %dma_start3A_16 = arith.constant 0 : i32
      %dma_start3A_17 = tpu.memref_slice %arg3[%add3A, %dma_start3A_15, %dma_start3A_16] : memref<32x125x80xi32, #tpu.memory_space<hbm>> -> memref<1x125x80xi32, #tpu.memory_space<hbm>>
      %dma_start3A_18 = tpu.memref_squeeze %dma_start3A_17 : memref<1x125x80xi32, #tpu.memory_space<hbm>> -> memref<125x80xi32, #tpu.memory_space<hbm>>
      tpu.enqueue_dma source(%dma_start3A_18 : memref<125x80xi32, #tpu.memory_space<hbm>>) target(%arg7 : memref<125x80xi32, #tpu.memory_space<vmem>>) target_semaphore(%run_scoped3A : memref<!tpu.dma_semaphore, #tpu.memory_space<semaphore_mem>>)
      %dma_wait3A = arith.constant 0 : i32
      %dma_wait3A_19 = arith.constant 0 : i32
      %dma_wait3A_20 = tpu.memref_slice %arg3[%add3A, %dma_wait3A, %dma_wait3A_19] : memref<32x125x80xi32, #tpu.memory_space<hbm>> -> memref<1x125x80xi32, #tpu.memory_space<hbm>>
      %dma_wait3A_21 = tpu.memref_squeeze %dma_wait3A_20 : memref<1x125x80xi32, #tpu.memory_space<hbm>> -> memref<125x80xi32, #tpu.memory_space<hbm>>
      %dma_wait3A_22 = arith.constant 0 : i32
      %dma_wait3A_23 = arith.constant 0 : i32
      %dma_wait3A_24 = tpu.memref_slice %arg3[%add3A, %dma_wait3A_22, %dma_wait3A_23] : memref<32x125x80xi32, #tpu.memory_space<hbm>> -> memref<1x125x80xi32, #tpu.memory_space<hbm>>
      %dma_wait3A_25 = tpu.memref_squeeze %dma_wait3A_24 : memref<1x125x80xi32, #tpu.memory_space<hbm>> -> memref<125x80xi32, #tpu.memory_space<hbm>>
      tpu.wait_dma2 semaphore(%run_scoped3A : memref<!tpu.dma_semaphore, #tpu.memory_space<semaphore_mem>>) src(%dma_wait3A_25 : memref<125x80xi32, #tpu.memory_space<hbm>>) dst(%arg7 : memref<125x80xi32, #tpu.memory_space<vmem>>)
      tpu.yield
    }) : () -> ()
    %barrier3A = arith.constant 0 : index
    tpu.barrier barrier_id(%barrier3A)
    %scan3A = arith.constant 0 : i32
    %scan3A_3 = arith.constant 125 : i32
    %scan3A_4 = arith.addi %scan3A, %scan3A_3 : i32
    %scan3A_5 = arith.constant 1 : i32
    scf.for %scan3A_12 = %scan3A to %scan3A_4 step %scan3A_5  : i32 {
      %mul3A_13 = arith.constant 1 : i32
      %mul3A_14 = arith.muli %scan3A_12, %mul3A_13 : i32
      %add3A_15 = arith.constant 0 : i32
      %add3A_16 = arith.addi %add3A_15, %mul3A_14 : i32
      %mul3A_17 = arith.constant 10000 : i32
      %mul3A_18 = arith.muli %add3A, %mul3A_17 : i32
      %mul3A_19 = arith.constant 80 : i32
      %mul3A_20 = arith.muli %add3A_16, %mul3A_19 : i32
      %add3A_21 = arith.addi %mul3A_18, %mul3A_20 : i32
      "tpu.region"() ({
        %run_scoped3A = tpu.sem_alloc : memref<!tpu.dma_semaphore, #tpu.memory_space<semaphore_mem>>
        %dma_start3A = arith.constant 0 : i32
        %dma_start3A_22 = tpu.memref_slice %arg2[%add3A_21, %dma_start3A] : memref<320000x128xf32, #tpu.memory_space<hbm>> -> memref<80x128xf32, #tpu.memory_space<hbm>>
        %dma_start3A_23 = arith.constant 0 : i32
        %dma_start3A_24 = tpu.memref_slice %arg2[%add3A_21, %dma_start3A_23] : memref<320000x128xf32, #tpu.memory_space<hbm>> -> memref<80x128xf32, #tpu.memory_space<hbm>>
        tpu.enqueue_dma source(%dma_start3A_24 : memref<80x128xf32, #tpu.memory_space<hbm>>) target(%arg8 : memref<80x128xf32, #tpu.memory_space<vmem>>) target_semaphore(%run_scoped3A : memref<!tpu.dma_semaphore, #tpu.memory_space<semaphore_mem>>)
        %dma_wait3A = arith.constant 0 : i32
        %dma_wait3A_25 = tpu.memref_slice %arg2[%add3A_21, %dma_wait3A] : memref<320000x128xf32, #tpu.memory_space<hbm>> -> memref<80x128xf32, #tpu.memory_space<hbm>>
        %dma_wait3A_26 = arith.constant 0 : i32
        %dma_wait3A_27 = tpu.memref_slice %arg2[%add3A_21, %dma_wait3A_26] : memref<320000x128xf32, #tpu.memory_space<hbm>> -> memref<80x128xf32, #tpu.memory_space<hbm>>
        tpu.wait_dma2 semaphore(%run_scoped3A : memref<!tpu.dma_semaphore, #tpu.memory_space<semaphore_mem>>) src(%dma_wait3A_27 : memref<80x128xf32, #tpu.memory_space<hbm>>) dst(%arg8 : memref<80x128xf32, #tpu.memory_space<vmem>>)
        tpu.yield
      }) : () -> ()
      "tpu.region"() ({
        %run_scoped3A = tpu.sem_alloc : memref<!tpu.dma_semaphore, #tpu.memory_space<semaphore_mem>>
        %dma_start3A = arith.constant 0 : i32
        %dma_start3A_22 = tpu.memref_slice %arg7[%add3A_16, %dma_start3A] : memref<125x80xi32, #tpu.memory_space<vmem>> -> memref<1x80xi32, #tpu.memory_space<vmem>>
        %dma_start3A_23 = tpu.memref_squeeze %dma_start3A_22 : memref<1x80xi32, #tpu.memory_space<vmem>> -> memref<80xi32, #tpu.memory_space<vmem>>
        %dma_start3A_24 = arith.constant 0 : i32
        %dma_start3A_25 = arith.constant 0 : i32
        %dma_start3A_26 = tpu.memref_slice %arg9[%dma_start3A_24, %dma_start3A_25] : memref<10240x128xf32, #tpu.memory_space<vmem_shared>> -> memref<10240x128xf32, #tpu.memory_space<vmem_shared>>
        tpu.enqueue_indirect_dma source(%arg8 : memref<80x128xf32, #tpu.memory_space<vmem>>) target(%dma_start3A_26 : memref<10240x128xf32, #tpu.memory_space<vmem_shared>>) offsets(%dma_start3A_23 : memref<80xi32, #tpu.memory_space<vmem>>) semaphore(%run_scoped3A : memref<!tpu.dma_semaphore, #tpu.memory_space<semaphore_mem>>) {add = true}
        %dma_wait3A = arith.constant 0 : i32
        %dma_wait3A_27 = tpu.memref_slice %arg7[%add3A_16, %dma_wait3A] : memref<125x80xi32, #tpu.memory_space<vmem>> -> memref<1x80xi32, #tpu.memory_space<vmem>>
        %dma_wait3A_28 = tpu.memref_squeeze %dma_wait3A_27 : memref<1x80xi32, #tpu.memory_space<vmem>> -> memref<80xi32, #tpu.memory_space<vmem>>
        %dma_wait3A_29 = arith.constant 0 : i32
        %dma_wait3A_30 = arith.constant 0 : i32
        %dma_wait3A_31 = tpu.memref_slice %arg9[%dma_wait3A_29, %dma_wait3A_30] : memref<10240x128xf32, #tpu.memory_space<vmem_shared>> -> memref<10240x128xf32, #tpu.memory_space<vmem_shared>>
        tpu.wait_indirect_dma semaphore(%run_scoped3A : memref<!tpu.dma_semaphore, #tpu.memory_space<semaphore_mem>>) src(%arg8 : memref<80x128xf32, #tpu.memory_space<vmem>>) dst(%dma_wait3A_31 : memref<10240x128xf32, #tpu.memory_space<vmem_shared>>)
        tpu.yield
      }) : () -> ()
    }
    %scan3A_6 = arith.constant 125 : i32
    %barrier3A_7 = arith.constant 0 : index
    tpu.barrier barrier_id(%barrier3A_7)
    %mul3A_8 = arith.constant 640 : i32
    %mul3A_9 = arith.muli %arg1, %mul3A_8 : i32
    %mul3A_10 = arith.constant 640 : i32
    %mul3A_11 = arith.muli %arg1, %mul3A_10 : i32
    "tpu.region"() ({
      %run_scoped3A = tpu.sem_alloc : memref<!tpu.dma_semaphore, #tpu.memory_space<semaphore_mem>>
      %dma_start3A = arith.constant 0 : i32
      %dma_start3A_12 = tpu.memref_slice %arg6[%arg0, %mul3A_11, %dma_start3A] : memref<2x10240x128xf32, #tpu.memory_space<hbm>> -> memref<1x640x128xf32, #tpu.memory_space<hbm>>
      %dma_start3A_13 = tpu.memref_squeeze %dma_start3A_12 : memref<1x640x128xf32, #tpu.memory_space<hbm>> -> memref<640x128xf32, #tpu.memory_space<hbm>>
      %dma_start3A_14 = arith.constant 0 : i32
      %dma_start3A_15 = tpu.memref_slice %arg9[%mul3A_9, %dma_start3A_14] : memref<10240x128xf32, #tpu.memory_space<vmem_shared>> -> memref<640x128xf32, #tpu.memory_space<vmem_shared>>
      tpu.enqueue_dma source(%dma_start3A_15 : memref<640x128xf32, #tpu.memory_space<vmem_shared>>) target(%dma_start3A_13 : memref<640x128xf32, #tpu.memory_space<hbm>>) target_semaphore(%run_scoped3A : memref<!tpu.dma_semaphore, #tpu.memory_space<semaphore_mem>>)
      %dma_wait3A = arith.constant 0 : i32
      %dma_wait3A_16 = tpu.memref_slice %arg6[%arg0, %mul3A_11, %dma_wait3A] : memref<2x10240x128xf32, #tpu.memory_space<hbm>> -> memref<1x640x128xf32, #tpu.memory_space<hbm>>
      %dma_wait3A_17 = tpu.memref_squeeze %dma_wait3A_16 : memref<1x640x128xf32, #tpu.memory_space<hbm>> -> memref<640x128xf32, #tpu.memory_space<hbm>>
      %dma_wait3A_18 = arith.constant 0 : i32
      %dma_wait3A_19 = tpu.memref_slice %arg9[%mul3A_9, %dma_wait3A_18] : memref<10240x128xf32, #tpu.memory_space<vmem_shared>> -> memref<640x128xf32, #tpu.memory_space<vmem_shared>>
      tpu.wait_dma2 semaphore(%run_scoped3A : memref<!tpu.dma_semaphore, #tpu.memory_space<semaphore_mem>>) src(%dma_wait3A_19 : memref<640x128xf32, #tpu.memory_space<vmem_shared>>) dst(%dma_wait3A_17 : memref<640x128xf32, #tpu.memory_space<hbm>>)
      tpu.yield
    }) : () -> ()
    return
  }
}

#map = affine_map<(d0, d1) -> (0, 0)>
#map1 = affine_map<(d0, d1) -> (0, 0, 0)>
module attributes {stable_mosaic.version = 14 : i64} {
  func.func @body(%arg0: i32, %arg1: i32, %arg2: memref<320000x128xf32, #tpu.memory_space<hbm>>, %arg3: memref<32x125x80xi32, #tpu.memory_space<hbm>>, %arg4: memref<640x128xf32, #tpu.memory_space<hbm>>, %arg5: memref<2x10240x128xf32, #tpu.memory_space<hbm>>, %arg6: memref<2x10240x128xf32, #tpu.memory_space<hbm>>, %arg7: memref<125x80xi32, #tpu.memory_space<vmem>>, %arg8: memref<80x128xf32, #tpu.memory_space<vmem>>, %arg9: memref<10240x128xf32, #tpu.memory_space<vmem_shared>>) attributes {dimension_semantics = [#tpu.dimension_semantics<core_parallel>, #tpu.dimension_semantics<subcore_parallel>], iteration_bounds = array<i64: 2, 16>, scalar_prefetch = 0 : i64, scratch_operands = 3 : i64, tpu.core_type = #tpu.core_type<sc_vector_subcore>, window_params = [{transform_indices = #map}, {transform_indices = #map1}, {transform_indices = #map}, {transform_indices = #map1}, {transform_indices = #map1}]} {
    %mul3A = arith.constant 16 : i32
    %mul3A_0 = arith.muli %arg0, %mul3A : i32
    %add3A = arith.addi %mul3A_0, %arg1 : i32
    %mul3A_1 = arith.constant 640 : i32
    %mul3A_2 = arith.muli %arg1, %mul3A_1 : i32
    "tpu.region"() ({
      %run_scoped3A = tpu.sem_alloc : memref<!tpu.dma_semaphore, #tpu.memory_space<semaphore_mem>>
      %dma_start3A = arith.constant 0 : i32
      %dma_start3A_12 = tpu.memref_slice %arg9[%mul3A_2, %dma_start3A] : memref<10240x128xf32, #tpu.memory_space<vmem_shared>> -> memref<640x128xf32, #tpu.memory_space<vmem_shared>>
      tpu.enqueue_dma source(%arg4 : memref<640x128xf32, #tpu.memory_space<hbm>>) target(%dma_start3A_12 : memref<640x128xf32, #tpu.memory_space<vmem_shared>>) target_semaphore(%run_scoped3A : memref<!tpu.dma_semaphore, #tpu.memory_space<semaphore_mem>>)
      %dma_wait3A = arith.constant 0 : i32
      %dma_wait3A_13 = tpu.memref_slice %arg9[%mul3A_2, %dma_wait3A] : memref<10240x128xf32, #tpu.memory_space<vmem_shared>> -> memref<640x128xf32, #tpu.memory_space<vmem_shared>>
      tpu.wait_dma2 semaphore(%run_scoped3A : memref<!tpu.dma_semaphore, #tpu.memory_space<semaphore_mem>>) src(%arg4 : memref<640x128xf32, #tpu.memory_space<hbm>>) dst(%dma_wait3A_13 : memref<640x128xf32, #tpu.memory_space<vmem_shared>>)
      tpu.yield
    }) : () -> ()
    "tpu.region"() ({
      %run_scoped3A = tpu.sem_alloc : memref<!tpu.dma_semaphore, #tpu.memory_space<semaphore_mem>>
      %dma_start3A = arith.constant 0 : i32
      %dma_start3A_12 = arith.constant 0 : i32
      %dma_start3A_13 = tpu.memref_slice %arg3[%add3A, %dma_start3A, %dma_start3A_12] : memref<32x125x80xi32, #tpu.memory_space<hbm>> -> memref<1x125x80xi32, #tpu.memory_space<hbm>>
      %dma_start3A_14 = tpu.memref_squeeze %dma_start3A_13 : memref<1x125x80xi32, #tpu.memory_space<hbm>> -> memref<125x80xi32, #tpu.memory_space<hbm>>
      %dma_start3A_15 = arith.constant 0 : i32
      %dma_start3A_16 = arith.constant 0 : i32
      %dma_start3A_17 = tpu.memref_slice %arg3[%add3A, %dma_start3A_15, %dma_start3A_16] : memref<32x125x80xi32, #tpu.memory_space<hbm>> -> memref<1x125x80xi32, #tpu.memory_space<hbm>>
      %dma_start3A_18 = tpu.memref_squeeze %dma_start3A_17 : memref<1x125x80xi32, #tpu.memory_space<hbm>> -> memref<125x80xi32, #tpu.memory_space<hbm>>
      tpu.enqueue_dma source(%dma_start3A_18 : memref<125x80xi32, #tpu.memory_space<hbm>>) target(%arg7 : memref<125x80xi32, #tpu.memory_space<vmem>>) target_semaphore(%run_scoped3A : memref<!tpu.dma_semaphore, #tpu.memory_space<semaphore_mem>>)
      %dma_wait3A = arith.constant 0 : i32
      %dma_wait3A_19 = arith.constant 0 : i32
      %dma_wait3A_20 = tpu.memref_slice %arg3[%add3A, %dma_wait3A, %dma_wait3A_19] : memref<32x125x80xi32, #tpu.memory_space<hbm>> -> memref<1x125x80xi32, #tpu.memory_space<hbm>>
      %dma_wait3A_21 = tpu.memref_squeeze %dma_wait3A_20 : memref<1x125x80xi32, #tpu.memory_space<hbm>> -> memref<125x80xi32, #tpu.memory_space<hbm>>
      %dma_wait3A_22 = arith.constant 0 : i32
      %dma_wait3A_23 = arith.constant 0 : i32
      %dma_wait3A_24 = tpu.memref_slice %arg3[%add3A, %dma_wait3A_22, %dma_wait3A_23] : memref<32x125x80xi32, #tpu.memory_space<hbm>> -> memref<1x125x80xi32, #tpu.memory_space<hbm>>
      %dma_wait3A_25 = tpu.memref_squeeze %dma_wait3A_24 : memref<1x125x80xi32, #tpu.memory_space<hbm>> -> memref<125x80xi32, #tpu.memory_space<hbm>>
      tpu.wait_dma2 semaphore(%run_scoped3A : memref<!tpu.dma_semaphore, #tpu.memory_space<semaphore_mem>>) src(%dma_wait3A_25 : memref<125x80xi32, #tpu.memory_space<hbm>>) dst(%arg7 : memref<125x80xi32, #tpu.memory_space<vmem>>)
      tpu.yield
    }) : () -> ()
    %barrier3A = arith.constant 0 : index
    tpu.barrier barrier_id(%barrier3A)
    %scan3A = arith.constant 0 : i32
    %scan3A_3 = arith.constant 125 : i32
    %scan3A_4 = arith.addi %scan3A, %scan3A_3 : i32
    %scan3A_5 = arith.constant 1 : i32
    scf.for %scan3A_12 = %scan3A to %scan3A_4 step %scan3A_5  : i32 {
      %mul3A_13 = arith.constant 1 : i32
      %mul3A_14 = arith.muli %scan3A_12, %mul3A_13 : i32
      %add3A_15 = arith.constant 0 : i32
      %add3A_16 = arith.addi %add3A_15, %mul3A_14 : i32
      %mul3A_17 = arith.constant 10000 : i32
      %mul3A_18 = arith.muli %add3A, %mul3A_17 : i32
      %mul3A_19 = arith.constant 80 : i32
      %mul3A_20 = arith.muli %add3A_16, %mul3A_19 : i32
      %add3A_21 = arith.addi %mul3A_18, %mul3A_20 : i32
      "tpu.region"() ({
        %run_scoped3A = tpu.sem_alloc : memref<!tpu.dma_semaphore, #tpu.memory_space<semaphore_mem>>
        %dma_start3A = arith.constant 0 : i32
        %dma_start3A_22 = tpu.memref_slice %arg2[%add3A_21, %dma_start3A] : memref<320000x128xf32, #tpu.memory_space<hbm>> -> memref<80x128xf32, #tpu.memory_space<hbm>>
        %dma_start3A_23 = arith.constant 0 : i32
        %dma_start3A_24 = tpu.memref_slice %arg2[%add3A_21, %dma_start3A_23] : memref<320000x128xf32, #tpu.memory_space<hbm>> -> memref<80x128xf32, #tpu.memory_space<hbm>>
        tpu.enqueue_dma source(%dma_start3A_24 : memref<80x128xf32, #tpu.memory_space<hbm>>) target(%arg8 : memref<80x128xf32, #tpu.memory_space<vmem>>) target_semaphore(%run_scoped3A : memref<!tpu.dma_semaphore, #tpu.memory_space<semaphore_mem>>)
        %dma_wait3A = arith.constant 0 : i32
        %dma_wait3A_25 = tpu.memref_slice %arg2[%add3A_21, %dma_wait3A] : memref<320000x128xf32, #tpu.memory_space<hbm>> -> memref<80x128xf32, #tpu.memory_space<hbm>>
        %dma_wait3A_26 = arith.constant 0 : i32
        %dma_wait3A_27 = tpu.memref_slice %arg2[%add3A_21, %dma_wait3A_26] : memref<320000x128xf32, #tpu.memory_space<hbm>> -> memref<80x128xf32, #tpu.memory_space<hbm>>
        tpu.wait_dma2 semaphore(%run_scoped3A : memref<!tpu.dma_semaphore, #tpu.memory_space<semaphore_mem>>) src(%dma_wait3A_27 : memref<80x128xf32, #tpu.memory_space<hbm>>) dst(%arg8 : memref<80x128xf32, #tpu.memory_space<vmem>>)
        tpu.yield
      }) : () -> ()
      "tpu.region"() ({
        %run_scoped3A = tpu.sem_alloc : memref<!tpu.dma_semaphore, #tpu.memory_space<semaphore_mem>>
        %dma_start3A = arith.constant 0 : i32
        %dma_start3A_22 = tpu.memref_slice %arg7[%add3A_16, %dma_start3A] : memref<125x80xi32, #tpu.memory_space<vmem>> -> memref<1x80xi32, #tpu.memory_space<vmem>>
        %dma_start3A_23 = tpu.memref_squeeze %dma_start3A_22 : memref<1x80xi32, #tpu.memory_space<vmem>> -> memref<80xi32, #tpu.memory_space<vmem>>
        %dma_start3A_24 = arith.constant 0 : i32
        %dma_start3A_25 = arith.constant 0 : i32
        %dma_start3A_26 = tpu.memref_slice %arg9[%dma_start3A_24, %dma_start3A_25] : memref<10240x128xf32, #tpu.memory_space<vmem_shared>> -> memref<10240x128xf32, #tpu.memory_space<vmem_shared>>
        tpu.enqueue_indirect_dma source(%arg8 : memref<80x128xf32, #tpu.memory_space<vmem>>) target(%dma_start3A_26 : memref<10240x128xf32, #tpu.memory_space<vmem_shared>>) offsets(%dma_start3A_23 : memref<80xi32, #tpu.memory_space<vmem>>) semaphore(%run_scoped3A : memref<!tpu.dma_semaphore, #tpu.memory_space<semaphore_mem>>) {add = true}
        %dma_wait3A = arith.constant 0 : i32
        %dma_wait3A_27 = tpu.memref_slice %arg7[%add3A_16, %dma_wait3A] : memref<125x80xi32, #tpu.memory_space<vmem>> -> memref<1x80xi32, #tpu.memory_space<vmem>>
        %dma_wait3A_28 = tpu.memref_squeeze %dma_wait3A_27 : memref<1x80xi32, #tpu.memory_space<vmem>> -> memref<80xi32, #tpu.memory_space<vmem>>
        %dma_wait3A_29 = arith.constant 0 : i32
        %dma_wait3A_30 = arith.constant 0 : i32
        %dma_wait3A_31 = tpu.memref_slice %arg9[%dma_wait3A_29, %dma_wait3A_30] : memref<10240x128xf32, #tpu.memory_space<vmem_shared>> -> memref<10240x128xf32, #tpu.memory_space<vmem_shared>>
        tpu.wait_indirect_dma semaphore(%run_scoped3A : memref<!tpu.dma_semaphore, #tpu.memory_space<semaphore_mem>>) src(%arg8 : memref<80x128xf32, #tpu.memory_space<vmem>>) dst(%dma_wait3A_31 : memref<10240x128xf32, #tpu.memory_space<vmem_shared>>)
        tpu.yield
      }) : () -> ()
    }
    %scan3A_6 = arith.constant 125 : i32
    %barrier3A_7 = arith.constant 0 : index
    tpu.barrier barrier_id(%barrier3A_7)
    %mul3A_8 = arith.constant 640 : i32
    %mul3A_9 = arith.muli %arg1, %mul3A_8 : i32
    %mul3A_10 = arith.constant 640 : i32
    %mul3A_11 = arith.muli %arg1, %mul3A_10 : i32
    "tpu.region"() ({
      %run_scoped3A = tpu.sem_alloc : memref<!tpu.dma_semaphore, #tpu.memory_space<semaphore_mem>>
      %dma_start3A = arith.constant 0 : i32
      %dma_start3A_12 = tpu.memref_slice %arg6[%arg0, %mul3A_11, %dma_start3A] : memref<2x10240x128xf32, #tpu.memory_space<hbm>> -> memref<1x640x128xf32, #tpu.memory_space<hbm>>
      %dma_start3A_13 = tpu.memref_squeeze %dma_start3A_12 : memref<1x640x128xf32, #tpu.memory_space<hbm>> -> memref<640x128xf32, #tpu.memory_space<hbm>>
      %dma_start3A_14 = arith.constant 0 : i32
      %dma_start3A_15 = tpu.memref_slice %arg9[%mul3A_9, %dma_start3A_14] : memref<10240x128xf32, #tpu.memory_space<vmem_shared>> -> memref<640x128xf32, #tpu.memory_space<vmem_shared>>
      tpu.enqueue_dma source(%dma_start3A_15 : memref<640x128xf32, #tpu.memory_space<vmem_shared>>) target(%dma_start3A_13 : memref<640x128xf32, #tpu.memory_space<hbm>>) target_semaphore(%run_scoped3A : memref<!tpu.dma_semaphore, #tpu.memory_space<semaphore_mem>>)
      %dma_wait3A = arith.constant 0 : i32
      %dma_wait3A_16 = tpu.memref_slice %arg6[%arg0, %mul3A_11, %dma_wait3A] : memref<2x10240x128xf32, #tpu.memory_space<hbm>> -> memref<1x640x128xf32, #tpu.memory_space<hbm>>
      %dma_wait3A_17 = tpu.memref_squeeze %dma_wait3A_16 : memref<1x640x128xf32, #tpu.memory_space<hbm>> -> memref<640x128xf32, #tpu.memory_space<hbm>>
      %dma_wait3A_18 = arith.constant 0 : i32
      %dma_wait3A_19 = tpu.memref_slice %arg9[%mul3A_9, %dma_wait3A_18] : memref<10240x128xf32, #tpu.memory_space<vmem_shared>> -> memref<640x128xf32, #tpu.memory_space<vmem_shared>>
      tpu.wait_dma2 semaphore(%run_scoped3A : memref<!tpu.dma_semaphore, #tpu.memory_space<semaphore_mem>>) src(%dma_wait3A_19 : memref<640x128xf32, #tpu.memory_space<vmem_shared>>) dst(%dma_wait3A_17 : memref<640x128xf32, #tpu.memory_space<hbm>>)
      tpu.yield
    }) : () -> ()
    return
  }
}

#map = affine_map<(d0, d1) -> (0, 0)>
#map1 = affine_map<(d0, d1) -> (0, 0, 0)>
module attributes {stable_mosaic.version = 14 : i64} {
  func.func @_sc_gather_segsum_body(%arg0: i32, %arg1: i32, %arg2: memref<10000x128xf32, #tpu.memory_space<hbm>>, %arg3: memref<32x80x125xi32, #tpu.memory_space<hbm>>, %arg4: memref<32x80x125xi32, #tpu.memory_space<hbm>>, %arg5: memref<640x128xf32, #tpu.memory_space<hbm>>, %arg6: memref<2x10240x128xf32, #tpu.memory_space<hbm>>, %arg7: memref<80x125xi32, #tpu.memory_space<vmem>>, %arg8: memref<80x125xi32, #tpu.memory_space<vmem>>, %arg9: memref<125x128xf32, #tpu.memory_space<vmem>>, %arg10: memref<10240x128xf32, #tpu.memory_space<vmem_shared>>, %arg11: memref<!tpu.dma_semaphore, #tpu.memory_space<semaphore_mem>>) attributes {dimension_semantics = [#tpu.dimension_semantics<core_parallel>, #tpu.dimension_semantics<subcore_parallel>], iteration_bounds = array<i64: 2, 16>, scalar_prefetch = 0 : i64, scratch_operands = 5 : i64, tpu.core_type = #tpu.core_type<sc_vector_subcore>, window_params = [{transform_indices = #map}, {transform_indices = #map1}, {transform_indices = #map1}, {transform_indices = #map}, {transform_indices = #map1}]} {
    %mul3A = arith.constant 16 : i32
    %mul3A_0 = arith.muli %arg0, %mul3A : i32
    %add3A = arith.addi %mul3A_0, %arg1 : i32
    %mul3A_1 = arith.constant 640 : i32
    %mul3A_2 = arith.muli %arg1, %mul3A_1 : i32
    "tpu.region"() ({
      %run_scoped3A = tpu.sem_alloc : memref<!tpu.dma_semaphore, #tpu.memory_space<semaphore_mem>>
      %dma_start3A = arith.constant 0 : i32
      %dma_start3A_12 = tpu.memref_slice %arg10[%mul3A_2, %dma_start3A] : memref<10240x128xf32, #tpu.memory_space<vmem_shared>> -> memref<640x128xf32, #tpu.memory_space<vmem_shared>>
      tpu.enqueue_dma source(%arg5 : memref<640x128xf32, #tpu.memory_space<hbm>>) target(%dma_start3A_12 : memref<640x128xf32, #tpu.memory_space<vmem_shared>>) target_semaphore(%run_scoped3A : memref<!tpu.dma_semaphore, #tpu.memory_space<semaphore_mem>>)
      %dma_wait3A = arith.constant 0 : i32
      %dma_wait3A_13 = tpu.memref_slice %arg10[%mul3A_2, %dma_wait3A] : memref<10240x128xf32, #tpu.memory_space<vmem_shared>> -> memref<640x128xf32, #tpu.memory_space<vmem_shared>>
      tpu.wait_dma2 semaphore(%run_scoped3A : memref<!tpu.dma_semaphore, #tpu.memory_space<semaphore_mem>>) src(%arg5 : memref<640x128xf32, #tpu.memory_space<hbm>>) dst(%dma_wait3A_13 : memref<640x128xf32, #tpu.memory_space<vmem_shared>>)
      tpu.yield
    }) : () -> ()
    "tpu.region"() ({
      %run_scoped3A = tpu.sem_alloc : memref<!tpu.dma_semaphore, #tpu.memory_space<semaphore_mem>>
      %dma_start3A = arith.constant 0 : i32
      %dma_start3A_12 = arith.constant 0 : i32
      %dma_start3A_13 = tpu.memref_slice %arg3[%add3A, %dma_start3A, %dma_start3A_12] : memref<32x80x125xi32, #tpu.memory_space<hbm>> -> memref<1x80x125xi32, #tpu.memory_space<hbm>>
      %dma_start3A_14 = tpu.memref_squeeze %dma_start3A_13 : memref<1x80x125xi32, #tpu.memory_space<hbm>> -> memref<80x125xi32, #tpu.memory_space<hbm>>
      %dma_start3A_15 = arith.constant 0 : i32
      %dma_start3A_16 = arith.constant 0 : i32
      %dma_start3A_17 = tpu.memref_slice %arg3[%add3A, %dma_start3A_15, %dma_start3A_16] : memref<32x80x125xi32, #tpu.memory_space<hbm>> -> memref<1x80x125xi32, #tpu.memory_space<hbm>>
      %dma_start3A_18 = tpu.memref_squeeze %dma_start3A_17 : memref<1x80x125xi32, #tpu.memory_space<hbm>> -> memref<80x125xi32, #tpu.memory_space<hbm>>
      tpu.enqueue_dma source(%dma_start3A_18 : memref<80x125xi32, #tpu.memory_space<hbm>>) target(%arg7 : memref<80x125xi32, #tpu.memory_space<vmem>>) target_semaphore(%run_scoped3A : memref<!tpu.dma_semaphore, #tpu.memory_space<semaphore_mem>>)
      %dma_wait3A = arith.constant 0 : i32
      %dma_wait3A_19 = arith.constant 0 : i32
      %dma_wait3A_20 = tpu.memref_slice %arg3[%add3A, %dma_wait3A, %dma_wait3A_19] : memref<32x80x125xi32, #tpu.memory_space<hbm>> -> memref<1x80x125xi32, #tpu.memory_space<hbm>>
      %dma_wait3A_21 = tpu.memref_squeeze %dma_wait3A_20 : memref<1x80x125xi32, #tpu.memory_space<hbm>> -> memref<80x125xi32, #tpu.memory_space<hbm>>
      %dma_wait3A_22 = arith.constant 0 : i32
      %dma_wait3A_23 = arith.constant 0 : i32
      %dma_wait3A_24 = tpu.memref_slice %arg3[%add3A, %dma_wait3A_22, %dma_wait3A_23] : memref<32x80x125xi32, #tpu.memory_space<hbm>> -> memref<1x80x125xi32, #tpu.memory_space<hbm>>
      %dma_wait3A_25 = tpu.memref_squeeze %dma_wait3A_24 : memref<1x80x125xi32, #tpu.memory_space<hbm>> -> memref<80x125xi32, #tpu.memory_space<hbm>>
      tpu.wait_dma2 semaphore(%run_scoped3A : memref<!tpu.dma_semaphore, #tpu.memory_space<semaphore_mem>>) src(%dma_wait3A_25 : memref<80x125xi32, #tpu.memory_space<hbm>>) dst(%arg7 : memref<80x125xi32, #tpu.memory_space<vmem>>)
      tpu.yield
    }) : () -> ()
    "tpu.region"() ({
      %run_scoped3A = tpu.sem_alloc : memref<!tpu.dma_semaphore, #tpu.memory_space<semaphore_mem>>
      %dma_start3A = arith.constant 0 : i32
      %dma_start3A_12 = arith.constant 0 : i32
      %dma_start3A_13 = tpu.memref_slice %arg4[%add3A, %dma_start3A, %dma_start3A_12] : memref<32x80x125xi32, #tpu.memory_space<hbm>> -> memref<1x80x125xi32, #tpu.memory_space<hbm>>
      %dma_start3A_14 = tpu.memref_squeeze %dma_start3A_13 : memref<1x80x125xi32, #tpu.memory_space<hbm>> -> memref<80x125xi32, #tpu.memory_space<hbm>>
      %dma_start3A_15 = arith.constant 0 : i32
      %dma_start3A_16 = arith.constant 0 : i32
      %dma_start3A_17 = tpu.memref_slice %arg4[%add3A, %dma_start3A_15, %dma_start3A_16] : memref<32x80x125xi32, #tpu.memory_space<hbm>> -> memref<1x80x125xi32, #tpu.memory_space<hbm>>
      %dma_start3A_18 = tpu.memref_squeeze %dma_start3A_17 : memref<1x80x125xi32, #tpu.memory_space<hbm>> -> memref<80x125xi32, #tpu.memory_space<hbm>>
      tpu.enqueue_dma source(%dma_start3A_18 : memref<80x125xi32, #tpu.memory_space<hbm>>) target(%arg8 : memref<80x125xi32, #tpu.memory_space<vmem>>) target_semaphore(%run_scoped3A : memref<!tpu.dma_semaphore, #tpu.memory_space<semaphore_mem>>)
      %dma_wait3A = arith.constant 0 : i32
      %dma_wait3A_19 = arith.constant 0 : i32
      %dma_wait3A_20 = tpu.memref_slice %arg4[%add3A, %dma_wait3A, %dma_wait3A_19] : memref<32x80x125xi32, #tpu.memory_space<hbm>> -> memref<1x80x125xi32, #tpu.memory_space<hbm>>
      %dma_wait3A_21 = tpu.memref_squeeze %dma_wait3A_20 : memref<1x80x125xi32, #tpu.memory_space<hbm>> -> memref<80x125xi32, #tpu.memory_space<hbm>>
      %dma_wait3A_22 = arith.constant 0 : i32
      %dma_wait3A_23 = arith.constant 0 : i32
      %dma_wait3A_24 = tpu.memref_slice %arg4[%add3A, %dma_wait3A_22, %dma_wait3A_23] : memref<32x80x125xi32, #tpu.memory_space<hbm>> -> memref<1x80x125xi32, #tpu.memory_space<hbm>>
      %dma_wait3A_25 = tpu.memref_squeeze %dma_wait3A_24 : memref<1x80x125xi32, #tpu.memory_space<hbm>> -> memref<80x125xi32, #tpu.memory_space<hbm>>
      tpu.wait_dma2 semaphore(%run_scoped3A : memref<!tpu.dma_semaphore, #tpu.memory_space<semaphore_mem>>) src(%dma_wait3A_25 : memref<80x125xi32, #tpu.memory_space<hbm>>) dst(%arg8 : memref<80x125xi32, #tpu.memory_space<vmem>>)
      tpu.yield
    }) : () -> ()
    %barrier3A = arith.constant 0 : index
    tpu.barrier barrier_id(%barrier3A)
    %scan3A = arith.constant 0 : i32
    %scan3A_3 = arith.constant 80 : i32
    %scan3A_4 = arith.addi %scan3A, %scan3A_3 : i32
    %scan3A_5 = arith.constant 1 : i32
    scf.for %scan3A_12 = %scan3A to %scan3A_4 step %scan3A_5  : i32 {
      %mul3A_13 = arith.constant 1 : i32
      %mul3A_14 = arith.muli %scan3A_12, %mul3A_13 : i32
      %add3A_15 = arith.constant 0 : i32
      %add3A_16 = arith.addi %add3A_15, %mul3A_14 : i32
      %dma_start3A = arith.constant 0 : i32
      %dma_start3A_17 = tpu.memref_slice %arg7[%add3A_16, %dma_start3A] : memref<80x125xi32, #tpu.memory_space<vmem>> -> memref<1x125xi32, #tpu.memory_space<vmem>>
      %dma_start3A_18 = tpu.memref_squeeze %dma_start3A_17 : memref<1x125xi32, #tpu.memory_space<vmem>> -> memref<125xi32, #tpu.memory_space<vmem>>
      %dma_start3A_19 = arith.constant 0 : i32
      %dma_start3A_20 = arith.constant 0 : i32
      %dma_start3A_21 = tpu.memref_slice %arg2[%dma_start3A_19, %dma_start3A_20] : memref<10000x128xf32, #tpu.memory_space<hbm>> -> memref<10000x128xf32, #tpu.memory_space<hbm>>
      tpu.enqueue_indirect_dma source(%dma_start3A_21 : memref<10000x128xf32, #tpu.memory_space<hbm>>) target(%arg9 : memref<125x128xf32, #tpu.memory_space<vmem>>) offsets(%dma_start3A_18 : memref<125xi32, #tpu.memory_space<vmem>>) semaphore(%arg11 : memref<!tpu.dma_semaphore, #tpu.memory_space<semaphore_mem>>)
      %dma_wait3A = arith.constant 0 : i32
      %dma_wait3A_22 = tpu.memref_slice %arg7[%add3A_16, %dma_wait3A] : memref<80x125xi32, #tpu.memory_space<vmem>> -> memref<1x125xi32, #tpu.memory_space<vmem>>
      %dma_wait3A_23 = tpu.memref_squeeze %dma_wait3A_22 : memref<1x125xi32, #tpu.memory_space<vmem>> -> memref<125xi32, #tpu.memory_space<vmem>>
      %dma_wait3A_24 = arith.constant 0 : i32
      %dma_wait3A_25 = arith.constant 0 : i32
      %dma_wait3A_26 = tpu.memref_slice %arg2[%dma_wait3A_24, %dma_wait3A_25] : memref<10000x128xf32, #tpu.memory_space<hbm>> -> memref<10000x128xf32, #tpu.memory_space<hbm>>
      tpu.wait_indirect_dma semaphore(%arg11 : memref<!tpu.dma_semaphore, #tpu.memory_space<semaphore_mem>>) src(%dma_wait3A_26 : memref<10000x128xf32, #tpu.memory_space<hbm>>) dst(%arg9 : memref<125x128xf32, #tpu.memory_space<vmem>>)
      "tpu.region"() ({
        %run_scoped3A = tpu.sem_alloc : memref<!tpu.dma_semaphore, #tpu.memory_space<semaphore_mem>>
        %dma_start3A_27 = arith.constant 0 : i32
        %dma_start3A_28 = tpu.memref_slice %arg8[%add3A_16, %dma_start3A_27] : memref<80x125xi32, #tpu.memory_space<vmem>> -> memref<1x125xi32, #tpu.memory_space<vmem>>
        %dma_start3A_29 = tpu.memref_squeeze %dma_start3A_28 : memref<1x125xi32, #tpu.memory_space<vmem>> -> memref<125xi32, #tpu.memory_space<vmem>>
        %dma_start3A_30 = arith.constant 0 : i32
        %dma_start3A_31 = arith.constant 0 : i32
        %dma_start3A_32 = tpu.memref_slice %arg10[%dma_start3A_30, %dma_start3A_31] : memref<10240x128xf32, #tpu.memory_space<vmem_shared>> -> memref<10240x128xf32, #tpu.memory_space<vmem_shared>>
        tpu.enqueue_indirect_dma source(%arg9 : memref<125x128xf32, #tpu.memory_space<vmem>>) target(%dma_start3A_32 : memref<10240x128xf32, #tpu.memory_space<vmem_shared>>) offsets(%dma_start3A_29 : memref<125xi32, #tpu.memory_space<vmem>>) semaphore(%run_scoped3A : memref<!tpu.dma_semaphore, #tpu.memory_space<semaphore_mem>>) {add = true}
        %dma_wait3A_33 = arith.constant 0 : i32
        %dma_wait3A_34 = tpu.memref_slice %arg8[%add3A_16, %dma_wait3A_33] : memref<80x125xi32, #tpu.memory_space<vmem>> -> memref<1x125xi32, #tpu.memory_space<vmem>>
        %dma_wait3A_35 = tpu.memref_squeeze %dma_wait3A_34 : memref<1x125xi32, #tpu.memory_space<vmem>> -> memref<125xi32, #tpu.memory_space<vmem>>
        %dma_wait3A_36 = arith.constant 0 : i32
        %dma_wait3A_37 = arith.constant 0 : i32
        %dma_wait3A_38 = tpu.memref_slice %arg10[%dma_wait3A_36, %dma_wait3A_37] : memref<10240x128xf32, #tpu.memory_space<vmem_shared>> -> memref<10240x128xf32, #tpu.memory_space<vmem_shared>>
        tpu.wait_indirect_dma semaphore(%run_scoped3A : memref<!tpu.dma_semaphore, #tpu.memory_space<semaphore_mem>>) src(%arg9 : memref<125x128xf32, #tpu.memory_space<vmem>>) dst(%dma_wait3A_38 : memref<10240x128xf32, #tpu.memory_space<vmem_shared>>)
        tpu.yield
      }) : () -> ()
    }
    %scan3A_6 = arith.constant 80 : i32
    %barrier3A_7 = arith.constant 0 : index
    tpu.barrier barrier_id(%barrier3A_7)
    %mul3A_8 = arith.constant 640 : i32
    %mul3A_9 = arith.muli %arg1, %mul3A_8 : i32
    %mul3A_10 = arith.constant 640 : i32
    %mul3A_11 = arith.muli %arg1, %mul3A_10 : i32
    "tpu.region"() ({
      %run_scoped3A = tpu.sem_alloc : memref<!tpu.dma_semaphore, #tpu.memory_space<semaphore_mem>>
      %dma_start3A = arith.constant 0 : i32
      %dma_start3A_12 = tpu.memref_slice %arg6[%arg0, %mul3A_11, %dma_start3A] : memref<2x10240x128xf32, #tpu.memory_space<hbm>> -> memref<1x640x128xf32, #tpu.memory_space<hbm>>
      %dma_start3A_13 = tpu.memref_squeeze %dma_start3A_12 : memref<1x640x128xf32, #tpu.memory_space<hbm>> -> memref<640x128xf32, #tpu.memory_space<hbm>>
      %dma_start3A_14 = arith.constant 0 : i32
      %dma_start3A_15 = tpu.memref_slice %arg10[%mul3A_9, %dma_start3A_14] : memref<10240x128xf32, #tpu.memory_space<vmem_shared>> -> memref<640x128xf32, #tpu.memory_space<vmem_shared>>
      tpu.enqueue_dma source(%dma_start3A_15 : memref<640x128xf32, #tpu.memory_space<vmem_shared>>) target(%dma_start3A_13 : memref<640x128xf32, #tpu.memory_space<hbm>>) target_semaphore(%run_scoped3A : memref<!tpu.dma_semaphore, #tpu.memory_space<semaphore_mem>>)
      %dma_wait3A = arith.constant 0 : i32
      %dma_wait3A_16 = tpu.memref_slice %arg6[%arg0, %mul3A_11, %dma_wait3A] : memref<2x10240x128xf32, #tpu.memory_space<hbm>> -> memref<1x640x128xf32, #tpu.memory_space<hbm>>
      %dma_wait3A_17 = tpu.memref_squeeze %dma_wait3A_16 : memref<1x640x128xf32, #tpu.memory_space<hbm>> -> memref<640x128xf32, #tpu.memory_space<hbm>>
      %dma_wait3A_18 = arith.constant 0 : i32
      %dma_wait3A_19 = tpu.memref_slice %arg10[%mul3A_9, %dma_wait3A_18] : memref<10240x128xf32, #tpu.memory_space<vmem_shared>> -> memref<640x128xf32, #tpu.memory_space<vmem_shared>>
      tpu.wait_dma2 semaphore(%run_scoped3A : memref<!tpu.dma_semaphore, #tpu.memory_space<semaphore_mem>>) src(%dma_wait3A_19 : memref<640x128xf32, #tpu.memory_space<vmem_shared>>) dst(%dma_wait3A_17 : memref<640x128xf32, #tpu.memory_space<hbm>>)
      tpu.yield
    }) : () -> ()
    return
  }
}

#map = affine_map<(d0, d1) -> (0, 0)>
#map1 = affine_map<(d0, d1) -> (0, 0, 0)>
module attributes {stable_mosaic.version = 14 : i64} {
  func.func @body(%arg0: i32, %arg1: i32, %arg2: memref<320000x128xf32, #tpu.memory_space<hbm>>, %arg3: memref<32x125x80xi32, #tpu.memory_space<hbm>>, %arg4: memref<640x128xf32, #tpu.memory_space<hbm>>, %arg5: memref<2x10240x128xf32, #tpu.memory_space<hbm>>, %arg6: memref<2x10240x128xf32, #tpu.memory_space<hbm>>, %arg7: memref<125x80xi32, #tpu.memory_space<vmem>>, %arg8: memref<80x128xf32, #tpu.memory_space<vmem>>, %arg9: memref<10240x128xf32, #tpu.memory_space<vmem_shared>>) attributes {dimension_semantics = [#tpu.dimension_semantics<core_parallel>, #tpu.dimension_semantics<subcore_parallel>], iteration_bounds = array<i64: 2, 16>, scalar_prefetch = 0 : i64, scratch_operands = 3 : i64, tpu.core_type = #tpu.core_type<sc_vector_subcore>, window_params = [{transform_indices = #map}, {transform_indices = #map1}, {transform_indices = #map}, {transform_indices = #map1}, {transform_indices = #map1}]} {
    %mul3A = arith.constant 16 : i32
    %mul3A_0 = arith.muli %arg0, %mul3A : i32
    %add3A = arith.addi %mul3A_0, %arg1 : i32
    %mul3A_1 = arith.constant 640 : i32
    %mul3A_2 = arith.muli %arg1, %mul3A_1 : i32
    "tpu.region"() ({
      %run_scoped3A = tpu.sem_alloc : memref<!tpu.dma_semaphore, #tpu.memory_space<semaphore_mem>>
      %dma_start3A = arith.constant 0 : i32
      %dma_start3A_12 = tpu.memref_slice %arg9[%mul3A_2, %dma_start3A] : memref<10240x128xf32, #tpu.memory_space<vmem_shared>> -> memref<640x128xf32, #tpu.memory_space<vmem_shared>>
      tpu.enqueue_dma source(%arg4 : memref<640x128xf32, #tpu.memory_space<hbm>>) target(%dma_start3A_12 : memref<640x128xf32, #tpu.memory_space<vmem_shared>>) target_semaphore(%run_scoped3A : memref<!tpu.dma_semaphore, #tpu.memory_space<semaphore_mem>>)
      %dma_wait3A = arith.constant 0 : i32
      %dma_wait3A_13 = tpu.memref_slice %arg9[%mul3A_2, %dma_wait3A] : memref<10240x128xf32, #tpu.memory_space<vmem_shared>> -> memref<640x128xf32, #tpu.memory_space<vmem_shared>>
      tpu.wait_dma2 semaphore(%run_scoped3A : memref<!tpu.dma_semaphore, #tpu.memory_space<semaphore_mem>>) src(%arg4 : memref<640x128xf32, #tpu.memory_space<hbm>>) dst(%dma_wait3A_13 : memref<640x128xf32, #tpu.memory_space<vmem_shared>>)
      tpu.yield
    }) : () -> ()
    "tpu.region"() ({
      %run_scoped3A = tpu.sem_alloc : memref<!tpu.dma_semaphore, #tpu.memory_space<semaphore_mem>>
      %dma_start3A = arith.constant 0 : i32
      %dma_start3A_12 = arith.constant 0 : i32
      %dma_start3A_13 = tpu.memref_slice %arg3[%add3A, %dma_start3A, %dma_start3A_12] : memref<32x125x80xi32, #tpu.memory_space<hbm>> -> memref<1x125x80xi32, #tpu.memory_space<hbm>>
      %dma_start3A_14 = tpu.memref_squeeze %dma_start3A_13 : memref<1x125x80xi32, #tpu.memory_space<hbm>> -> memref<125x80xi32, #tpu.memory_space<hbm>>
      %dma_start3A_15 = arith.constant 0 : i32
      %dma_start3A_16 = arith.constant 0 : i32
      %dma_start3A_17 = tpu.memref_slice %arg3[%add3A, %dma_start3A_15, %dma_start3A_16] : memref<32x125x80xi32, #tpu.memory_space<hbm>> -> memref<1x125x80xi32, #tpu.memory_space<hbm>>
      %dma_start3A_18 = tpu.memref_squeeze %dma_start3A_17 : memref<1x125x80xi32, #tpu.memory_space<hbm>> -> memref<125x80xi32, #tpu.memory_space<hbm>>
      tpu.enqueue_dma source(%dma_start3A_18 : memref<125x80xi32, #tpu.memory_space<hbm>>) target(%arg7 : memref<125x80xi32, #tpu.memory_space<vmem>>) target_semaphore(%run_scoped3A : memref<!tpu.dma_semaphore, #tpu.memory_space<semaphore_mem>>)
      %dma_wait3A = arith.constant 0 : i32
      %dma_wait3A_19 = arith.constant 0 : i32
      %dma_wait3A_20 = tpu.memref_slice %arg3[%add3A, %dma_wait3A, %dma_wait3A_19] : memref<32x125x80xi32, #tpu.memory_space<hbm>> -> memref<1x125x80xi32, #tpu.memory_space<hbm>>
      %dma_wait3A_21 = tpu.memref_squeeze %dma_wait3A_20 : memref<1x125x80xi32, #tpu.memory_space<hbm>> -> memref<125x80xi32, #tpu.memory_space<hbm>>
      %dma_wait3A_22 = arith.constant 0 : i32
      %dma_wait3A_23 = arith.constant 0 : i32
      %dma_wait3A_24 = tpu.memref_slice %arg3[%add3A, %dma_wait3A_22, %dma_wait3A_23] : memref<32x125x80xi32, #tpu.memory_space<hbm>> -> memref<1x125x80xi32, #tpu.memory_space<hbm>>
      %dma_wait3A_25 = tpu.memref_squeeze %dma_wait3A_24 : memref<1x125x80xi32, #tpu.memory_space<hbm>> -> memref<125x80xi32, #tpu.memory_space<hbm>>
      tpu.wait_dma2 semaphore(%run_scoped3A : memref<!tpu.dma_semaphore, #tpu.memory_space<semaphore_mem>>) src(%dma_wait3A_25 : memref<125x80xi32, #tpu.memory_space<hbm>>) dst(%arg7 : memref<125x80xi32, #tpu.memory_space<vmem>>)
      tpu.yield
    }) : () -> ()
    %barrier3A = arith.constant 0 : index
    tpu.barrier barrier_id(%barrier3A)
    %scan3A = arith.constant 0 : i32
    %scan3A_3 = arith.constant 125 : i32
    %scan3A_4 = arith.addi %scan3A, %scan3A_3 : i32
    %scan3A_5 = arith.constant 1 : i32
    scf.for %scan3A_12 = %scan3A to %scan3A_4 step %scan3A_5  : i32 {
      %mul3A_13 = arith.constant 1 : i32
      %mul3A_14 = arith.muli %scan3A_12, %mul3A_13 : i32
      %add3A_15 = arith.constant 0 : i32
      %add3A_16 = arith.addi %add3A_15, %mul3A_14 : i32
      %mul3A_17 = arith.constant 10000 : i32
      %mul3A_18 = arith.muli %add3A, %mul3A_17 : i32
      %mul3A_19 = arith.constant 80 : i32
      %mul3A_20 = arith.muli %add3A_16, %mul3A_19 : i32
      %add3A_21 = arith.addi %mul3A_18, %mul3A_20 : i32
      "tpu.region"() ({
        %run_scoped3A = tpu.sem_alloc : memref<!tpu.dma_semaphore, #tpu.memory_space<semaphore_mem>>
        %dma_start3A = arith.constant 0 : i32
        %dma_start3A_22 = tpu.memref_slice %arg2[%add3A_21, %dma_start3A] : memref<320000x128xf32, #tpu.memory_space<hbm>> -> memref<80x128xf32, #tpu.memory_space<hbm>>
        %dma_start3A_23 = arith.constant 0 : i32
        %dma_start3A_24 = tpu.memref_slice %arg2[%add3A_21, %dma_start3A_23] : memref<320000x128xf32, #tpu.memory_space<hbm>> -> memref<80x128xf32, #tpu.memory_space<hbm>>
        tpu.enqueue_dma source(%dma_start3A_24 : memref<80x128xf32, #tpu.memory_space<hbm>>) target(%arg8 : memref<80x128xf32, #tpu.memory_space<vmem>>) target_semaphore(%run_scoped3A : memref<!tpu.dma_semaphore, #tpu.memory_space<semaphore_mem>>)
        %dma_wait3A = arith.constant 0 : i32
        %dma_wait3A_25 = tpu.memref_slice %arg2[%add3A_21, %dma_wait3A] : memref<320000x128xf32, #tpu.memory_space<hbm>> -> memref<80x128xf32, #tpu.memory_space<hbm>>
        %dma_wait3A_26 = arith.constant 0 : i32
        %dma_wait3A_27 = tpu.memref_slice %arg2[%add3A_21, %dma_wait3A_26] : memref<320000x128xf32, #tpu.memory_space<hbm>> -> memref<80x128xf32, #tpu.memory_space<hbm>>
        tpu.wait_dma2 semaphore(%run_scoped3A : memref<!tpu.dma_semaphore, #tpu.memory_space<semaphore_mem>>) src(%dma_wait3A_27 : memref<80x128xf32, #tpu.memory_space<hbm>>) dst(%arg8 : memref<80x128xf32, #tpu.memory_space<vmem>>)
        tpu.yield
      }) : () -> ()
      "tpu.region"() ({
        %run_scoped3A = tpu.sem_alloc : memref<!tpu.dma_semaphore, #tpu.memory_space<semaphore_mem>>
        %dma_start3A = arith.constant 0 : i32
        %dma_start3A_22 = tpu.memref_slice %arg7[%add3A_16, %dma_start3A] : memref<125x80xi32, #tpu.memory_space<vmem>> -> memref<1x80xi32, #tpu.memory_space<vmem>>
        %dma_start3A_23 = tpu.memref_squeeze %dma_start3A_22 : memref<1x80xi32, #tpu.memory_space<vmem>> -> memref<80xi32, #tpu.memory_space<vmem>>
        %dma_start3A_24 = arith.constant 0 : i32
        %dma_start3A_25 = arith.constant 0 : i32
        %dma_start3A_26 = tpu.memref_slice %arg9[%dma_start3A_24, %dma_start3A_25] : memref<10240x128xf32, #tpu.memory_space<vmem_shared>> -> memref<10240x128xf32, #tpu.memory_space<vmem_shared>>
        tpu.enqueue_indirect_dma source(%arg8 : memref<80x128xf32, #tpu.memory_space<vmem>>) target(%dma_start3A_26 : memref<10240x128xf32, #tpu.memory_space<vmem_shared>>) offsets(%dma_start3A_23 : memref<80xi32, #tpu.memory_space<vmem>>) semaphore(%run_scoped3A : memref<!tpu.dma_semaphore, #tpu.memory_space<semaphore_mem>>) {add = true}
        %dma_wait3A = arith.constant 0 : i32
        %dma_wait3A_27 = tpu.memref_slice %arg7[%add3A_16, %dma_wait3A] : memref<125x80xi32, #tpu.memory_space<vmem>> -> memref<1x80xi32, #tpu.memory_space<vmem>>
        %dma_wait3A_28 = tpu.memref_squeeze %dma_wait3A_27 : memref<1x80xi32, #tpu.memory_space<vmem>> -> memref<80xi32, #tpu.memory_space<vmem>>
        %dma_wait3A_29 = arith.constant 0 : i32
        %dma_wait3A_30 = arith.constant 0 : i32
        %dma_wait3A_31 = tpu.memref_slice %arg9[%dma_wait3A_29, %dma_wait3A_30] : memref<10240x128xf32, #tpu.memory_space<vmem_shared>> -> memref<10240x128xf32, #tpu.memory_space<vmem_shared>>
        tpu.wait_indirect_dma semaphore(%run_scoped3A : memref<!tpu.dma_semaphore, #tpu.memory_space<semaphore_mem>>) src(%arg8 : memref<80x128xf32, #tpu.memory_space<vmem>>) dst(%dma_wait3A_31 : memref<10240x128xf32, #tpu.memory_space<vmem_shared>>)
        tpu.yield
      }) : () -> ()
    }
    %scan3A_6 = arith.constant 125 : i32
    %barrier3A_7 = arith.constant 0 : index
    tpu.barrier barrier_id(%barrier3A_7)
    %mul3A_8 = arith.constant 640 : i32
    %mul3A_9 = arith.muli %arg1, %mul3A_8 : i32
    %mul3A_10 = arith.constant 640 : i32
    %mul3A_11 = arith.muli %arg1, %mul3A_10 : i32
    "tpu.region"() ({
      %run_scoped3A = tpu.sem_alloc : memref<!tpu.dma_semaphore, #tpu.memory_space<semaphore_mem>>
      %dma_start3A = arith.constant 0 : i32
      %dma_start3A_12 = tpu.memref_slice %arg6[%arg0, %mul3A_11, %dma_start3A] : memref<2x10240x128xf32, #tpu.memory_space<hbm>> -> memref<1x640x128xf32, #tpu.memory_space<hbm>>
      %dma_start3A_13 = tpu.memref_squeeze %dma_start3A_12 : memref<1x640x128xf32, #tpu.memory_space<hbm>> -> memref<640x128xf32, #tpu.memory_space<hbm>>
      %dma_start3A_14 = arith.constant 0 : i32
      %dma_start3A_15 = tpu.memref_slice %arg9[%mul3A_9, %dma_start3A_14] : memref<10240x128xf32, #tpu.memory_space<vmem_shared>> -> memref<640x128xf32, #tpu.memory_space<vmem_shared>>
      tpu.enqueue_dma source(%dma_start3A_15 : memref<640x128xf32, #tpu.memory_space<vmem_shared>>) target(%dma_start3A_13 : memref<640x128xf32, #tpu.memory_space<hbm>>) target_semaphore(%run_scoped3A : memref<!tpu.dma_semaphore, #tpu.memory_space<semaphore_mem>>)
      %dma_wait3A = arith.constant 0 : i32
      %dma_wait3A_16 = tpu.memref_slice %arg6[%arg0, %mul3A_11, %dma_wait3A] : memref<2x10240x128xf32, #tpu.memory_space<hbm>> -> memref<1x640x128xf32, #tpu.memory_space<hbm>>
      %dma_wait3A_17 = tpu.memref_squeeze %dma_wait3A_16 : memref<1x640x128xf32, #tpu.memory_space<hbm>> -> memref<640x128xf32, #tpu.memory_space<hbm>>
      %dma_wait3A_18 = arith.constant 0 : i32
      %dma_wait3A_19 = tpu.memref_slice %arg9[%mul3A_9, %dma_wait3A_18] : memref<10240x128xf32, #tpu.memory_space<vmem_shared>> -> memref<640x128xf32, #tpu.memory_space<vmem_shared>>
      tpu.wait_dma2 semaphore(%run_scoped3A : memref<!tpu.dma_semaphore, #tpu.memory_space<semaphore_mem>>) src(%dma_wait3A_19 : memref<640x128xf32, #tpu.memory_space<vmem_shared>>) dst(%dma_wait3A_17 : memref<640x128xf32, #tpu.memory_space<hbm>>)
      tpu.yield
    }) : () -> ()
    return
  }
}

#map = affine_map<(d0, d1) -> (0, 0)>
#map1 = affine_map<(d0, d1) -> (0, 0, 0)>
module attributes {stable_mosaic.version = 14 : i64} {
  func.func @_sc_gather_segsum_body(%arg0: i32, %arg1: i32, %arg2: memref<10000x128xf32, #tpu.memory_space<hbm>>, %arg3: memref<32x80x125xi32, #tpu.memory_space<hbm>>, %arg4: memref<32x80x125xi32, #tpu.memory_space<hbm>>, %arg5: memref<640x128xf32, #tpu.memory_space<hbm>>, %arg6: memref<2x10240x128xf32, #tpu.memory_space<hbm>>, %arg7: memref<80x125xi32, #tpu.memory_space<vmem>>, %arg8: memref<80x125xi32, #tpu.memory_space<vmem>>, %arg9: memref<125x128xf32, #tpu.memory_space<vmem>>, %arg10: memref<10240x128xf32, #tpu.memory_space<vmem_shared>>, %arg11: memref<!tpu.dma_semaphore, #tpu.memory_space<semaphore_mem>>) attributes {dimension_semantics = [#tpu.dimension_semantics<core_parallel>, #tpu.dimension_semantics<subcore_parallel>], iteration_bounds = array<i64: 2, 16>, scalar_prefetch = 0 : i64, scratch_operands = 5 : i64, tpu.core_type = #tpu.core_type<sc_vector_subcore>, window_params = [{transform_indices = #map}, {transform_indices = #map1}, {transform_indices = #map1}, {transform_indices = #map}, {transform_indices = #map1}]} {
    %mul3A = arith.constant 16 : i32
    %mul3A_0 = arith.muli %arg0, %mul3A : i32
    %add3A = arith.addi %mul3A_0, %arg1 : i32
    %mul3A_1 = arith.constant 640 : i32
    %mul3A_2 = arith.muli %arg1, %mul3A_1 : i32
    "tpu.region"() ({
      %run_scoped3A = tpu.sem_alloc : memref<!tpu.dma_semaphore, #tpu.memory_space<semaphore_mem>>
      %dma_start3A = arith.constant 0 : i32
      %dma_start3A_12 = tpu.memref_slice %arg10[%mul3A_2, %dma_start3A] : memref<10240x128xf32, #tpu.memory_space<vmem_shared>> -> memref<640x128xf32, #tpu.memory_space<vmem_shared>>
      tpu.enqueue_dma source(%arg5 : memref<640x128xf32, #tpu.memory_space<hbm>>) target(%dma_start3A_12 : memref<640x128xf32, #tpu.memory_space<vmem_shared>>) target_semaphore(%run_scoped3A : memref<!tpu.dma_semaphore, #tpu.memory_space<semaphore_mem>>)
      %dma_wait3A = arith.constant 0 : i32
      %dma_wait3A_13 = tpu.memref_slice %arg10[%mul3A_2, %dma_wait3A] : memref<10240x128xf32, #tpu.memory_space<vmem_shared>> -> memref<640x128xf32, #tpu.memory_space<vmem_shared>>
      tpu.wait_dma2 semaphore(%run_scoped3A : memref<!tpu.dma_semaphore, #tpu.memory_space<semaphore_mem>>) src(%arg5 : memref<640x128xf32, #tpu.memory_space<hbm>>) dst(%dma_wait3A_13 : memref<640x128xf32, #tpu.memory_space<vmem_shared>>)
      tpu.yield
    }) : () -> ()
    "tpu.region"() ({
      %run_scoped3A = tpu.sem_alloc : memref<!tpu.dma_semaphore, #tpu.memory_space<semaphore_mem>>
      %dma_start3A = arith.constant 0 : i32
      %dma_start3A_12 = arith.constant 0 : i32
      %dma_start3A_13 = tpu.memref_slice %arg3[%add3A, %dma_start3A, %dma_start3A_12] : memref<32x80x125xi32, #tpu.memory_space<hbm>> -> memref<1x80x125xi32, #tpu.memory_space<hbm>>
      %dma_start3A_14 = tpu.memref_squeeze %dma_start3A_13 : memref<1x80x125xi32, #tpu.memory_space<hbm>> -> memref<80x125xi32, #tpu.memory_space<hbm>>
      %dma_start3A_15 = arith.constant 0 : i32
      %dma_start3A_16 = arith.constant 0 : i32
      %dma_start3A_17 = tpu.memref_slice %arg3[%add3A, %dma_start3A_15, %dma_start3A_16] : memref<32x80x125xi32, #tpu.memory_space<hbm>> -> memref<1x80x125xi32, #tpu.memory_space<hbm>>
      %dma_start3A_18 = tpu.memref_squeeze %dma_start3A_17 : memref<1x80x125xi32, #tpu.memory_space<hbm>> -> memref<80x125xi32, #tpu.memory_space<hbm>>
      tpu.enqueue_dma source(%dma_start3A_18 : memref<80x125xi32, #tpu.memory_space<hbm>>) target(%arg7 : memref<80x125xi32, #tpu.memory_space<vmem>>) target_semaphore(%run_scoped3A : memref<!tpu.dma_semaphore, #tpu.memory_space<semaphore_mem>>)
      %dma_wait3A = arith.constant 0 : i32
      %dma_wait3A_19 = arith.constant 0 : i32
      %dma_wait3A_20 = tpu.memref_slice %arg3[%add3A, %dma_wait3A, %dma_wait3A_19] : memref<32x80x125xi32, #tpu.memory_space<hbm>> -> memref<1x80x125xi32, #tpu.memory_space<hbm>>
      %dma_wait3A_21 = tpu.memref_squeeze %dma_wait3A_20 : memref<1x80x125xi32, #tpu.memory_space<hbm>> -> memref<80x125xi32, #tpu.memory_space<hbm>>
      %dma_wait3A_22 = arith.constant 0 : i32
      %dma_wait3A_23 = arith.constant 0 : i32
      %dma_wait3A_24 = tpu.memref_slice %arg3[%add3A, %dma_wait3A_22, %dma_wait3A_23] : memref<32x80x125xi32, #tpu.memory_space<hbm>> -> memref<1x80x125xi32, #tpu.memory_space<hbm>>
      %dma_wait3A_25 = tpu.memref_squeeze %dma_wait3A_24 : memref<1x80x125xi32, #tpu.memory_space<hbm>> -> memref<80x125xi32, #tpu.memory_space<hbm>>
      tpu.wait_dma2 semaphore(%run_scoped3A : memref<!tpu.dma_semaphore, #tpu.memory_space<semaphore_mem>>) src(%dma_wait3A_25 : memref<80x125xi32, #tpu.memory_space<hbm>>) dst(%arg7 : memref<80x125xi32, #tpu.memory_space<vmem>>)
      tpu.yield
    }) : () -> ()
    "tpu.region"() ({
      %run_scoped3A = tpu.sem_alloc : memref<!tpu.dma_semaphore, #tpu.memory_space<semaphore_mem>>
      %dma_start3A = arith.constant 0 : i32
      %dma_start3A_12 = arith.constant 0 : i32
      %dma_start3A_13 = tpu.memref_slice %arg4[%add3A, %dma_start3A, %dma_start3A_12] : memref<32x80x125xi32, #tpu.memory_space<hbm>> -> memref<1x80x125xi32, #tpu.memory_space<hbm>>
      %dma_start3A_14 = tpu.memref_squeeze %dma_start3A_13 : memref<1x80x125xi32, #tpu.memory_space<hbm>> -> memref<80x125xi32, #tpu.memory_space<hbm>>
      %dma_start3A_15 = arith.constant 0 : i32
      %dma_start3A_16 = arith.constant 0 : i32
      %dma_start3A_17 = tpu.memref_slice %arg4[%add3A, %dma_start3A_15, %dma_start3A_16] : memref<32x80x125xi32, #tpu.memory_space<hbm>> -> memref<1x80x125xi32, #tpu.memory_space<hbm>>
      %dma_start3A_18 = tpu.memref_squeeze %dma_start3A_17 : memref<1x80x125xi32, #tpu.memory_space<hbm>> -> memref<80x125xi32, #tpu.memory_space<hbm>>
      tpu.enqueue_dma source(%dma_start3A_18 : memref<80x125xi32, #tpu.memory_space<hbm>>) target(%arg8 : memref<80x125xi32, #tpu.memory_space<vmem>>) target_semaphore(%run_scoped3A : memref<!tpu.dma_semaphore, #tpu.memory_space<semaphore_mem>>)
      %dma_wait3A = arith.constant 0 : i32
      %dma_wait3A_19 = arith.constant 0 : i32
      %dma_wait3A_20 = tpu.memref_slice %arg4[%add3A, %dma_wait3A, %dma_wait3A_19] : memref<32x80x125xi32, #tpu.memory_space<hbm>> -> memref<1x80x125xi32, #tpu.memory_space<hbm>>
      %dma_wait3A_21 = tpu.memref_squeeze %dma_wait3A_20 : memref<1x80x125xi32, #tpu.memory_space<hbm>> -> memref<80x125xi32, #tpu.memory_space<hbm>>
      %dma_wait3A_22 = arith.constant 0 : i32
      %dma_wait3A_23 = arith.constant 0 : i32
      %dma_wait3A_24 = tpu.memref_slice %arg4[%add3A, %dma_wait3A_22, %dma_wait3A_23] : memref<32x80x125xi32, #tpu.memory_space<hbm>> -> memref<1x80x125xi32, #tpu.memory_space<hbm>>
      %dma_wait3A_25 = tpu.memref_squeeze %dma_wait3A_24 : memref<1x80x125xi32, #tpu.memory_space<hbm>> -> memref<80x125xi32, #tpu.memory_space<hbm>>
      tpu.wait_dma2 semaphore(%run_scoped3A : memref<!tpu.dma_semaphore, #tpu.memory_space<semaphore_mem>>) src(%dma_wait3A_25 : memref<80x125xi32, #tpu.memory_space<hbm>>) dst(%arg8 : memref<80x125xi32, #tpu.memory_space<vmem>>)
      tpu.yield
    }) : () -> ()
    %barrier3A = arith.constant 0 : index
    tpu.barrier barrier_id(%barrier3A)
    %scan3A = arith.constant 0 : i32
    %scan3A_3 = arith.constant 80 : i32
    %scan3A_4 = arith.addi %scan3A, %scan3A_3 : i32
    %scan3A_5 = arith.constant 1 : i32
    scf.for %scan3A_12 = %scan3A to %scan3A_4 step %scan3A_5  : i32 {
      %mul3A_13 = arith.constant 1 : i32
      %mul3A_14 = arith.muli %scan3A_12, %mul3A_13 : i32
      %add3A_15 = arith.constant 0 : i32
      %add3A_16 = arith.addi %add3A_15, %mul3A_14 : i32
      %dma_start3A = arith.constant 0 : i32
      %dma_start3A_17 = tpu.memref_slice %arg7[%add3A_16, %dma_start3A] : memref<80x125xi32, #tpu.memory_space<vmem>> -> memref<1x125xi32, #tpu.memory_space<vmem>>
      %dma_start3A_18 = tpu.memref_squeeze %dma_start3A_17 : memref<1x125xi32, #tpu.memory_space<vmem>> -> memref<125xi32, #tpu.memory_space<vmem>>
      %dma_start3A_19 = arith.constant 0 : i32
      %dma_start3A_20 = arith.constant 0 : i32
      %dma_start3A_21 = tpu.memref_slice %arg2[%dma_start3A_19, %dma_start3A_20] : memref<10000x128xf32, #tpu.memory_space<hbm>> -> memref<10000x128xf32, #tpu.memory_space<hbm>>
      tpu.enqueue_indirect_dma source(%dma_start3A_21 : memref<10000x128xf32, #tpu.memory_space<hbm>>) target(%arg9 : memref<125x128xf32, #tpu.memory_space<vmem>>) offsets(%dma_start3A_18 : memref<125xi32, #tpu.memory_space<vmem>>) semaphore(%arg11 : memref<!tpu.dma_semaphore, #tpu.memory_space<semaphore_mem>>)
      %dma_wait3A = arith.constant 0 : i32
      %dma_wait3A_22 = tpu.memref_slice %arg7[%add3A_16, %dma_wait3A] : memref<80x125xi32, #tpu.memory_space<vmem>> -> memref<1x125xi32, #tpu.memory_space<vmem>>
      %dma_wait3A_23 = tpu.memref_squeeze %dma_wait3A_22 : memref<1x125xi32, #tpu.memory_space<vmem>> -> memref<125xi32, #tpu.memory_space<vmem>>
      %dma_wait3A_24 = arith.constant 0 : i32
      %dma_wait3A_25 = arith.constant 0 : i32
      %dma_wait3A_26 = tpu.memref_slice %arg2[%dma_wait3A_24, %dma_wait3A_25] : memref<10000x128xf32, #tpu.memory_space<hbm>> -> memref<10000x128xf32, #tpu.memory_space<hbm>>
      tpu.wait_indirect_dma semaphore(%arg11 : memref<!tpu.dma_semaphore, #tpu.memory_space<semaphore_mem>>) src(%dma_wait3A_26 : memref<10000x128xf32, #tpu.memory_space<hbm>>) dst(%arg9 : memref<125x128xf32, #tpu.memory_space<vmem>>)
      "tpu.region"() ({
        %run_scoped3A = tpu.sem_alloc : memref<!tpu.dma_semaphore, #tpu.memory_space<semaphore_mem>>
        %dma_start3A_27 = arith.constant 0 : i32
        %dma_start3A_28 = tpu.memref_slice %arg8[%add3A_16, %dma_start3A_27] : memref<80x125xi32, #tpu.memory_space<vmem>> -> memref<1x125xi32, #tpu.memory_space<vmem>>
        %dma_start3A_29 = tpu.memref_squeeze %dma_start3A_28 : memref<1x125xi32, #tpu.memory_space<vmem>> -> memref<125xi32, #tpu.memory_space<vmem>>
        %dma_start3A_30 = arith.constant 0 : i32
        %dma_start3A_31 = arith.constant 0 : i32
        %dma_start3A_32 = tpu.memref_slice %arg10[%dma_start3A_30, %dma_start3A_31] : memref<10240x128xf32, #tpu.memory_space<vmem_shared>> -> memref<10240x128xf32, #tpu.memory_space<vmem_shared>>
        tpu.enqueue_indirect_dma source(%arg9 : memref<125x128xf32, #tpu.memory_space<vmem>>) target(%dma_start3A_32 : memref<10240x128xf32, #tpu.memory_space<vmem_shared>>) offsets(%dma_start3A_29 : memref<125xi32, #tpu.memory_space<vmem>>) semaphore(%run_scoped3A : memref<!tpu.dma_semaphore, #tpu.memory_space<semaphore_mem>>) {add = true}
        %dma_wait3A_33 = arith.constant 0 : i32
        %dma_wait3A_34 = tpu.memref_slice %arg8[%add3A_16, %dma_wait3A_33] : memref<80x125xi32, #tpu.memory_space<vmem>> -> memref<1x125xi32, #tpu.memory_space<vmem>>
        %dma_wait3A_35 = tpu.memref_squeeze %dma_wait3A_34 : memref<1x125xi32, #tpu.memory_space<vmem>> -> memref<125xi32, #tpu.memory_space<vmem>>
        %dma_wait3A_36 = arith.constant 0 : i32
        %dma_wait3A_37 = arith.constant 0 : i32
        %dma_wait3A_38 = tpu.memref_slice %arg10[%dma_wait3A_36, %dma_wait3A_37] : memref<10240x128xf32, #tpu.memory_space<vmem_shared>> -> memref<10240x128xf32, #tpu.memory_space<vmem_shared>>
        tpu.wait_indirect_dma semaphore(%run_scoped3A : memref<!tpu.dma_semaphore, #tpu.memory_space<semaphore_mem>>) src(%arg9 : memref<125x128xf32, #tpu.memory_space<vmem>>) dst(%dma_wait3A_38 : memref<10240x128xf32, #tpu.memory_space<vmem_shared>>)
        tpu.yield
      }) : () -> ()
    }
    %scan3A_6 = arith.constant 80 : i32
    %barrier3A_7 = arith.constant 0 : index
    tpu.barrier barrier_id(%barrier3A_7)
    %mul3A_8 = arith.constant 640 : i32
    %mul3A_9 = arith.muli %arg1, %mul3A_8 : i32
    %mul3A_10 = arith.constant 640 : i32
    %mul3A_11 = arith.muli %arg1, %mul3A_10 : i32
    "tpu.region"() ({
      %run_scoped3A = tpu.sem_alloc : memref<!tpu.dma_semaphore, #tpu.memory_space<semaphore_mem>>
      %dma_start3A = arith.constant 0 : i32
      %dma_start3A_12 = tpu.memref_slice %arg6[%arg0, %mul3A_11, %dma_start3A] : memref<2x10240x128xf32, #tpu.memory_space<hbm>> -> memref<1x640x128xf32, #tpu.memory_space<hbm>>
      %dma_start3A_13 = tpu.memref_squeeze %dma_start3A_12 : memref<1x640x128xf32, #tpu.memory_space<hbm>> -> memref<640x128xf32, #tpu.memory_space<hbm>>
      %dma_start3A_14 = arith.constant 0 : i32
      %dma_start3A_15 = tpu.memref_slice %arg10[%mul3A_9, %dma_start3A_14] : memref<10240x128xf32, #tpu.memory_space<vmem_shared>> -> memref<640x128xf32, #tpu.memory_space<vmem_shared>>
      tpu.enqueue_dma source(%dma_start3A_15 : memref<640x128xf32, #tpu.memory_space<vmem_shared>>) target(%dma_start3A_13 : memref<640x128xf32, #tpu.memory_space<hbm>>) target_semaphore(%run_scoped3A : memref<!tpu.dma_semaphore, #tpu.memory_space<semaphore_mem>>)
      %dma_wait3A = arith.constant 0 : i32
      %dma_wait3A_16 = tpu.memref_slice %arg6[%arg0, %mul3A_11, %dma_wait3A] : memref<2x10240x128xf32, #tpu.memory_space<hbm>> -> memref<1x640x128xf32, #tpu.memory_space<hbm>>
      %dma_wait3A_17 = tpu.memref_squeeze %dma_wait3A_16 : memref<1x640x128xf32, #tpu.memory_space<hbm>> -> memref<640x128xf32, #tpu.memory_space<hbm>>
      %dma_wait3A_18 = arith.constant 0 : i32
      %dma_wait3A_19 = tpu.memref_slice %arg10[%mul3A_9, %dma_wait3A_18] : memref<10240x128xf32, #tpu.memory_space<vmem_shared>> -> memref<640x128xf32, #tpu.memory_space<vmem_shared>>
      tpu.wait_dma2 semaphore(%run_scoped3A : memref<!tpu.dma_semaphore, #tpu.memory_space<semaphore_mem>>) src(%dma_wait3A_19 : memref<640x128xf32, #tpu.memory_space<vmem_shared>>) dst(%dma_wait3A_17 : memref<640x128xf32, #tpu.memory_space<hbm>>)
      tpu.yield
    }) : () -> ()
    return
  }
}

module attributes {stable_mosaic.version = 14 : i64} {
  func.func @_tc_prep_body(%arg0: i32, %arg1: memref<2000x4xf32, #tpu.memory_space<vmem>>, %arg2: memref<4x384xf32, #tpu.memory_space<vmem>>, %arg3: memref<1x384xf32, #tpu.memory_space<vmem>>, %arg4: memref<2000x128xf32, #tpu.memory_space<vmem>>, %arg5: memref<2000x128xf32, #tpu.memory_space<vmem>>, %arg6: memref<2000x128xf32, #tpu.memory_space<vmem>>, %arg7: memref<2000x128xf32, #tpu.memory_space<vmem>>) attributes {dimension_semantics = [#tpu.dimension_semantics<arbitrary>], iteration_bounds = array<i64: 160>, scalar_prefetch = 0 : i64, scratch_operands = 0 : i64, tpu.core_type = #tpu.core_type<tc>, window_params = [{transform_indices = @transform_0, window_bounds = array<i64: 2000, 4>}, {pipeline_mode = #tpu.pipeline_mode<synchronous>, transform_indices = @transform_1, window_bounds = array<i64: 4, 384>}, {pipeline_mode = #tpu.pipeline_mode<synchronous>, transform_indices = @transform_2, window_bounds = array<i64: 1, 384>}, {transform_indices = @transform_3, window_bounds = array<i64: 2000, 128>}, {transform_indices = @transform_4, window_bounds = array<i64: 2000, 128>}, {transform_indices = @transform_5, window_bounds = array<i64: 2000, 128>}, {transform_indices = @transform_6, window_bounds = array<i64: 2000, 128>}]} {
    %get3A = arith.constant 0 : index
    %get3A_0 = arith.constant 0 : index
    %get3A_1 = vector.load %arg1[%get3A, %get3A_0] : memref<2000x4xf32, #tpu.memory_space<vmem>>, vector<2000x4xf32>
    %slice3A = vector.extract_strided_slice %get3A_1 {offsets = [0, 2], sizes = [2000, 1], strides = [1, 1]} : vector<2000x4xf32> to vector<2000x1xf32>
    %logistic3A = arith.negf %slice3A : vector<2000x1xf32>
    %logistic3A_2 = math.exp %logistic3A : vector<2000x1xf32>
    %logistic3A_3 = arith.constant 1.000000e+00 : f32
    %logistic3A_4 = vector.broadcast %logistic3A_3 : f32 to vector<2000x1xf32>
    %logistic3A_5 = arith.addf %logistic3A_4, %logistic3A_2 : vector<2000x1xf32>
    %logistic3A_6 = arith.divf %logistic3A_4, %logistic3A_5 : vector<2000x1xf32>
    %convert_element_type3A = arith.truncf %get3A_1 : vector<2000x4xf32> to vector<2000x4xbf16>
    %convert_element_type3A_7 = arith.extf %convert_element_type3A : vector<2000x4xbf16> to vector<2000x4xf32>
    %get3A_8 = arith.constant 0 : index
    %get3A_9 = arith.constant 0 : index
    %get3A_10 = vector.load %arg2[%get3A_8, %get3A_9] : memref<4x384xf32, #tpu.memory_space<vmem>>, vector<4x384xf32>
    %convert_element_type3A_11 = arith.truncf %get3A_10 : vector<4x384xf32> to vector<4x384xbf16>
    %convert_element_type3A_12 = arith.extf %convert_element_type3A_11 : vector<4x384xbf16> to vector<4x384xf32>
    %get3A_13 = arith.constant 0 : index
    %get3A_14 = arith.constant 0 : index
    %get3A_15 = vector.load %arg3[%get3A_13, %get3A_14] : memref<1x384xf32, #tpu.memory_space<vmem>>, vector<1x384xf32>
    %slice3A_16 = vector.extract_strided_slice %convert_element_type3A_7 {offsets = [0, 0], sizes = [2000, 1], strides = [1, 1]} : vector<2000x4xf32> to vector<2000x1xf32>
    %slice3A_17 = vector.extract_strided_slice %convert_element_type3A_12 {offsets = [0, 0], sizes = [1, 384], strides = [1, 1]} : vector<4x384xf32> to vector<1x384xf32>
    %mul3A = vector.broadcast %slice3A_16 : vector<2000x1xf32> to vector<2000x384xf32>
    %mul3A_18 = vector.broadcast %slice3A_17 : vector<1x384xf32> to vector<2000x384xf32>
    %mul3A_19 = arith.mulf %mul3A, %mul3A_18 : vector<2000x384xf32>
    %add3A = vector.broadcast %get3A_15 : vector<1x384xf32> to vector<2000x384xf32>
    %add3A_20 = arith.addf %add3A, %mul3A_19 : vector<2000x384xf32>
    %slice3A_21 = vector.extract_strided_slice %convert_element_type3A_7 {offsets = [0, 1], sizes = [2000, 1], strides = [1, 1]} : vector<2000x4xf32> to vector<2000x1xf32>
    %slice3A_22 = vector.extract_strided_slice %convert_element_type3A_12 {offsets = [1, 0], sizes = [1, 384], strides = [1, 1]} : vector<4x384xf32> to vector<1x384xf32>
    %mul3A_23 = vector.broadcast %slice3A_21 : vector<2000x1xf32> to vector<2000x384xf32>
    %mul3A_24 = vector.broadcast %slice3A_22 : vector<1x384xf32> to vector<2000x384xf32>
    %mul3A_25 = arith.mulf %mul3A_23, %mul3A_24 : vector<2000x384xf32>
    %add3A_26 = arith.addf %add3A_20, %mul3A_25 : vector<2000x384xf32>
    %slice3A_27 = vector.extract_strided_slice %convert_element_type3A_7 {offsets = [0, 2], sizes = [2000, 1], strides = [1, 1]} : vector<2000x4xf32> to vector<2000x1xf32>
    %slice3A_28 = vector.extract_strided_slice %convert_element_type3A_12 {offsets = [2, 0], sizes = [1, 384], strides = [1, 1]} : vector<4x384xf32> to vector<1x384xf32>
    %mul3A_29 = vector.broadcast %slice3A_27 : vector<2000x1xf32> to vector<2000x384xf32>
    %mul3A_30 = vector.broadcast %slice3A_28 : vector<1x384xf32> to vector<2000x384xf32>
    %mul3A_31 = arith.mulf %mul3A_29, %mul3A_30 : vector<2000x384xf32>
    %add3A_32 = arith.addf %add3A_26, %mul3A_31 : vector<2000x384xf32>
    %slice3A_33 = vector.extract_strided_slice %convert_element_type3A_7 {offsets = [0, 3], sizes = [2000, 1], strides = [1, 1]} : vector<2000x4xf32> to vector<2000x1xf32>
    %slice3A_34 = vector.extract_strided_slice %convert_element_type3A_12 {offsets = [3, 0], sizes = [1, 384], strides = [1, 1]} : vector<4x384xf32> to vector<1x384xf32>
    %mul3A_35 = vector.broadcast %slice3A_33 : vector<2000x1xf32> to vector<2000x384xf32>
    %mul3A_36 = vector.broadcast %slice3A_34 : vector<1x384xf32> to vector<2000x384xf32>
    %mul3A_37 = arith.mulf %mul3A_35, %mul3A_36 : vector<2000x384xf32>
    %add3A_38 = arith.addf %add3A_32, %mul3A_37 : vector<2000x384xf32>
    %max3A = arith.constant 0.000000e+00 : f32
    %max3A_39 = vector.broadcast %max3A : f32 to vector<2000x384xf32>
    %max3A_40 = arith.maximumf %add3A_38, %max3A_39 : vector<2000x384xf32>
    %convert_element_type3A_41 = arith.truncf %max3A_40 : vector<2000x384xf32> to vector<2000x384xbf16>
    %convert_element_type3A_42 = arith.extf %convert_element_type3A_41 : vector<2000x384xbf16> to vector<2000x384xf32>
    %mul3A_43 = vector.broadcast %logistic3A_6 : vector<2000x1xf32> to vector<2000x384xf32>
    %mul3A_44 = arith.mulf %convert_element_type3A_42, %mul3A_43 : vector<2000x384xf32>
    %slice3A_45 = vector.extract_strided_slice %mul3A_44 {offsets = [0, 0], sizes = [2000, 128], strides = [1, 1]} : vector<2000x384xf32> to vector<2000x128xf32>
    %swap3A = arith.constant 0 : index
    %swap3A_46 = arith.constant 0 : index
    %swap3A_47 = vector.load %arg4[%swap3A, %swap3A_46] : memref<2000x128xf32, #tpu.memory_space<vmem>>, vector<2000x128xf32>
    tpu.vector_store %arg4[%swap3A, %swap3A_46], %slice3A_45 {strides = array<i32>} : memref<2000x128xf32, #tpu.memory_space<vmem>>, vector<2000x128xf32>,
    %slice3A_48 = vector.extract_strided_slice %mul3A_44 {offsets = [0, 128], sizes = [2000, 128], strides = [1, 1]} : vector<2000x384xf32> to vector<2000x128xf32>
    %swap3A_49 = arith.constant 0 : index
    %swap3A_50 = arith.constant 0 : index
    %swap3A_51 = vector.load %arg5[%swap3A_49, %swap3A_50] : memref<2000x128xf32, #tpu.memory_space<vmem>>, vector<2000x128xf32>
    tpu.vector_store %arg5[%swap3A_49, %swap3A_50], %slice3A_48 {strides = array<i32>} : memref<2000x128xf32, #tpu.memory_space<vmem>>, vector<2000x128xf32>,
    %slice3A_52 = vector.extract_strided_slice %mul3A_44 {offsets = [0, 256], sizes = [2000, 128], strides = [1, 1]} : vector<2000x384xf32> to vector<2000x128xf32>
    %swap3A_53 = arith.constant 0 : index
    %swap3A_54 = arith.constant 0 : index
    %swap3A_55 = vector.load %arg6[%swap3A_53, %swap3A_54] : memref<2000x128xf32, #tpu.memory_space<vmem>>, vector<2000x128xf32>
    tpu.vector_store %arg6[%swap3A_53, %swap3A_54], %slice3A_52 {strides = array<i32>} : memref<2000x128xf32, #tpu.memory_space<vmem>>, vector<2000x128xf32>,
    %broadcast_in_dim3A = arith.constant 1.000000e+00 : f32
    %broadcast_in_dim3A_56 = vector.broadcast %broadcast_in_dim3A : f32 to vector<2000x1xf32>
    %broadcast_in_dim3A_57 = arith.constant 0.000000e+00 : f32
    %broadcast_in_dim3A_58 = vector.broadcast %broadcast_in_dim3A_57 : f32 to vector<2000x126xf32>
    %concatenate3A = tpu.concatenate %broadcast_in_dim3A_56, %logistic3A_6, %broadcast_in_dim3A_58 in 1 : vector<2000x1xf32>, vector<2000x1xf32>, vector<2000x126xf32> -> vector<2000x128xf32>
    %swap3A_59 = arith.constant 0 : index
    %swap3A_60 = arith.constant 0 : index
    %swap3A_61 = vector.load %arg7[%swap3A_59, %swap3A_60] : memref<2000x128xf32, #tpu.memory_space<vmem>>, vector<2000x128xf32>
    tpu.vector_store %arg7[%swap3A_59, %swap3A_60], %concatenate3A {strides = array<i32>} : memref<2000x128xf32, #tpu.memory_space<vmem>>, vector<2000x128xf32>,
    return
  }
  func.func @transform_0(%arg0: i32) -> (i32, i32) {
    %c0_i32 = arith.constant 0 : i32
    %c0_i32_0 = arith.constant 0 : i32
    return %arg0, %c0_i32 : i32, i32
  }
  func.func @transform_1(%arg0: i32) -> (i32, i32) {
    %c0_i32 = arith.constant 0 : i32
    %c0_i32_0 = arith.constant 0 : i32
    %c0_i32_1 = arith.constant 0 : i32
    return %c0_i32, %c0_i32_0 : i32, i32
  }
  func.func @transform_2(%arg0: i32) -> (i32, i32) {
    %c0_i32 = arith.constant 0 : i32
    %c0_i32_0 = arith.constant 0 : i32
    %c0_i32_1 = arith.constant 0 : i32
    return %c0_i32, %c0_i32_0 : i32, i32
  }
  func.func @transform_3(%arg0: i32) -> (i32, i32) {
    %c0_i32 = arith.constant 0 : i32
    %c0_i32_0 = arith.constant 0 : i32
    return %arg0, %c0_i32 : i32, i32
  }
  func.func @transform_4(%arg0: i32) -> (i32, i32) {
    %c0_i32 = arith.constant 0 : i32
    %c0_i32_0 = arith.constant 0 : i32
    return %arg0, %c0_i32 : i32, i32
  }
  func.func @transform_5(%arg0: i32) -> (i32, i32) {
    %c0_i32 = arith.constant 0 : i32
    %c0_i32_0 = arith.constant 0 : i32
    return %arg0, %c0_i32 : i32, i32
  }
  func.func @transform_6(%arg0: i32) -> (i32, i32) {
    %c0_i32 = arith.constant 0 : i32
    %c0_i32_0 = arith.constant 0 : i32
    return %arg0, %c0_i32 : i32, i32
  }
}

module attributes {stable_mosaic.version = 14 : i64} {
  func.func @_tc_inject_body(%arg0: i32, %arg1: memref<2000x128xf32, #tpu.memory_space<vmem>>, %arg2: memref<2x2000x128xf32, #tpu.memory_space<vmem>>, %arg3: memref<2x2000x128xf32, #tpu.memory_space<vmem>>, %arg4: memref<128x128xf32, #tpu.memory_space<vmem>>, %arg5: memref<1x128xf32, #tpu.memory_space<vmem>>, %arg6: memref<2000x128xf32, #tpu.memory_space<vmem>>) attributes {dimension_semantics = [#tpu.dimension_semantics<arbitrary>], iteration_bounds = array<i64: 5>, scalar_prefetch = 0 : i64, scratch_operands = 0 : i64, tpu.core_type = #tpu.core_type<tc>, window_params = [{transform_indices = @transform_0, window_bounds = array<i64: 2000, 128>}, {transform_indices = @transform_1, window_bounds = array<i64: 2, 2000, 128>}, {transform_indices = @transform_2, window_bounds = array<i64: 2, 2000, 128>}, {pipeline_mode = #tpu.pipeline_mode<synchronous>, transform_indices = @transform_3, window_bounds = array<i64: 128, 128>}, {pipeline_mode = #tpu.pipeline_mode<synchronous>, transform_indices = @transform_4, window_bounds = array<i64: 1, 128>}, {transform_indices = @transform_5, window_bounds = array<i64: 2000, 128>}]} {
    %get3A = arith.constant 0 : index
    %get3A_0 = arith.constant 0 : index
    %get3A_1 = arith.constant 0 : index
    %get3A_2 = vector.load %arg2[%get3A, %get3A_0, %get3A_1] : memref<2x2000x128xf32, #tpu.memory_space<vmem>>, vector<1x2000x128xf32>
    %get3A_3 = vector.shape_cast %get3A_2 : vector<1x2000x128xf32> to vector<2000x128xf32>
    %get3A_4 = arith.constant 1 : index
    %get3A_5 = arith.constant 0 : index
    %get3A_6 = arith.constant 0 : index
    %get3A_7 = vector.load %arg2[%get3A_4, %get3A_5, %get3A_6] : memref<2x2000x128xf32, #tpu.memory_space<vmem>>, vector<1x2000x128xf32>
    %get3A_8 = vector.shape_cast %get3A_7 : vector<1x2000x128xf32> to vector<2000x128xf32>
    %add3A = arith.addf %get3A_3, %get3A_8 : vector<2000x128xf32>
    %get3A_9 = arith.constant 0 : index
    %get3A_10 = arith.constant 0 : index
    %get3A_11 = arith.constant 1 : index
    %get3A_12 = vector.load %arg3[%get3A_9, %get3A_10, %get3A_11] : memref<2x2000x128xf32, #tpu.memory_space<vmem>>, vector<1x2000x1xf32>
    %get3A_13 = vector.shape_cast %get3A_12 : vector<1x2000x1xf32> to vector<2000x1xf32>
    %get3A_14 = arith.constant 1 : index
    %get3A_15 = arith.constant 0 : index
    %get3A_16 = arith.constant 1 : index
    %get3A_17 = vector.load %arg3[%get3A_14, %get3A_15, %get3A_16] : memref<2x2000x128xf32, #tpu.memory_space<vmem>>, vector<1x2000x1xf32>
    %get3A_18 = vector.shape_cast %get3A_17 : vector<1x2000x1xf32> to vector<2000x1xf32>
    %add3A_19 = arith.addf %get3A_13, %get3A_18 : vector<2000x1xf32>
    %get3A_20 = arith.constant 0 : index
    %get3A_21 = arith.constant 0 : index
    %get3A_22 = vector.load %arg1[%get3A_20, %get3A_21] : memref<2000x128xf32, #tpu.memory_space<vmem>>, vector<2000x128xf32>
    %get3A_23 = arith.constant 0 : index
    %get3A_24 = arith.constant 0 : index
    %get3A_25 = vector.load %arg4[%get3A_23, %get3A_24] : memref<128x128xf32, #tpu.memory_space<vmem>>, vector<128x128xf32>
    %convert_element_type3A = arith.truncf %get3A_25 : vector<128x128xf32> to vector<128x128xbf16>
    %convert_element_type3A_26 = arith.extf %convert_element_type3A : vector<128x128xbf16> to vector<128x128xf32>
    %dot_general3A = arith.constant dense<0.000000e+00> : vector<2000x128xf32>
    %dot_general3A_27 = tpu.matmul %add3A, %convert_element_type3A_26, %dot_general3A {dimension_numbers = #tpu.dot_dimension_numbers<[1], [0], [0], [1], [0, 0, 1, 1], [], []>, precision = #tpu.contract_precision<fp32>, transpose_lhs_hint = false} : vector<2000x128xf32>, vector<128x128xf32>, vector<2000x128xf32> -> vector<2000x128xf32>
    %add3A_28 = arith.addf %get3A_22, %dot_general3A_27 : vector<2000x128xf32>
    %get3A_29 = arith.constant 0 : index
    %get3A_30 = arith.constant 0 : index
    %get3A_31 = vector.load %arg5[%get3A_29, %get3A_30] : memref<1x128xf32, #tpu.memory_space<vmem>>, vector<1x128xf32>
    %mul3A = vector.broadcast %add3A_19 : vector<2000x1xf32> to vector<2000x128xf32>
    %mul3A_32 = vector.broadcast %get3A_31 : vector<1x128xf32> to vector<2000x128xf32>
    %mul3A_33 = arith.mulf %mul3A, %mul3A_32 : vector<2000x128xf32>
    %add3A_34 = arith.addf %add3A_28, %mul3A_33 : vector<2000x128xf32>
    %swap3A = arith.constant 0 : index
    %swap3A_35 = arith.constant 0 : index
    %swap3A_36 = vector.load %arg6[%swap3A, %swap3A_35] : memref<2000x128xf32, #tpu.memory_space<vmem>>, vector<2000x128xf32>
    tpu.vector_store %arg6[%swap3A, %swap3A_35], %add3A_34 {strides = array<i32>} : memref<2000x128xf32, #tpu.memory_space<vmem>>, vector<2000x128xf32>,
    return
  }
  func.func @transform_0(%arg0: i32) -> (i32, i32) {
    %c0_i32 = arith.constant 0 : i32
    %c0_i32_0 = arith.constant 0 : i32
    return %arg0, %c0_i32 : i32, i32
  }
  func.func @transform_1(%arg0: i32) -> (i32, i32, i32) {
    %c0_i32 = arith.constant 0 : i32
    %c0_i32_0 = arith.constant 0 : i32
    %c0_i32_1 = arith.constant 0 : i32
    return %c0_i32, %arg0, %c0_i32_0 : i32, i32, i32
  }
  func.func @transform_2(%arg0: i32) -> (i32, i32, i32) {
    %c0_i32 = arith.constant 0 : i32
    %c0_i32_0 = arith.constant 0 : i32
    %c0_i32_1 = arith.constant 0 : i32
    return %c0_i32, %arg0, %c0_i32_0 : i32, i32, i32
  }
  func.func @transform_3(%arg0: i32) -> (i32, i32) {
    %c0_i32 = arith.constant 0 : i32
    %c0_i32_0 = arith.constant 0 : i32
    %c0_i32_1 = arith.constant 0 : i32
    return %c0_i32, %c0_i32_0 : i32, i32
  }
  func.func @transform_4(%arg0: i32) -> (i32, i32) {
    %c0_i32 = arith.constant 0 : i32
    %c0_i32_0 = arith.constant 0 : i32
    %c0_i32_1 = arith.constant 0 : i32
    return %c0_i32, %c0_i32_0 : i32, i32
  }
  func.func @transform_5(%arg0: i32) -> (i32, i32) {
    %c0_i32 = arith.constant 0 : i32
    %c0_i32_0 = arith.constant 0 : i32
    return %arg0, %c0_i32 : i32, i32
  }
}

module attributes {stable_mosaic.version = 14 : i64} {
  func.func @_tc_sage_body(%arg0: i32, %arg1: memref<2x2000x128xf32, #tpu.memory_space<vmem>>, %arg2: memref<2000x128xf32, #tpu.memory_space<vmem>>, %arg3: memref<2x2000x128xf32, #tpu.memory_space<vmem>>, %arg4: memref<128x128xf32, #tpu.memory_space<vmem>>, %arg5: memref<1x128xf32, #tpu.memory_space<vmem>>, %arg6: memref<128x128xf32, #tpu.memory_space<vmem>>, %arg7: memref<2000x128xf32, #tpu.memory_space<vmem>>, %arg8: memref<1x8x128xf32, #tpu.memory_space<vmem>>, %arg9: memref<1x8x128xf32, #tpu.memory_space<vmem>>) attributes {dimension_semantics = [#tpu.dimension_semantics<arbitrary>], iteration_bounds = array<i64: 5>, scalar_prefetch = 0 : i64, scratch_operands = 0 : i64, tpu.core_type = #tpu.core_type<tc>, window_params = [{transform_indices = @transform_0, window_bounds = array<i64: 2, 2000, 128>}, {transform_indices = @transform_1, window_bounds = array<i64: 2000, 128>}, {transform_indices = @transform_2, window_bounds = array<i64: 2, 2000, 128>}, {pipeline_mode = #tpu.pipeline_mode<synchronous>, transform_indices = @transform_3, window_bounds = array<i64: 128, 128>}, {pipeline_mode = #tpu.pipeline_mode<synchronous>, transform_indices = @transform_4, window_bounds = array<i64: 1, 128>}, {pipeline_mode = #tpu.pipeline_mode<synchronous>, transform_indices = @transform_5, window_bounds = array<i64: 128, 128>}, {transform_indices = @transform_6, window_bounds = array<i64: 2000, 128>}, {transform_indices = @transform_7, window_bounds = array<i64: 1, 8, 128>}, {transform_indices = @transform_8, window_bounds = array<i64: 1, 8, 128>}]} {
    %get3A = arith.constant 0 : index
    %get3A_0 = arith.constant 0 : index
    %get3A_1 = arith.constant 0 : index
    %get3A_2 = vector.load %arg3[%get3A, %get3A_0, %get3A_1] : memref<2x2000x128xf32, #tpu.memory_space<vmem>>, vector<1x2000x1xf32>
    %get3A_3 = vector.shape_cast %get3A_2 : vector<1x2000x1xf32> to vector<2000x1xf32>
    %get3A_4 = arith.constant 1 : index
    %get3A_5 = arith.constant 0 : index
    %get3A_6 = arith.constant 0 : index
    %get3A_7 = vector.load %arg3[%get3A_4, %get3A_5, %get3A_6] : memref<2x2000x128xf32, #tpu.memory_space<vmem>>, vector<1x2000x1xf32>
    %get3A_8 = vector.shape_cast %get3A_7 : vector<1x2000x1xf32> to vector<2000x1xf32>
    %add3A = arith.addf %get3A_3, %get3A_8 : vector<2000x1xf32>
    %get3A_9 = arith.constant 0 : index
    %get3A_10 = arith.constant 0 : index
    %get3A_11 = arith.constant 0 : index
    %get3A_12 = vector.load %arg1[%get3A_9, %get3A_10, %get3A_11] : memref<2x2000x128xf32, #tpu.memory_space<vmem>>, vector<1x2000x128xf32>
    %get3A_13 = vector.shape_cast %get3A_12 : vector<1x2000x128xf32> to vector<2000x128xf32>
    %get3A_14 = arith.constant 1 : index
    %get3A_15 = arith.constant 0 : index
    %get3A_16 = arith.constant 0 : index
    %get3A_17 = vector.load %arg1[%get3A_14, %get3A_15, %get3A_16] : memref<2x2000x128xf32, #tpu.memory_space<vmem>>, vector<1x2000x128xf32>
    %get3A_18 = vector.shape_cast %get3A_17 : vector<1x2000x128xf32> to vector<2000x128xf32>
    %add3A_19 = arith.addf %get3A_13, %get3A_18 : vector<2000x128xf32>
    %max3A = arith.constant 1.000000e+00 : f32
    %max3A_20 = vector.broadcast %max3A : f32 to vector<2000x1xf32>
    %max3A_21 = arith.maximumf %add3A, %max3A_20 : vector<2000x1xf32>
    %div3A = vector.broadcast %max3A_21 : vector<2000x1xf32> to vector<2000x128xf32>
    %div3A_22 = arith.divf %add3A_19, %div3A : vector<2000x128xf32>
    %get3A_23 = arith.constant 0 : index
    %get3A_24 = arith.constant 0 : index
    %get3A_25 = vector.load %arg4[%get3A_23, %get3A_24] : memref<128x128xf32, #tpu.memory_space<vmem>>, vector<128x128xf32>
    %dot_general3A = arith.constant dense<0.000000e+00> : vector<2000x128xf32>
    %dot_general3A_26 = tpu.matmul %div3A_22, %get3A_25, %dot_general3A {dimension_numbers = #tpu.dot_dimension_numbers<[1], [0], [0], [1], [0, 0, 1, 1], [], []>, transpose_lhs_hint = false} : vector<2000x128xf32>, vector<128x128xf32>, vector<2000x128xf32> -> vector<2000x128xf32>
    %get3A_27 = arith.constant 0 : index
    %get3A_28 = arith.constant 0 : index
    %get3A_29 = vector.load %arg5[%get3A_27, %get3A_28] : memref<1x128xf32, #tpu.memory_space<vmem>>, vector<1x128xf32>
    %add3A_30 = vector.broadcast %get3A_29 : vector<1x128xf32> to vector<2000x128xf32>
    %add3A_31 = arith.addf %dot_general3A_26, %add3A_30 : vector<2000x128xf32>
    %get3A_32 = arith.constant 0 : index
    %get3A_33 = arith.constant 0 : index
    %get3A_34 = vector.load %arg2[%get3A_32, %get3A_33] : memref<2000x128xf32, #tpu.memory_space<vmem>>, vector<2000x128xf32>
    %get3A_35 = arith.constant 0 : index
    %get3A_36 = arith.constant 0 : index
    %get3A_37 = vector.load %arg6[%get3A_35, %get3A_36] : memref<128x128xf32, #tpu.memory_space<vmem>>, vector<128x128xf32>
    %dot_general3A_38 = arith.constant dense<0.000000e+00> : vector<2000x128xf32>
    %dot_general3A_39 = tpu.matmul %get3A_34, %get3A_37, %dot_general3A_38 {dimension_numbers = #tpu.dot_dimension_numbers<[1], [0], [0], [1], [0, 0, 1, 1], [], []>, transpose_lhs_hint = false} : vector<2000x128xf32>, vector<128x128xf32>, vector<2000x128xf32> -> vector<2000x128xf32>
    %add3A_40 = arith.addf %add3A_31, %dot_general3A_39 : vector<2000x128xf32>
    %swap3A = arith.constant 0 : index
    %swap3A_41 = arith.constant 0 : index
    %swap3A_42 = vector.load %arg7[%swap3A, %swap3A_41] : memref<2000x128xf32, #tpu.memory_space<vmem>>, vector<2000x128xf32>
    tpu.vector_store %arg7[%swap3A, %swap3A_41], %add3A_40 {strides = array<i32>} : memref<2000x128xf32, #tpu.memory_space<vmem>>, vector<2000x128xf32>,
    %reduce_sum3A = arith.constant dense<0.000000e+00> : vector<128xf32>
    %reduce_sum3A_43 = vector.multi_reduction <add>, %add3A_40, %reduce_sum3A [0] : vector<2000x128xf32> to vector<128xf32>
    %broadcast_in_dim3A = vector.shape_cast %reduce_sum3A_43 : vector<128xf32> to vector<1x128xf32>
    %broadcast_in_dim3A_44 = vector.shape_cast %broadcast_in_dim3A : vector<1x128xf32> to vector<1x128xf32>
    %broadcast_in_dim3A_45 = vector.broadcast %broadcast_in_dim3A_44 : vector<1x128xf32> to vector<8x128xf32>
    %reshape3A = vector.shape_cast %broadcast_in_dim3A_45 : vector<8x128xf32> to vector<1x8x128xf32>
    %swap3A_46 = arith.constant 0 : index
    %swap3A_47 = arith.constant 0 : index
    %swap3A_48 = arith.constant 0 : index
    %swap3A_49 = vector.load %arg8[%swap3A_46, %swap3A_47, %swap3A_48] : memref<1x8x128xf32, #tpu.memory_space<vmem>>, vector<1x8x128xf32>
    tpu.vector_store %arg8[%swap3A_46, %swap3A_47, %swap3A_48], %reshape3A {strides = array<i32>} : memref<1x8x128xf32, #tpu.memory_space<vmem>>, vector<1x8x128xf32>,
    %mul3A = arith.mulf %add3A_40, %add3A_40 : vector<2000x128xf32>
    %reduce_sum3A_50 = arith.constant dense<0.000000e+00> : vector<128xf32>
    %reduce_sum3A_51 = vector.multi_reduction <add>, %mul3A, %reduce_sum3A_50 [0] : vector<2000x128xf32> to vector<128xf32>
    %broadcast_in_dim3A_52 = vector.shape_cast %reduce_sum3A_51 : vector<128xf32> to vector<1x128xf32>
    %broadcast_in_dim3A_53 = vector.shape_cast %broadcast_in_dim3A_52 : vector<1x128xf32> to vector<1x128xf32>
    %broadcast_in_dim3A_54 = vector.broadcast %broadcast_in_dim3A_53 : vector<1x128xf32> to vector<8x128xf32>
    %reshape3A_55 = vector.shape_cast %broadcast_in_dim3A_54 : vector<8x128xf32> to vector<1x8x128xf32>
    %swap3A_56 = arith.constant 0 : index
    %swap3A_57 = arith.constant 0 : index
    %swap3A_58 = arith.constant 0 : index
    %swap3A_59 = vector.load %arg9[%swap3A_56, %swap3A_57, %swap3A_58] : memref<1x8x128xf32, #tpu.memory_space<vmem>>, vector<1x8x128xf32>
    tpu.vector_store %arg9[%swap3A_56, %swap3A_57, %swap3A_58], %reshape3A_55 {strides = array<i32>} : memref<1x8x128xf32, #tpu.memory_space<vmem>>, vector<1x8x128xf32>,
    return
  }
  func.func @transform_0(%arg0: i32) -> (i32, i32, i32) {
    %c0_i32 = arith.constant 0 : i32
    %c0_i32_0 = arith.constant 0 : i32
    %c0_i32_1 = arith.constant 0 : i32
    return %c0_i32, %arg0, %c0_i32_0 : i32, i32, i32
  }
  func.func @transform_1(%arg0: i32) -> (i32, i32) {
    %c0_i32 = arith.constant 0 : i32
    %c0_i32_0 = arith.constant 0 : i32
    return %arg0, %c0_i32 : i32, i32
  }
  func.func @transform_2(%arg0: i32) -> (i32, i32, i32) {
    %c0_i32 = arith.constant 0 : i32
    %c0_i32_0 = arith.constant 0 : i32
    %c0_i32_1 = arith.constant 0 : i32
    return %c0_i32, %arg0, %c0_i32_0 : i32, i32, i32
  }
  func.func @transform_3(%arg0: i32) -> (i32, i32) {
    %c0_i32 = arith.constant 0 : i32
    %c0_i32_0 = arith.constant 0 : i32
    %c0_i32_1 = arith.constant 0 : i32
    return %c0_i32, %c0_i32_0 : i32, i32
  }
  func.func @transform_4(%arg0: i32) -> (i32, i32) {
    %c0_i32 = arith.constant 0 : i32
    %c0_i32_0 = arith.constant 0 : i32
    %c0_i32_1 = arith.constant 0 : i32
    return %c0_i32, %c0_i32_0 : i32, i32
  }
  func.func @transform_5(%arg0: i32) -> (i32, i32) {
    %c0_i32 = arith.constant 0 : i32
    %c0_i32_0 = arith.constant 0 : i32
    %c0_i32_1 = arith.constant 0 : i32
    return %c0_i32, %c0_i32_0 : i32, i32
  }
  func.func @transform_6(%arg0: i32) -> (i32, i32) {
    %c0_i32 = arith.constant 0 : i32
    %c0_i32_0 = arith.constant 0 : i32
    return %arg0, %c0_i32 : i32, i32
  }
  func.func @transform_7(%arg0: i32) -> (i32, i32, i32) {
    %c0_i32 = arith.constant 0 : i32
    %c0_i32_0 = arith.constant 0 : i32
    %c0_i32_1 = arith.constant 0 : i32
    return %arg0, %c0_i32, %c0_i32_0 : i32, i32, i32
  }
  func.func @transform_8(%arg0: i32) -> (i32, i32, i32) {
    %c0_i32 = arith.constant 0 : i32
    %c0_i32_0 = arith.constant 0 : i32
    %c0_i32_1 = arith.constant 0 : i32
    return %arg0, %c0_i32, %c0_i32_0 : i32, i32, i32
  }
}

module attributes {stable_mosaic.version = 14 : i64} {
  func.func @_tc_bn_inject_body(%arg0: i32, %arg1: memref<2000x128xf32, #tpu.memory_space<vmem>>, %arg2: memref<5x8x128xf32, #tpu.memory_space<vmem>>, %arg3: memref<5x8x128xf32, #tpu.memory_space<vmem>>, %arg4: memref<1x128xf32, #tpu.memory_space<vmem>>, %arg5: memref<1x128xf32, #tpu.memory_space<vmem>>, %arg6: memref<2x2000x128xf32, #tpu.memory_space<vmem>>, %arg7: memref<2x2000x128xf32, #tpu.memory_space<vmem>>, %arg8: memref<128x128xf32, #tpu.memory_space<vmem>>, %arg9: memref<1x128xf32, #tpu.memory_space<vmem>>, %arg10: memref<2000x128xf32, #tpu.memory_space<vmem>>) attributes {dimension_semantics = [#tpu.dimension_semantics<arbitrary>], iteration_bounds = array<i64: 5>, scalar_prefetch = 0 : i64, scratch_operands = 0 : i64, tpu.core_type = #tpu.core_type<tc>, window_params = [{transform_indices = @transform_0, window_bounds = array<i64: 2000, 128>}, {pipeline_mode = #tpu.pipeline_mode<synchronous>, transform_indices = @transform_1, window_bounds = array<i64: 5, 8, 128>}, {pipeline_mode = #tpu.pipeline_mode<synchronous>, transform_indices = @transform_2, window_bounds = array<i64: 5, 8, 128>}, {pipeline_mode = #tpu.pipeline_mode<synchronous>, transform_indices = @transform_3, window_bounds = array<i64: 1, 128>}, {pipeline_mode = #tpu.pipeline_mode<synchronous>, transform_indices = @transform_4, window_bounds = array<i64: 1, 128>}, {transform_indices = @transform_5, window_bounds = array<i64: 2, 2000, 128>}, {transform_indices = @transform_6, window_bounds = array<i64: 2, 2000, 128>}, {pipeline_mode = #tpu.pipeline_mode<synchronous>, transform_indices = @transform_7, window_bounds = array<i64: 128, 128>}, {pipeline_mode = #tpu.pipeline_mode<synchronous>, transform_indices = @transform_8, window_bounds = array<i64: 1, 128>}, {transform_indices = @transform_9, window_bounds = array<i64: 2000, 128>}]} {
    %get3A = arith.constant 0 : index
    %get3A_0 = arith.constant 0 : index
    %get3A_1 = arith.constant 0 : index
    %get3A_2 = vector.load %arg2[%get3A, %get3A_0, %get3A_1] : memref<5x8x128xf32, #tpu.memory_space<vmem>>, vector<5x8x128xf32>
    %reduce_sum3A = arith.constant dense<0.000000e+00> : vector<128xf32>
    %reduce_sum3A_3 = vector.multi_reduction <add>, %get3A_2, %reduce_sum3A [0, 1] : vector<5x8x128xf32> to vector<128xf32>
    %reshape3A = vector.shape_cast %reduce_sum3A_3 : vector<128xf32> to vector<1x128xf32>
    %mul3A = arith.constant 1.250000e-05 : f32
    %mul3A_4 = vector.broadcast %mul3A : f32 to vector<1x128xf32>
    %mul3A_5 = arith.mulf %reshape3A, %mul3A_4 : vector<1x128xf32>
    %get3A_6 = arith.constant 0 : index
    %get3A_7 = arith.constant 0 : index
    %get3A_8 = arith.constant 0 : index
    %get3A_9 = vector.load %arg3[%get3A_6, %get3A_7, %get3A_8] : memref<5x8x128xf32, #tpu.memory_space<vmem>>, vector<5x8x128xf32>
    %reduce_sum3A_10 = arith.constant dense<0.000000e+00> : vector<128xf32>
    %reduce_sum3A_11 = vector.multi_reduction <add>, %get3A_9, %reduce_sum3A_10 [0, 1] : vector<5x8x128xf32> to vector<128xf32>
    %reshape3A_12 = vector.shape_cast %reduce_sum3A_11 : vector<128xf32> to vector<1x128xf32>
    %mul3A_13 = arith.constant 1.250000e-05 : f32
    %mul3A_14 = vector.broadcast %mul3A_13 : f32 to vector<1x128xf32>
    %mul3A_15 = arith.mulf %reshape3A_12, %mul3A_14 : vector<1x128xf32>
    %mul3A_16 = arith.mulf %mul3A_5, %mul3A_5 : vector<1x128xf32>
    %sub3A = arith.subf %mul3A_15, %mul3A_16 : vector<1x128xf32>
    %get3A_17 = arith.constant 0 : index
    %get3A_18 = arith.constant 0 : index
    %get3A_19 = vector.load %arg1[%get3A_17, %get3A_18] : memref<2000x128xf32, #tpu.memory_space<vmem>>, vector<2000x128xf32>
    %sub3A_20 = vector.broadcast %mul3A_5 : vector<1x128xf32> to vector<2000x128xf32>
    %sub3A_21 = arith.subf %get3A_19, %sub3A_20 : vector<2000x128xf32>
    %add3A = arith.constant 9.99999974E-6 : f32
    %add3A_22 = vector.broadcast %add3A : f32 to vector<1x128xf32>
    %add3A_23 = arith.addf %sub3A, %add3A_22 : vector<1x128xf32>
    %rsqrt3A = math.rsqrt %add3A_23 : vector<1x128xf32>
    %mul3A_24 = vector.broadcast %rsqrt3A : vector<1x128xf32> to vector<2000x128xf32>
    %mul3A_25 = arith.mulf %sub3A_21, %mul3A_24 : vector<2000x128xf32>
    %get3A_26 = arith.constant 0 : index
    %get3A_27 = arith.constant 0 : index
    %get3A_28 = vector.load %arg4[%get3A_26, %get3A_27] : memref<1x128xf32, #tpu.memory_space<vmem>>, vector<1x128xf32>
    %mul3A_29 = vector.broadcast %get3A_28 : vector<1x128xf32> to vector<2000x128xf32>
    %mul3A_30 = arith.mulf %mul3A_25, %mul3A_29 : vector<2000x128xf32>
    %get3A_31 = arith.constant 0 : index
    %get3A_32 = arith.constant 0 : index
    %get3A_33 = vector.load %arg5[%get3A_31, %get3A_32] : memref<1x128xf32, #tpu.memory_space<vmem>>, vector<1x128xf32>
    %add3A_34 = vector.broadcast %get3A_33 : vector<1x128xf32> to vector<2000x128xf32>
    %add3A_35 = arith.addf %mul3A_30, %add3A_34 : vector<2000x128xf32>
    %max3A = arith.constant 0.000000e+00 : f32
    %max3A_36 = vector.broadcast %max3A : f32 to vector<2000x128xf32>
    %max3A_37 = arith.maximumf %add3A_35, %max3A_36 : vector<2000x128xf32>
    %get3A_38 = arith.constant 0 : index
    %get3A_39 = arith.constant 0 : index
    %get3A_40 = arith.constant 0 : index
    %get3A_41 = vector.load %arg6[%get3A_38, %get3A_39, %get3A_40] : memref<2x2000x128xf32, #tpu.memory_space<vmem>>, vector<1x2000x128xf32>
    %get3A_42 = vector.shape_cast %get3A_41 : vector<1x2000x128xf32> to vector<2000x128xf32>
    %get3A_43 = arith.constant 1 : index
    %get3A_44 = arith.constant 0 : index
    %get3A_45 = arith.constant 0 : index
    %get3A_46 = vector.load %arg6[%get3A_43, %get3A_44, %get3A_45] : memref<2x2000x128xf32, #tpu.memory_space<vmem>>, vector<1x2000x128xf32>
    %get3A_47 = vector.shape_cast %get3A_46 : vector<1x2000x128xf32> to vector<2000x128xf32>
    %add3A_48 = arith.addf %get3A_42, %get3A_47 : vector<2000x128xf32>
    %get3A_49 = arith.constant 0 : index
    %get3A_50 = arith.constant 0 : index
    %get3A_51 = arith.constant 1 : index
    %get3A_52 = vector.load %arg7[%get3A_49, %get3A_50, %get3A_51] : memref<2x2000x128xf32, #tpu.memory_space<vmem>>, vector<1x2000x1xf32>
    %get3A_53 = vector.shape_cast %get3A_52 : vector<1x2000x1xf32> to vector<2000x1xf32>
    %get3A_54 = arith.constant 1 : index
    %get3A_55 = arith.constant 0 : index
    %get3A_56 = arith.constant 1 : index
    %get3A_57 = vector.load %arg7[%get3A_54, %get3A_55, %get3A_56] : memref<2x2000x128xf32, #tpu.memory_space<vmem>>, vector<1x2000x1xf32>
    %get3A_58 = vector.shape_cast %get3A_57 : vector<1x2000x1xf32> to vector<2000x1xf32>
    %add3A_59 = arith.addf %get3A_53, %get3A_58 : vector<2000x1xf32>
    %get3A_60 = arith.constant 0 : index
    %get3A_61 = arith.constant 0 : index
    %get3A_62 = vector.load %arg8[%get3A_60, %get3A_61] : memref<128x128xf32, #tpu.memory_space<vmem>>, vector<128x128xf32>
    %convert_element_type3A = arith.truncf %get3A_62 : vector<128x128xf32> to vector<128x128xbf16>
    %convert_element_type3A_63 = arith.extf %convert_element_type3A : vector<128x128xbf16> to vector<128x128xf32>
    %dot_general3A = arith.constant dense<0.000000e+00> : vector<2000x128xf32>
    %dot_general3A_64 = tpu.matmul %add3A_48, %convert_element_type3A_63, %dot_general3A {dimension_numbers = #tpu.dot_dimension_numbers<[1], [0], [0], [1], [0, 0, 1, 1], [], []>, precision = #tpu.contract_precision<fp32>, transpose_lhs_hint = false} : vector<2000x128xf32>, vector<128x128xf32>, vector<2000x128xf32> -> vector<2000x128xf32>
    %add3A_65 = arith.addf %max3A_37, %dot_general3A_64 : vector<2000x128xf32>
    %get3A_66 = arith.constant 0 : index
    %get3A_67 = arith.constant 0 : index
    %get3A_68 = vector.load %arg9[%get3A_66, %get3A_67] : memref<1x128xf32, #tpu.memory_space<vmem>>, vector<1x128xf32>
    %mul3A_69 = vector.broadcast %add3A_59 : vector<2000x1xf32> to vector<2000x128xf32>
    %mul3A_70 = vector.broadcast %get3A_68 : vector<1x128xf32> to vector<2000x128xf32>
    %mul3A_71 = arith.mulf %mul3A_69, %mul3A_70 : vector<2000x128xf32>
    %add3A_72 = arith.addf %add3A_65, %mul3A_71 : vector<2000x128xf32>
    %swap3A = arith.constant 0 : index
    %swap3A_73 = arith.constant 0 : index
    %swap3A_74 = vector.load %arg10[%swap3A, %swap3A_73] : memref<2000x128xf32, #tpu.memory_space<vmem>>, vector<2000x128xf32>
    tpu.vector_store %arg10[%swap3A, %swap3A_73], %add3A_72 {strides = array<i32>} : memref<2000x128xf32, #tpu.memory_space<vmem>>, vector<2000x128xf32>,
    return
  }
  func.func @transform_0(%arg0: i32) -> (i32, i32) {
    %c0_i32 = arith.constant 0 : i32
    %c0_i32_0 = arith.constant 0 : i32
    return %arg0, %c0_i32 : i32, i32
  }
  func.func @transform_1(%arg0: i32) -> (i32, i32, i32) {
    %c0_i32 = arith.constant 0 : i32
    %c0_i32_0 = arith.constant 0 : i32
    %c0_i32_1 = arith.constant 0 : i32
    %c0_i32_2 = arith.constant 0 : i32
    return %c0_i32, %c0_i32_0, %c0_i32_1 : i32, i32, i32
  }
  func.func @transform_2(%arg0: i32) -> (i32, i32, i32) {
    %c0_i32 = arith.constant 0 : i32
    %c0_i32_0 = arith.constant 0 : i32
    %c0_i32_1 = arith.constant 0 : i32
    %c0_i32_2 = arith.constant 0 : i32
    return %c0_i32, %c0_i32_0, %c0_i32_1 : i32, i32, i32
  }
  func.func @transform_3(%arg0: i32) -> (i32, i32) {
    %c0_i32 = arith.constant 0 : i32
    %c0_i32_0 = arith.constant 0 : i32
    %c0_i32_1 = arith.constant 0 : i32
    return %c0_i32, %c0_i32_0 : i32, i32
  }
  func.func @transform_4(%arg0: i32) -> (i32, i32) {
    %c0_i32 = arith.constant 0 : i32
    %c0_i32_0 = arith.constant 0 : i32
    %c0_i32_1 = arith.constant 0 : i32
    return %c0_i32, %c0_i32_0 : i32, i32
  }
  func.func @transform_5(%arg0: i32) -> (i32, i32, i32) {
    %c0_i32 = arith.constant 0 : i32
    %c0_i32_0 = arith.constant 0 : i32
    %c0_i32_1 = arith.constant 0 : i32
    return %c0_i32, %arg0, %c0_i32_0 : i32, i32, i32
  }
  func.func @transform_6(%arg0: i32) -> (i32, i32, i32) {
    %c0_i32 = arith.constant 0 : i32
    %c0_i32_0 = arith.constant 0 : i32
    %c0_i32_1 = arith.constant 0 : i32
    return %c0_i32, %arg0, %c0_i32_0 : i32, i32, i32
  }
  func.func @transform_7(%arg0: i32) -> (i32, i32) {
    %c0_i32 = arith.constant 0 : i32
    %c0_i32_0 = arith.constant 0 : i32
    %c0_i32_1 = arith.constant 0 : i32
    return %c0_i32, %c0_i32_0 : i32, i32
  }
  func.func @transform_8(%arg0: i32) -> (i32, i32) {
    %c0_i32 = arith.constant 0 : i32
    %c0_i32_0 = arith.constant 0 : i32
    %c0_i32_1 = arith.constant 0 : i32
    return %c0_i32, %c0_i32_0 : i32, i32
  }
  func.func @transform_9(%arg0: i32) -> (i32, i32) {
    %c0_i32 = arith.constant 0 : i32
    %c0_i32_0 = arith.constant 0 : i32
    return %arg0, %c0_i32 : i32, i32
  }
}

module attributes {stable_mosaic.version = 14 : i64} {
  func.func @_tc_bn_fin_body(%arg0: i32, %arg1: memref<2000x128xf32, #tpu.memory_space<vmem>>, %arg2: memref<5x8x128xf32, #tpu.memory_space<vmem>>, %arg3: memref<5x8x128xf32, #tpu.memory_space<vmem>>, %arg4: memref<1x128xf32, #tpu.memory_space<vmem>>, %arg5: memref<1x128xf32, #tpu.memory_space<vmem>>, %arg6: memref<2000x128xf32, #tpu.memory_space<vmem>>) attributes {dimension_semantics = [#tpu.dimension_semantics<arbitrary>], iteration_bounds = array<i64: 5>, scalar_prefetch = 0 : i64, scratch_operands = 0 : i64, tpu.core_type = #tpu.core_type<tc>, window_params = [{transform_indices = @transform_0, window_bounds = array<i64: 2000, 128>}, {pipeline_mode = #tpu.pipeline_mode<synchronous>, transform_indices = @transform_1, window_bounds = array<i64: 5, 8, 128>}, {pipeline_mode = #tpu.pipeline_mode<synchronous>, transform_indices = @transform_2, window_bounds = array<i64: 5, 8, 128>}, {pipeline_mode = #tpu.pipeline_mode<synchronous>, transform_indices = @transform_3, window_bounds = array<i64: 1, 128>}, {pipeline_mode = #tpu.pipeline_mode<synchronous>, transform_indices = @transform_4, window_bounds = array<i64: 1, 128>}, {transform_indices = @transform_5, window_bounds = array<i64: 2000, 128>}]} {
    %get3A = arith.constant 0 : index
    %get3A_0 = arith.constant 0 : index
    %get3A_1 = arith.constant 0 : index
    %get3A_2 = vector.load %arg2[%get3A, %get3A_0, %get3A_1] : memref<5x8x128xf32, #tpu.memory_space<vmem>>, vector<5x8x128xf32>
    %reduce_sum3A = arith.constant dense<0.000000e+00> : vector<128xf32>
    %reduce_sum3A_3 = vector.multi_reduction <add>, %get3A_2, %reduce_sum3A [0, 1] : vector<5x8x128xf32> to vector<128xf32>
    %reshape3A = vector.shape_cast %reduce_sum3A_3 : vector<128xf32> to vector<1x128xf32>
    %mul3A = arith.constant 1.250000e-05 : f32
    %mul3A_4 = vector.broadcast %mul3A : f32 to vector<1x128xf32>
    %mul3A_5 = arith.mulf %reshape3A, %mul3A_4 : vector<1x128xf32>
    %get3A_6 = arith.constant 0 : index
    %get3A_7 = arith.constant 0 : index
    %get3A_8 = arith.constant 0 : index
    %get3A_9 = vector.load %arg3[%get3A_6, %get3A_7, %get3A_8] : memref<5x8x128xf32, #tpu.memory_space<vmem>>, vector<5x8x128xf32>
    %reduce_sum3A_10 = arith.constant dense<0.000000e+00> : vector<128xf32>
    %reduce_sum3A_11 = vector.multi_reduction <add>, %get3A_9, %reduce_sum3A_10 [0, 1] : vector<5x8x128xf32> to vector<128xf32>
    %reshape3A_12 = vector.shape_cast %reduce_sum3A_11 : vector<128xf32> to vector<1x128xf32>
    %mul3A_13 = arith.constant 1.250000e-05 : f32
    %mul3A_14 = vector.broadcast %mul3A_13 : f32 to vector<1x128xf32>
    %mul3A_15 = arith.mulf %reshape3A_12, %mul3A_14 : vector<1x128xf32>
    %mul3A_16 = arith.mulf %mul3A_5, %mul3A_5 : vector<1x128xf32>
    %sub3A = arith.subf %mul3A_15, %mul3A_16 : vector<1x128xf32>
    %get3A_17 = arith.constant 0 : index
    %get3A_18 = arith.constant 0 : index
    %get3A_19 = vector.load %arg1[%get3A_17, %get3A_18] : memref<2000x128xf32, #tpu.memory_space<vmem>>, vector<2000x128xf32>
    %sub3A_20 = vector.broadcast %mul3A_5 : vector<1x128xf32> to vector<2000x128xf32>
    %sub3A_21 = arith.subf %get3A_19, %sub3A_20 : vector<2000x128xf32>
    %add3A = arith.constant 9.99999974E-6 : f32
    %add3A_22 = vector.broadcast %add3A : f32 to vector<1x128xf32>
    %add3A_23 = arith.addf %sub3A, %add3A_22 : vector<1x128xf32>
    %rsqrt3A = math.rsqrt %add3A_23 : vector<1x128xf32>
    %mul3A_24 = vector.broadcast %rsqrt3A : vector<1x128xf32> to vector<2000x128xf32>
    %mul3A_25 = arith.mulf %sub3A_21, %mul3A_24 : vector<2000x128xf32>
    %get3A_26 = arith.constant 0 : index
    %get3A_27 = arith.constant 0 : index
    %get3A_28 = vector.load %arg4[%get3A_26, %get3A_27] : memref<1x128xf32, #tpu.memory_space<vmem>>, vector<1x128xf32>
    %mul3A_29 = vector.broadcast %get3A_28 : vector<1x128xf32> to vector<2000x128xf32>
    %mul3A_30 = arith.mulf %mul3A_25, %mul3A_29 : vector<2000x128xf32>
    %get3A_31 = arith.constant 0 : index
    %get3A_32 = arith.constant 0 : index
    %get3A_33 = vector.load %arg5[%get3A_31, %get3A_32] : memref<1x128xf32, #tpu.memory_space<vmem>>, vector<1x128xf32>
    %add3A_34 = vector.broadcast %get3A_33 : vector<1x128xf32> to vector<2000x128xf32>
    %add3A_35 = arith.addf %mul3A_30, %add3A_34 : vector<2000x128xf32>
    %max3A = arith.constant 0.000000e+00 : f32
    %max3A_36 = vector.broadcast %max3A : f32 to vector<2000x128xf32>
    %max3A_37 = arith.maximumf %add3A_35, %max3A_36 : vector<2000x128xf32>
    %swap3A = arith.constant 0 : index
    %swap3A_38 = arith.constant 0 : index
    %swap3A_39 = vector.load %arg6[%swap3A, %swap3A_38] : memref<2000x128xf32, #tpu.memory_space<vmem>>, vector<2000x128xf32>
    tpu.vector_store %arg6[%swap3A, %swap3A_38], %max3A_37 {strides = array<i32>} : memref<2000x128xf32, #tpu.memory_space<vmem>>, vector<2000x128xf32>,
    return
  }
  func.func @transform_0(%arg0: i32) -> (i32, i32) {
    %c0_i32 = arith.constant 0 : i32
    %c0_i32_0 = arith.constant 0 : i32
    return %arg0, %c0_i32 : i32, i32
  }
  func.func @transform_1(%arg0: i32) -> (i32, i32, i32) {
    %c0_i32 = arith.constant 0 : i32
    %c0_i32_0 = arith.constant 0 : i32
    %c0_i32_1 = arith.constant 0 : i32
    %c0_i32_2 = arith.constant 0 : i32
    return %c0_i32, %c0_i32_0, %c0_i32_1 : i32, i32, i32
  }
  func.func @transform_2(%arg0: i32) -> (i32, i32, i32) {
    %c0_i32 = arith.constant 0 : i32
    %c0_i32_0 = arith.constant 0 : i32
    %c0_i32_1 = arith.constant 0 : i32
    %c0_i32_2 = arith.constant 0 : i32
    return %c0_i32, %c0_i32_0, %c0_i32_1 : i32, i32, i32
  }
  func.func @transform_3(%arg0: i32) -> (i32, i32) {
    %c0_i32 = arith.constant 0 : i32
    %c0_i32_0 = arith.constant 0 : i32
    %c0_i32_1 = arith.constant 0 : i32
    return %c0_i32, %c0_i32_0 : i32, i32
  }
  func.func @transform_4(%arg0: i32) -> (i32, i32) {
    %c0_i32 = arith.constant 0 : i32
    %c0_i32_0 = arith.constant 0 : i32
    %c0_i32_1 = arith.constant 0 : i32
    return %c0_i32, %c0_i32_0 : i32, i32
  }
  func.func @transform_5(%arg0: i32) -> (i32, i32) {
    %c0_i32 = arith.constant 0 : i32
    %c0_i32_0 = arith.constant 0 : i32
    return %arg0, %c0_i32 : i32, i32
  }
}

</mosaic_0001>

<sc_bundles>
// kernel: kernel.17.cloned.1.call-start
scs
__scs_entry_jumppad:
0x0: {  	(pc) =	sbr.rel $0x88, $3  }
0x1: {  	(tag) =	ssettag $0x0;
	lr =	simm.s32 $0x1  }
0x2: {  	[smem:$0x3F83] =	sst lr;
	_ =	strace $0xD0000000  }
0x3: {  	_ = 	snop  }
0x4: {  	_ = 	snop  }
0x5: {  	_ = 	snop  }
0x6: {  	_ = 	snop  }
0x7: {  	_ = 	snop  }
__scs_overlays_trampoline_lowered:
0x8: {  	[smem:$0x3F92] =	sst s0  }
0x9: {  	[smem:$0x3F93] =	sst s1  }
0xa: {  	[smem:$0x3F94] =	sst s2  }
0xb: {  	[smem:$0x3F95] =	sst s3  }
0xc: {  	[smem:$0x3F96] =	sst s4  }
0xd: {  	[smem:$0x3F97] =	sst s5  }
0xe: {  	[smem:$0x3F98] =	sst s6  }
0xf: {  	[smem:$0x3F99] =	sst s7  }
0x10: {  	[smem:$0x3F9A] =	sst s8  }
0x11: {  	[smem:$0x3F9B] =	sst s9;
	s0 =	simm.s32 @!p0 $0x0  }
0x12: {  	s1 =	sld [smem:$0x3F81];
	s0 =	simm.s32 @p0 $0x1  }
0x13: {  	[smem:$0x3F9C] =	sst s0;
	s0 =	simm.s32 @!p1 $0x0  }
0x14: {  	s2 =	sld [smem:$0x3F80];
	s0 =	simm.s32 @p1 $0x1  }
0x15: {  	[smem:$0x3F9D] =	sst s0;
	s0 =	simm.s32 @!p2 $0x0  }
0x16: {  	s3 =	sld [smem:$0x3FDB];
	s0 =	simm.s32 @p2 $0x1  }
0x17: {  	s4 =	simm.s32 $0x1BF5;
	[smem:$0x3F9F] =	sst s0  }
0x18: {  	s0 =	sld [smem:$0x3F82];
	_ =	swait.ge [sflag:s4], $0x0  }
0x19: {  	s7 =	sld [smem:$0x3F83]  }
0x1a: {  	s8 =	sadd.s32 $0xFFFFE003, lr  }
0x1b: {  	s9 =	sadd.s32 $0xFFFFFEF7, lr;
	s5 =	simm.s32 $0xFFFFFFFF;
	p2 =	slt.u32 s8, $0xFFFFF086  }
0x1c: {  	p1 =	slt.u32 s9, $0xF7A;
	s5 =	simm.s32 @!p2 $0x0  }
0x1d: {  	s5 =	simm.s32 @p1 $0x1;
	p0 =	seq.s32 s7, s2  }
0x1e: {  	s7 =	smul.u32 @!p0 $0xF7A, s2;
	p2 =	seq.s32 @!p0 s5, $0x0  }
0x1f: {  	s9 =	smul.u32 $0xF7A, s1;
	s8 =	simm.s32 @!p0 $0x1BF5;
	p2 =	por !p2, p0  }
0x20: {  	[sflag:s8] =	ssyncset.s32 @!p0 $0xFFFFF086;
	s6 =	sadd.s32 @!p0 s3, s7;
	s7 =	simm.s32 @!p0 $0x108  }
0x21: {  	s3 =	sadd.s32 s3, s9;
	s6 =	sadd.s32 @!p0 $0x88, s6;
	s7 =	simm.s32 @p2 $0x1082  }
0x22: {  	[simem:s7], [sflag:s8] =	dma.local @!p0 [hbm:s6], $0xF7A  }
0x23: {  	s9 =	sor.u32 $0xD0000000, s2;
	s6 =	simm.s32 $0x108;
	_ =	swait.ge @!p0 [sflag:s8], $0x0  }
0x24: {  	s3 =	sadd.s32 $0x88, s3;
	s6 =	simm.s32 @!p1 $0x1082;
	[sflag:s4] =	ssyncset.s32 $0xFFFFF086  }
0x25: {  	[simem:s6], [sflag:s4] =	dma.local [hbm:s3], $0xF7A  }
0x26: {  	[smem:$0x3F83] =	sst s1;
	(tag) =	ssettag s2;
	_ =	strace s9  }
0x27: {  	s1 =	sld [smem:$0x3F93]  }
0x28: {  	s2 =	sld [smem:$0x3F94]  }
0x29: {  	s4 =	sld [smem:$0x3F96]  }
0x2a: {  	p0 =	seq.s32 s5, $0x0;
	s5 =	sld [smem:$0x3F97]  }
0x2b: {  	s6 =	sld [smem:$0x3F98]  }
0x2c: {  	s7 =	sld [smem:$0x3F99]  }
0x2d: {  	s3 =	simm.s32 $0x108;
	s8 =	sld [smem:$0x3F9A]  }
0x2e: {  	s3 =	simm.s32 @!p0 $0x1082;
	s9 =	sld [smem:$0x3F9B]  }
0x2f: {  	lr =	sadd.s32 s0, s3;
	s0 =	sld [smem:$0x3F92]  }
0x30: {  	s3 =	sld [smem:$0x3F95]  }
0x31: {  	[smem:$0x3F9E] =	sst s10  }
0x32: {  	s10 =	sld [smem:$0x3F9C];
	_ =	sdelay $0x3  }
0x33: {  	p0 =	seq.s32 s10, $0x1;
	s10 =	sld [smem:$0x3F9E];
	_ =	sdelay $0x3  }
0x34: {  	[smem:$0x3F9E] =	sst s10  }
0x35: {  	s10 =	sld [smem:$0x3F9D];
	_ =	sdelay $0x3  }
0x36: {  	p1 =	seq.s32 s10, $0x1;
	s10 =	sld [smem:$0x3F9E];
	_ =	sdelay $0x3  }
0x37: {  	[smem:$0x3F9E] =	sst s10  }
0x38: {  	s10 =	sld [smem:$0x3F9F]  }
0x39: {  	_ = 	snop;
	(pc) =	sbr.ind lr, $3  }
0x3a: {  	_ = 	snop  }
0x3b: {  	_ = 	snop  }
0x3c: {  	p2 =	seq.s32 s10, $0x1;
	s10 =	sld [smem:$0x3F9E]  }
0x3d: {  	_ =	shalt  }
0x3e: {  	_ =	shalt  }
0x3f: {  	_ =	shalt  }
0x40: {  	_ =	shalt  }
0x41: {  	_ =	shalt  }
0x42: {  	_ =	shalt  }
0x43: {  	_ =	shalt  }
0x44: {  	_ =	shalt  }
0x45: {  	_ =	shalt  }
0x46: {  	_ =	shalt  }
0x47: {  	_ =	shalt  }
0x48: {  	_ =	shalt  }
0x49: {  	_ =	shalt  }
0x4a: {  	_ =	shalt  }
0x4b: {  	_ =	shalt  }
0x4c: {  	_ =	shalt  }
0x4d: {  	_ =	shalt  }
0x4e: {  	_ =	shalt  }
0x4f: {  	_ =	shalt  }
0x50: {  	_ =	shalt  }
0x51: {  	_ =	shalt  }
0x52: {  	_ =	shalt  }
0x53: {  	_ =	shalt  }
0x54: {  	_ =	shalt  }
0x55: {  	_ =	shalt  }
0x56: {  	_ =	shalt  }
0x57: {  	_ =	shalt  }
0x58: {  	_ =	shalt  }
0x59: {  	_ =	shalt  }
0x5a: {  	_ =	shalt  }
0x5b: {  	_ =	shalt  }
0x5c: {  	_ =	shalt  }
0x5d: {  	_ =	shalt  }
0x5e: {  	_ =	shalt  }
0x5f: {  	_ =	shalt  }
0x60: {  	_ =	shalt  }
0x61: {  	_ =	shalt  }
0x62: {  	_ =	shalt  }
0x63: {  	_ =	shalt  }
0x64: {  	_ =	shalt  }
0x65: {  	_ =	shalt  }
0x66: {  	_ =	shalt  }
0x67: {  	_ =	shalt  }
0x68: {  	_ =	shalt  }
0x69: {  	_ =	shalt  }
0x6a: {  	_ =	shalt  }
0x6b: {  	_ =	shalt  }
0x6c: {  	_ =	shalt  }
0x6d: {  	_ =	shalt  }
0x6e: {  	_ =	shalt  }
0x6f: {  	_ =	shalt  }
0x70: {  	_ =	shalt  }
0x71: {  	_ =	shalt  }
0x72: {  	_ =	shalt  }
0x73: {  	_ =	shalt  }
0x74: {  	_ =	shalt  }
0x75: {  	_ =	shalt  }
0x76: {  	_ =	shalt  }
0x77: {  	_ =	shalt  }
0x78: {  	_ =	shalt  }
0x79: {  	_ =	shalt  }
0x7a: {  	_ =	shalt  }
0x7b: {  	_ =	shalt  }
0x7c: {  	_ =	shalt  }
0x7d: {  	_ =	shalt  }
0x7e: {  	_ =	shalt  }
0x7f: {  	_ =	shalt  }
0x80: {  	_ =	shalt  }
0x81: {  	_ =	shalt  }
0x82: {  	_ =	shalt  }
0x83: {  	_ =	shalt  }
0x84: {  	_ =	shalt  }
0x85: {  	_ =	shalt  }
0x86: {  	_ =	shalt  }
0x87: {  	_ =	shalt  }
.Lfunc_end0:
.L_simem_size_0:
called_computation_lowered:
.L_overlay_start_0:
0x88: {  	s2 =	sld [smem:$0x3FD9]  }
0x89: {  	s3 =	sld [smem:$0x3FFE];
	_ =	sdelay $0x1  }
0x8a: {  	s1 =	srdreg.scid  }
0x8b: {  	s0 =	sand.u32 $0x1, s1  }
0x8c: {  	s16 =	sshll.u32 s0, $0xA;
	s2 =	sadd.s32 s3, s2  }
0x8d: {  	s2 =	sadd.s32 s2, s16  }
0x8e: {  	[smem:$0x3FAA] =	sst s2  }
0x8f: {  	_ = 	snop  }
0x90: {  	(tm) =	ssettm $0x1  }
0x91: {  	s17 =	sld [smem:$0x3FFB];
	_ =	sdelay $0x3  }
0x92: {  	_ =	strace s17  }
0x93: {  	s2 =	sld [smem:$0x3FFC];
	_ =	sdelay $0x3  }
0x94: {  	_ =	strace s2  }
0x95: {  	s2 =	sld [smem:$0x3FFD];
	_ =	sdelay $0x3  }
0x96: {  	_ =	strace s2  }
0x97: {  	_ =	strace $0x8FFFFFFF  }
0x98: {  	s18 =	sld [smem:$0x3FDB];
	_ =	sdelay $0x1  }
0x99: {  	s19 =	simm.s32 $_scs_section_size  }
0x9a: {  	s4 =	simm.s32 $_size__tile_overlayer_lowered;
	s5 =	simm.s32 $_tile_overlayer_lowered  }
0x9b: {  	s22 =	simm.s32 $0x1BFF;
	s21 =	sshll.u32 s5, $0x1;
	s2 =	sadd.s32 s19, s18  }
0x9c: {  	s6 =	simm.s32 $0x0;
	s20 =	sshll.u32 s4, $0x1;
	s4 =	sadd.s32 s21, s2  }
0x9d: {  	[timem:s6], [sflag:s22] =	dma.local [hbm:s4], s20  }
0x9e: {  	_ =	swait.ge [sflag:s22], s20  }
0x9f: {  	s3 =	ssub.s32 $0x0, s20;
	[sflag:s22] =	ssyncset.done $0x0  }
0xa0: {  	[sflag:s22] =	ssyncadd.s32 s3;
	_ =	sdelay $0x1  }
0xa1: {  	s23 =	simm.s32 $0x1B8B  }
0xa2: {  	_ =	swait.ge [sflag:s23], $0x1  }
0xa3: {  	[sflag:s23] =	ssyncset.done $0x0  }
0xa4: {  	s25 =	simm.s32 $0x1B8E;
	s24 =	sld [smem:$0x3FFE];
	[sflag:s23] =	ssyncadd.s32 $0xFFFFFFFF  }
0xa5: {  	s26 =	simm.s32 $execute0_lowered;
	[smem:$0x3FD2] =	sst s25  }
0xa6: {  	s4 =	sshll.u32 s26, $0x1;
	_ =	strace $0x80000046;
	[dreg:$0x1] =	wrdreg $0xFFFFFFFF  }
0xa7: {  	s28 =	simm.s32 $_size_execute0_lowered;
	s2 =	sadd.s32 s2, s4;
	[dreg:$0x0] =	wrdreg $0x0  }
0xa8: {  	s4 =	sshll.u32 s28, $0x1;
	[dreg:$0x2] =	wrdreg s2  }
0xa9: {  	[dreg:$0x3] =	wrdreg s4  }
0xaa: {  	[dreg:$0x4] =	wrdreg $0xC0  }
0xab: {  	_ =	task [dreg:s6], $0x5FFFF  }
0xac: {  	[dreg:$0x1] =	wrdreg $0xFFFFFFFF  }
0xad: {  	[dreg:$0x0] =	wrdreg $0x60  }
0xae: {  	[dreg:$0x2] =	wrdreg s24  }
0xaf: {  	[dreg:$0x3] =	wrdreg $0x68000  }
0xb0: {  	[dreg:$0x4] =	wrdreg $0x9  }
0xb1: {  	_ =	task.clear_ibuf [dreg:s6], $0x5FFFF;
	_ =	strace $0x90000046  }
0xb2: {  	s29 =	simm.s32 $0x9;
	_ =	strace $0x80000048  }
0xb3: {  	_ =	swait.ge [sflag:s29], $0x1  }
0xb4: {  	[sflag:s29] =	ssyncadd.s32 $0xFFFFFFFF  }
0xb5: {  	_ =	strace $0x90000048  }
0xb6: {  	_ =	sfence  }
0xb7: {  	s30 =	sld [smem:$0x0];
	_ =	sdelay $0x2  }
0xb8: {  	s31 =	sshll.u32 s1, $0xD;
	s1 =	sshrl.u32 s1, $0x2  }
0xb9: {  	s3 =	sand.u32 $0x4000, s31;
	s1 =	sadd.s32 s1, s30  }
0xba: {  	s0 =	sor.u32 s3, s0;
	s1 =	sshll.u32 s1, $0x11  }
0xbb: {  	s0 =	sor.u32 s1, s0  }
0xbc: {  	s0 =	sadd.s32 $0x8F2B, s0  }
0xbd: {  	[sflag:s0] =	ssyncadd.remote.s32 $0x1  }
0xbe: {  	_ =	sfence.sel $0xFFFF  }
0xbf: {  	[dreg:$0x0] =	wrdreg $0xFFFFFFFF;
	(pc) =	sbr.abs _section_cstart, $3  }
0xc0: {  	[dreg:$0x1] =	wrdreg $0xFFFFFFFF  }
0xc1: {  	_ =	task.clear_ibuf [dreg:s6], $0x2FFFF;
	_ =	strace $0x9FFFFFFF  }
0xc2: {  	(tm) =	ssettm $0x7FFFFFFF  }
0xc3: {  	_ =	shalt  }
tec
execute0_lowered:
.L_overlay_start_1:
0x0: {  	(tag) =	ssettag $0x1  }
0x1: {  	s5 =	rddreg [dreg:$0x0]  }
0x2: {  	s1 =	rddreg [dreg:$0x1]  }
0x3: {  	s2 =	srdreg.scid;
	s0 =	rddreg [dreg:$0x2]  }
0x4: {  	s3 =	simm.s32 $0x0;
	s13 =	simm.s32 $0x50;
	s4 =	sand.u32 $0x1, s2  }
0x5: {  	s14 =	simm.s32 $0x0;
	s2 =	stileid.u32;
	s6 =	smul.u32 $0x271000, s4  }
0x6: {  	[smem:$0x7FF] =	sst s3;
	s7 =	smul.u32 $0x140000, s4;
	s8 =	sshll.u32 s2, $0xB  }
0x7: {  	s9 =	sshll.u32 s4, $0xF;
	s10 =	smul.u32 $0x14000, s2;
	_ =	strace $0x80000047  }
0x8: {  	s24 =	ssub.s32 $0x2, s4;
	s26 =	smul.u32 $0x50000, s2;
	s4 =	sadd.s32 $0x7400, s5  }
0x9: {  	s29 =	sshll.u32 s2, $0x6;
	s30 =	smul.u32 $0x27100, s2;
	s23 =	sor.u32 s8, s9  }
0xa: {  	s25 =	sshrl.u32 s24, $0x1;
	s11 =	sadd.s32 s6, s5;
	s6 =	sadd.s32 s23, s5  }
0xb: {  	s7 =	sadd.s32 s10, s7;
	s8 =	ssub.s32 s24, s25;
	s28 =	sshrl.u32 s26, $0x2  }
0xc: {  	s7 =	sshrl.u32 s7, $0x3;
	s12 =	sadd.s32 s28, s1;
	s6 =	sadd.s32 $0x4F3200, s6  }
0xd: {  	s8 =	smax.u32 s8, $0x1;
	s31 =	sadd.s32 s30, s11;
	s11 =	simm.s32 $0x1  }
0xe: {  	s7 =	sadd.s32 s7, s5;
	s5 =	sor.u32 $0x1C01, s29;
	s9 =	sadd.s32 $0x503200, s31  }
0xf: {  	s10 =	sshrl.u32 s12, $0x3;
	s12 =	simm.s32 $0x4000;
	s7 =	sadd.s32 $0x9C00, s7  }
.LBB2_1:
0x10: {  	[spmem:s10], [sflag:s5] =	dma.local [hbm:s4], $0x2800  }
0x11: {  	_ =	swait.ge [sflag:s11], $0x2800  }
0x12: {  	[sflag:s11] =	ssyncset.done $0x0  }
0x13: {  	[sflag:s11] =	ssyncadd.s32 $0xFFFFD800  }
0x14: {  	[tilespmem:s3], [sflag:$0x1] =	stream.linear.gather [hbm4b:s6+s3], $0x3E80, $0x38;
	[tilespmem:$0x1A800] =	vst v63  }
0x15: {  	_ =	swait.ge [sflag:s11], $0x3E80  }
0x16: {  	[sflag:s11] =	ssyncset.done $0x0  }
0x17: {  	[sflag:s11] =	ssyncadd.s32 $0xFFFFC180  }
0x18: {  	[bflag:$0x0] =	sbarrier.arrive $0xFFFF  }
0x19: {  	[tilespmem:s12], [sflag:$0x1] =	stream.linear.gather [hbm4b:s9+s3], $0x2800, $0x38;
	[tilespmem:$0x1A800] =	vst v63  }
0x1a: {  	_ =	swait.ge [sflag:s11], $0x2800  }
0x1b: {  	[sflag:s11] =	ssyncset.done $0x0  }
0x1c: {  	s15 =	simm.s32 $0x0;
	[sflag:s11] =	ssyncadd.s32 $0xFFFFD800  }
0x1d: {  	[spmem:s1] =	stream.indirect.scatter.add.f32 [tilespmem:s12], [sflag:$0x1], $0x80, s15, s13, $0xb8;
	[tilespmem:$0x1A800] =	vst v63  }
0x1e: {  	_ =	swait.ge [sflag:s11], $0x2800  }
0x1f: {  	s16 =	smov.u32 s9;
	s15 =	simm.s32 $0x200;
	[sflag:s11] =	ssyncset.done $0x0  }
.LBB2_2:
0x20: {  	p0 =	sne.s32 s15, $0xF800;
	[sflag:s11] =	ssyncadd.s32 $0xFFFFD800;
	s16 =	sadd.s32 $0x500, s16  }
0x21: {  	[tilespmem:s12], [sflag:$0x1] =	stream.linear.gather [hbm4b:s16+s3], $0x2800, $0x38;
	[tilespmem:$0x1A800] =	vst v63  }
0x22: {  	s17 =	smov.u32 s15;
	s15 =	sadd.s32 $0x200, s15;
	_ =	swait.ge [sflag:s11], $0x2800  }
.Ltmp0:
0x23: {  	[sflag:s11] =	ssyncset.done $0x0;
	(pc) =	sbr.rel @p0 .LBB2_2-.Ltmp0, $4  }
0x24: {  	s17 =	sshra.s32 s17, $0x2;
	[sflag:s11] =	ssyncadd.s32 $0xFFFFD800  }
0x25: {  	[spmem:s1] =	stream.indirect.scatter.add.f32 [tilespmem:s12], [sflag:$0x1], $0x80, s17, s13, $0xb8;
	[tilespmem:$0x1A800] =	vst v63  }
0x26: {  	_ =	swait.ge [sflag:s11], $0x2800  }
0x27: {  	[sflag:s11] =	ssyncset.done $0x0  }
0x28: {  	s14 =	sadd.s32 $0x1, s14  }
0x29: {  	[sflag:s11] =	ssyncadd.s32 $0xFFFFD800;
	p0 =	sne.s32 s14, s8  }
.Ltmp1:
0x2a: {  	[bflag:$0x0] =	sbarrier.arrive $0xFFFF;
	(pc) =	sbr.rel @p0 .LBB2_1-.Ltmp1, $4  }
0x2b: {  	[hbm:s7], [sflag:s5] =	dma.local [spmem:s10], $0x2800  }
0x2c: {  	_ =	swait.ge [sflag:s11], $0x2800  }
0x2d: {  	[sflag:s11] =	ssyncset.done $0x0  }
0x2e: {  	[sflag:s11] =	ssyncadd.s32 $0xFFFFD800  }
0x2f: {  	_ =	sfence.sel $0x180000  }
0x30: {  	[bflag:$0x0] =	sbarrier.arrive $0xFFFF  }
0x31: {  	p0 =	sne.s32 s2, $0x0;
	_ =	strace $0x90000047  }
0x32: {  	s0 =	sadd.s32 @!p0 $0x100000, s0;
	[bflag:$0x2] =	sbarrier.arrive $0xFFFF  }
0x33: {  	[sflag:s0] =	ssyncadd.tile.s32 @!p0 $0x1;
	_ =	shalt  }
.Lfunc_end2:
_tile_overlayer_lowered:
.L_overlay_start_2:
0x34: {  	(tag) =	ssettag $0x2  }
0x35: {  	s0 =	rddreg [dreg:$0x0];
	s2 =	stileid.u32  }
0x36: {  	s1 =	rddreg [dreg:$0x1];
	p0 =	sne.s32 s2, $0x0  }
0x37: {  	s3 =	rddreg [dreg:$0x2];
	[bflag:$0x3] =	sbarrier.arrive $0xFFFF;
	s2 =	simm.s32 @!p0 $0x1C01  }
0x38: {  	[timem:s3], [sflag:s2] =	dma.local @!p0 [hbm:s0], s1  }
0x39: {  	s0 =	simm.s32 @!p0 $0x1  }
0x3a: {  	_ =	swait.ge @!p0 [sflag:s0], s1  }
0x3b: {  	s1 =	ssub.s32 @!p0 $0x0, s1;
	[sflag:s0] =	ssyncset.done @!p0 $0x0  }
0x3c: {  	[sflag:s0] =	ssyncadd.s32 @!p0 s1  }
0x3d: {  	[bflag:$0x3] =	sbarrier.arrive $0xFFFF  }
0x3e: {  	_ =	shalt  }

// kernel: kernel.20.cloned.1.call-start
scs
__scs_entry_jumppad:
0x0: {  	(pc) =	sbr.rel $0x88, $3  }
0x1: {  	(tag) =	ssettag $0x0;
	lr =	simm.s32 $0x1  }
0x2: {  	[smem:$0x3F83] =	sst lr;
	_ =	strace $0xD0000000  }
0x3: {  	_ = 	snop  }
0x4: {  	_ = 	snop  }
0x5: {  	_ = 	snop  }
0x6: {  	_ = 	snop  }
0x7: {  	_ = 	snop  }
__scs_overlays_trampoline_lowered:
0x8: {  	[smem:$0x3F92] =	sst s0  }
0x9: {  	[smem:$0x3F93] =	sst s1  }
0xa: {  	[smem:$0x3F94] =	sst s2  }
0xb: {  	[smem:$0x3F95] =	sst s3  }
0xc: {  	[smem:$0x3F96] =	sst s4  }
0xd: {  	[smem:$0x3F97] =	sst s5  }
0xe: {  	[smem:$0x3F98] =	sst s6  }
0xf: {  	[smem:$0x3F99] =	sst s7  }
0x10: {  	[smem:$0x3F9A] =	sst s8  }
0x11: {  	[smem:$0x3F9B] =	sst s9;
	s0 =	simm.s32 @!p0 $0x0  }
0x12: {  	s1 =	sld [smem:$0x3F81];
	s0 =	simm.s32 @p0 $0x1  }
0x13: {  	[smem:$0x3F9C] =	sst s0;
	s0 =	simm.s32 @!p1 $0x0  }
0x14: {  	s2 =	sld [smem:$0x3F80];
	s0 =	simm.s32 @p1 $0x1  }
0x15: {  	[smem:$0x3F9D] =	sst s0;
	s0 =	simm.s32 @!p2 $0x0  }
0x16: {  	s3 =	sld [smem:$0x3FDB];
	s0 =	simm.s32 @p2 $0x1  }
0x17: {  	s4 =	simm.s32 $0x1BF5;
	[smem:$0x3F9F] =	sst s0  }
0x18: {  	s0 =	sld [smem:$0x3F82];
	_ =	swait.ge [sflag:s4], $0x0  }
0x19: {  	s7 =	sld [smem:$0x3F83]  }
0x1a: {  	s8 =	sadd.s32 $0xFFFFE003, lr  }
0x1b: {  	s9 =	sadd.s32 $0xFFFFFEF7, lr;
	s5 =	simm.s32 $0xFFFFFFFF;
	p2 =	slt.u32 s8, $0xFFFFF086  }
0x1c: {  	p1 =	slt.u32 s9, $0xF7A;
	s5 =	simm.s32 @!p2 $0x0  }
0x1d: {  	s5 =	simm.s32 @p1 $0x1;
	p0 =	seq.s32 s7, s2  }
0x1e: {  	s7 =	smul.u32 @!p0 $0xF7A, s2;
	p2 =	seq.s32 @!p0 s5, $0x0  }
0x1f: {  	s9 =	smul.u32 $0xF7A, s1;
	s8 =	simm.s32 @!p0 $0x1BF5;
	p2 =	por !p2, p0  }
0x20: {  	[sflag:s8] =	ssyncset.s32 @!p0 $0xFFFFF086;
	s6 =	sadd.s32 @!p0 s3, s7;
	s7 =	simm.s32 @!p0 $0x108  }
0x21: {  	s3 =	sadd.s32 s3, s9;
	s6 =	sadd.s32 @!p0 $0x88, s6;
	s7 =	simm.s32 @p2 $0x1082  }
0x22: {  	[simem:s7], [sflag:s8] =	dma.local @!p0 [hbm:s6], $0xF7A  }
0x23: {  	s9 =	sor.u32 $0xD0000000, s2;
	s6 =	simm.s32 $0x108;
	_ =	swait.ge @!p0 [sflag:s8], $0x0  }
0x24: {  	s3 =	sadd.s32 $0x88, s3;
	s6 =	simm.s32 @!p1 $0x1082;
	[sflag:s4] =	ssyncset.s32 $0xFFFFF086  }
0x25: {  	[simem:s6], [sflag:s4] =	dma.local [hbm:s3], $0xF7A  }
0x26: {  	[smem:$0x3F83] =	sst s1;
	(tag) =	ssettag s2;
	_ =	strace s9  }
0x27: {  	s1 =	sld [smem:$0x3F93]  }
0x28: {  	s2 =	sld [smem:$0x3F94]  }
0x29: {  	s4 =	sld [smem:$0x3F96]  }
0x2a: {  	p0 =	seq.s32 s5, $0x0;
	s5 =	sld [smem:$0x3F97]  }
0x2b: {  	s6 =	sld [smem:$0x3F98]  }
0x2c: {  	s7 =	sld [smem:$0x3F99]  }
0x2d: {  	s3 =	simm.s32 $0x108;
	s8 =	sld [smem:$0x3F9A]  }
0x2e: {  	s3 =	simm.s32 @!p0 $0x1082;
	s9 =	sld [smem:$0x3F9B]  }
0x2f: {  	lr =	sadd.s32 s0, s3;
	s0 =	sld [smem:$0x3F92]  }
0x30: {  	s3 =	sld [smem:$0x3F95]  }
0x31: {  	[smem:$0x3F9E] =	sst s10  }
0x32: {  	s10 =	sld [smem:$0x3F9C];
	_ =	sdelay $0x3  }
0x33: {  	p0 =	seq.s32 s10, $0x1;
	s10 =	sld [smem:$0x3F9E];
	_ =	sdelay $0x3  }
0x34: {  	[smem:$0x3F9E] =	sst s10  }
0x35: {  	s10 =	sld [smem:$0x3F9D];
	_ =	sdelay $0x3  }
0x36: {  	p1 =	seq.s32 s10, $0x1;
	s10 =	sld [smem:$0x3F9E];
	_ =	sdelay $0x3  }
0x37: {  	[smem:$0x3F9E] =	sst s10  }
0x38: {  	s10 =	sld [smem:$0x3F9F]  }
0x39: {  	_ = 	snop;
	(pc) =	sbr.ind lr, $3  }
0x3a: {  	_ = 	snop  }
0x3b: {  	_ = 	snop  }
0x3c: {  	p2 =	seq.s32 s10, $0x1;
	s10 =	sld [smem:$0x3F9E]  }
0x3d: {  	_ =	shalt  }
0x3e: {  	_ =	shalt  }
0x3f: {  	_ =	shalt  }
0x40: {  	_ =	shalt  }
0x41: {  	_ =	shalt  }
0x42: {  	_ =	shalt  }
0x43: {  	_ =	shalt  }
0x44: {  	_ =	shalt  }
0x45: {  	_ =	shalt  }
0x46: {  	_ =	shalt  }
0x47: {  	_ =	shalt  }
0x48: {  	_ =	shalt  }
0x49: {  	_ =	shalt  }
0x4a: {  	_ =	shalt  }
0x4b: {  	_ =	shalt  }
0x4c: {  	_ =	shalt  }
0x4d: {  	_ =	shalt  }
0x4e: {  	_ =	shalt  }
0x4f: {  	_ =	shalt  }
0x50: {  	_ =	shalt  }
0x51: {  	_ =	shalt  }
0x52: {  	_ =	shalt  }
0x53: {  	_ =	shalt  }
0x54: {  	_ =	shalt  }
0x55: {  	_ =	shalt  }
0x56: {  	_ =	shalt  }
0x57: {  	_ =	shalt  }
0x58: {  	_ =	shalt  }
0x59: {  	_ =	shalt  }
0x5a: {  	_ =	shalt  }
0x5b: {  	_ =	shalt  }
0x5c: {  	_ =	shalt  }
0x5d: {  	_ =	shalt  }
0x5e: {  	_ =	shalt  }
0x5f: {  	_ =	shalt  }
0x60: {  	_ =	shalt  }
0x61: {  	_ =	shalt  }
0x62: {  	_ =	shalt  }
0x63: {  	_ =	shalt  }
0x64: {  	_ =	shalt  }
0x65: {  	_ =	shalt  }
0x66: {  	_ =	shalt  }
0x67: {  	_ =	shalt  }
0x68: {  	_ =	shalt  }
0x69: {  	_ =	shalt  }
0x6a: {  	_ =	shalt  }
0x6b: {  	_ =	shalt  }
0x6c: {  	_ =	shalt  }
0x6d: {  	_ =	shalt  }
0x6e: {  	_ =	shalt  }
0x6f: {  	_ =	shalt  }
0x70: {  	_ =	shalt  }
0x71: {  	_ =	shalt  }
0x72: {  	_ =	shalt  }
0x73: {  	_ =	shalt  }
0x74: {  	_ =	shalt  }
0x75: {  	_ =	shalt  }
0x76: {  	_ =	shalt  }
0x77: {  	_ =	shalt  }
0x78: {  	_ =	shalt  }
0x79: {  	_ =	shalt  }
0x7a: {  	_ =	shalt  }
0x7b: {  	_ =	shalt  }
0x7c: {  	_ =	shalt  }
0x7d: {  	_ =	shalt  }
0x7e: {  	_ =	shalt  }
0x7f: {  	_ =	shalt  }
0x80: {  	_ =	shalt  }
0x81: {  	_ =	shalt  }
0x82: {  	_ =	shalt  }
0x83: {  	_ =	shalt  }
0x84: {  	_ =	shalt  }
0x85: {  	_ =	shalt  }
0x86: {  	_ =	shalt  }
0x87: {  	_ =	shalt  }
.Lfunc_end0:
.L_simem_size_0:
called_computation.1_lowered:
.L_overlay_start_0:
0x88: {  	s2 =	sld [smem:$0x3FD9]  }
0x89: {  	s3 =	sld [smem:$0x3FFE];
	_ =	sdelay $0x1  }
0x8a: {  	s1 =	srdreg.scid  }
0x8b: {  	s0 =	sand.u32 $0x1, s1  }
0x8c: {  	s16 =	sshll.u32 s0, $0xA;
	s2 =	sadd.s32 s3, s2  }
0x8d: {  	s2 =	sadd.s32 s2, s16  }
0x8e: {  	[smem:$0x3FAA] =	sst s2  }
0x8f: {  	_ = 	snop  }
0x90: {  	(tm) =	ssettm $0x1  }
0x91: {  	s17 =	sld [smem:$0x3FFB];
	_ =	sdelay $0x3  }
0x92: {  	_ =	strace s17  }
0x93: {  	s2 =	sld [smem:$0x3FFC];
	_ =	sdelay $0x3  }
0x94: {  	_ =	strace s2  }
0x95: {  	s2 =	sld [smem:$0x3FFD];
	_ =	sdelay $0x3  }
0x96: {  	_ =	strace s2  }
0x97: {  	_ =	strace $0x8FFFFFFF  }
0x98: {  	s18 =	sld [smem:$0x3FDB];
	_ =	sdelay $0x1  }
0x99: {  	s19 =	simm.s32 $_scs_section_size  }
0x9a: {  	s4 =	simm.s32 $_size__tile_overlayer_lowered;
	s5 =	simm.s32 $_tile_overlayer_lowered  }
0x9b: {  	s22 =	simm.s32 $0x1BFF;
	s21 =	sshll.u32 s5, $0x1;
	s2 =	sadd.s32 s19, s18  }
0x9c: {  	s6 =	simm.s32 $0x0;
	s20 =	sshll.u32 s4, $0x1;
	s4 =	sadd.s32 s21, s2  }
0x9d: {  	[timem:s6], [sflag:s22] =	dma.local [hbm:s4], s20  }
0x9e: {  	_ =	swait.ge [sflag:s22], s20  }
0x9f: {  	s3 =	ssub.s32 $0x0, s20;
	[sflag:s22] =	ssyncset.done $0x0  }
0xa0: {  	[sflag:s22] =	ssyncadd.s32 s3;
	_ =	sdelay $0x1  }
0xa1: {  	s23 =	simm.s32 $0x1B8B  }
0xa2: {  	_ =	swait.ge [sflag:s23], $0x1  }
0xa3: {  	[sflag:s23] =	ssyncset.done $0x0  }
0xa4: {  	s25 =	simm.s32 $0x1B8E;
	s24 =	sld [smem:$0x3FFE];
	[sflag:s23] =	ssyncadd.s32 $0xFFFFFFFF  }
0xa5: {  	s26 =	simm.s32 $execute0_lowered;
	[smem:$0x3FD2] =	sst s25  }
0xa6: {  	s4 =	sshll.u32 s26, $0x1;
	_ =	strace $0x80000049;
	[dreg:$0x1] =	wrdreg $0xFFFFFFFF  }
0xa7: {  	s28 =	simm.s32 $_size_execute0_lowered;
	s2 =	sadd.s32 s2, s4;
	[dreg:$0x0] =	wrdreg $0x0  }
0xa8: {  	s4 =	sshll.u32 s28, $0x1;
	[dreg:$0x2] =	wrdreg s2  }
0xa9: {  	[dreg:$0x3] =	wrdreg s4  }
0xaa: {  	[dreg:$0x4] =	wrdreg $0xC0  }
0xab: {  	_ =	task [dreg:s6], $0x5FFFF  }
0xac: {  	[dreg:$0x1] =	wrdreg $0xFFFFFFFF  }
0xad: {  	[dreg:$0x0] =	wrdreg $0x60  }
0xae: {  	[dreg:$0x2] =	wrdreg s24  }
0xaf: {  	[dreg:$0x3] =	wrdreg $0x68000  }
0xb0: {  	[dreg:$0x4] =	wrdreg $0x9  }
0xb1: {  	_ =	task.clear_ibuf [dreg:s6], $0x5FFFF;
	_ =	strace $0x90000049  }
0xb2: {  	s29 =	simm.s32 $0x9;
	_ =	strace $0x8000004B  }
0xb3: {  	_ =	swait.ge [sflag:s29], $0x1  }
0xb4: {  	[sflag:s29] =	ssyncadd.s32 $0xFFFFFFFF  }
0xb5: {  	_ =	strace $0x9000004B  }
0xb6: {  	_ =	sfence  }
0xb7: {  	s30 =	sld [smem:$0x0];
	_ =	sdelay $0x2  }
0xb8: {  	s31 =	sshll.u32 s1, $0xD;
	s1 =	sshrl.u32 s1, $0x2  }
0xb9: {  	s3 =	sand.u32 $0x4000, s31;
	s1 =	sadd.s32 s1, s30  }
0xba: {  	s0 =	sor.u32 s3, s0;
	s1 =	sshll.u32 s1, $0x11  }
0xbb: {  	s0 =	sor.u32 s1, s0  }
0xbc: {  	s0 =	sadd.s32 $0x8F2B, s0  }
0xbd: {  	[sflag:s0] =	ssyncadd.remote.s32 $0x1  }
0xbe: {  	_ =	sfence.sel $0xFFFF  }
0xbf: {  	[dreg:$0x0] =	wrdreg $0xFFFFFFFF;
	(pc) =	sbr.abs _section_cstart, $3  }
0xc0: {  	[dreg:$0x1] =	wrdreg $0xFFFFFFFF  }
0xc1: {  	_ =	task.clear_ibuf [dreg:s6], $0x2FFFF;
	_ =	strace $0x9FFFFFFF  }
0xc2: {  	(tm) =	ssettm $0x7FFFFFFF  }
0xc3: {  	_ =	shalt  }
tec
execute0_lowered:
.L_overlay_start_1:
0x0: {  	(tag) =	ssettag $0x1  }
0x1: {  	s5 =	rddreg [dreg:$0x0]  }
0x2: {  	s1 =	rddreg [dreg:$0x1]  }
0x3: {  	s2 =	srdreg.scid;
	s0 =	rddreg [dreg:$0x2]  }
0x4: {  	s3 =	simm.s32 $0x0;
	s13 =	simm.s32 $0x50;
	s4 =	sand.u32 $0x1, s2  }
0x5: {  	s14 =	simm.s32 $0x0;
	s2 =	stileid.u32;
	s6 =	smul.u32 $0x271000, s4  }
0x6: {  	[smem:$0x7FF] =	sst s3;
	s7 =	smul.u32 $0x140000, s4;
	s8 =	sshll.u32 s2, $0xB  }
0x7: {  	s9 =	sshll.u32 s4, $0xF;
	s10 =	smul.u32 $0x14000, s2;
	_ =	strace $0x8000004A  }
0x8: {  	s24 =	ssub.s32 $0x2, s4;
	s26 =	smul.u32 $0x50000, s2;
	s4 =	sadd.s32 $0x7400, s5  }
0x9: {  	s29 =	sshll.u32 s2, $0x6;
	s30 =	smul.u32 $0x27100, s2;
	s23 =	sor.u32 s8, s9  }
0xa: {  	s25 =	sshrl.u32 s24, $0x1;
	s11 =	sadd.s32 s6, s5;
	s6 =	sadd.s32 s23, s5  }
0xb: {  	s7 =	sadd.s32 s10, s7;
	s8 =	ssub.s32 s24, s25;
	s28 =	sshrl.u32 s26, $0x2  }
0xc: {  	s7 =	sshrl.u32 s7, $0x3;
	s12 =	sadd.s32 s28, s1;
	s6 =	sadd.s32 $0x4F3200, s6  }
0xd: {  	s8 =	smax.u32 s8, $0x1;
	s31 =	sadd.s32 s30, s11;
	s11 =	simm.s32 $0x1  }
0xe: {  	s7 =	sadd.s32 s7, s5;
	s5 =	sor.u32 $0x1C01, s29;
	s9 =	sadd.s32 $0x9E5200, s31  }
0xf: {  	s10 =	sshrl.u32 s12, $0x3;
	s12 =	simm.s32 $0x4000;
	s7 =	sadd.s32 $0x59C00, s7  }
.LBB2_1:
0x10: {  	[spmem:s10], [sflag:s5] =	dma.local [hbm:s4], $0x2800  }
0x11: {  	_ =	swait.ge [sflag:s11], $0x2800  }
0x12: {  	[sflag:s11] =	ssyncset.done $0x0  }
0x13: {  	[sflag:s11] =	ssyncadd.s32 $0xFFFFD800  }
0x14: {  	[tilespmem:s3], [sflag:$0x1] =	stream.linear.gather [hbm4b:s6+s3], $0x3E80, $0x38;
	[tilespmem:$0x1A800] =	vst v63  }
0x15: {  	_ =	swait.ge [sflag:s11], $0x3E80  }
0x16: {  	[sflag:s11] =	ssyncset.done $0x0  }
0x17: {  	[sflag:s11] =	ssyncadd.s32 $0xFFFFC180  }
0x18: {  	[bflag:$0x0] =	sbarrier.arrive $0xFFFF  }
0x19: {  	[tilespmem:s12], [sflag:$0x1] =	stream.linear.gather [hbm4b:s9+s3], $0x2800, $0x38;
	[tilespmem:$0x1A800] =	vst v63  }
0x1a: {  	_ =	swait.ge [sflag:s11], $0x2800  }
0x1b: {  	[sflag:s11] =	ssyncset.done $0x0  }
0x1c: {  	s15 =	simm.s32 $0x0;
	[sflag:s11] =	ssyncadd.s32 $0xFFFFD800  }
0x1d: {  	[spmem:s1] =	stream.indirect.scatter.add.f32 [tilespmem:s12], [sflag:$0x1], $0x80, s15, s13, $0xb8;
	[tilespmem:$0x1A800] =	vst v63  }
0x1e: {  	_ =	swait.ge [sflag:s11], $0x2800  }
0x1f: {  	s16 =	smov.u32 s9;
	s15 =	simm.s32 $0x200;
	[sflag:s11] =	ssyncset.done $0x0  }
.LBB2_2:
0x20: {  	p0 =	sne.s32 s15, $0xF800;
	[sflag:s11] =	ssyncadd.s32 $0xFFFFD800;
	s16 =	sadd.s32 $0x500, s16  }
0x21: {  	[tilespmem:s12], [sflag:$0x1] =	stream.linear.gather [hbm4b:s16+s3], $0x2800, $0x38;
	[tilespmem:$0x1A800] =	vst v63  }
0x22: {  	s17 =	smov.u32 s15;
	s15 =	sadd.s32 $0x200, s15;
	_ =	swait.ge [sflag:s11], $0x2800  }
.Ltmp0:
0x23: {  	[sflag:s11] =	ssyncset.done $0x0;
	(pc) =	sbr.rel @p0 .LBB2_2-.Ltmp0, $4  }
0x24: {  	s17 =	sshra.s32 s17, $0x2;
	[sflag:s11] =	ssyncadd.s32 $0xFFFFD800  }
0x25: {  	[spmem:s1] =	stream.indirect.scatter.add.f32 [tilespmem:s12], [sflag:$0x1], $0x80, s17, s13, $0xb8;
	[tilespmem:$0x1A800] =	vst v63  }
0x26: {  	_ =	swait.ge [sflag:s11], $0x2800  }
0x27: {  	[sflag:s11] =	ssyncset.done $0x0  }
0x28: {  	s14 =	sadd.s32 $0x1, s14  }
0x29: {  	[sflag:s11] =	ssyncadd.s32 $0xFFFFD800;
	p0 =	sne.s32 s14, s8  }
.Ltmp1:
0x2a: {  	[bflag:$0x0] =	sbarrier.arrive $0xFFFF;
	(pc) =	sbr.rel @p0 .LBB2_1-.Ltmp1, $4  }
0x2b: {  	[hbm:s7], [sflag:s5] =	dma.local [spmem:s10], $0x2800  }
0x2c: {  	_ =	swait.ge [sflag:s11], $0x2800  }
0x2d: {  	[sflag:s11] =	ssyncset.done $0x0  }
0x2e: {  	[sflag:s11] =	ssyncadd.s32 $0xFFFFD800  }
0x2f: {  	_ =	sfence.sel $0x180000  }
0x30: {  	[bflag:$0x0] =	sbarrier.arrive $0xFFFF  }
0x31: {  	p0 =	sne.s32 s2, $0x0;
	_ =	strace $0x9000004A  }
0x32: {  	s0 =	sadd.s32 @!p0 $0x100000, s0;
	[bflag:$0x2] =	sbarrier.arrive $0xFFFF  }
0x33: {  	[sflag:s0] =	ssyncadd.tile.s32 @!p0 $0x1;
	_ =	shalt  }
.Lfunc_end2:
_tile_overlayer_lowered:
.L_overlay_start_2:
0x34: {  	(tag) =	ssettag $0x2  }
0x35: {  	s0 =	rddreg [dreg:$0x0];
	s2 =	stileid.u32  }
0x36: {  	s1 =	rddreg [dreg:$0x1];
	p0 =	sne.s32 s2, $0x0  }
0x37: {  	s3 =	rddreg [dreg:$0x2];
	[bflag:$0x3] =	sbarrier.arrive $0xFFFF;
	s2 =	simm.s32 @!p0 $0x1C01  }
0x38: {  	[timem:s3], [sflag:s2] =	dma.local @!p0 [hbm:s0], s1  }
0x39: {  	s0 =	simm.s32 @!p0 $0x1  }
0x3a: {  	_ =	swait.ge @!p0 [sflag:s0], s1  }
0x3b: {  	s1 =	ssub.s32 @!p0 $0x0, s1;
	[sflag:s0] =	ssyncset.done @!p0 $0x0  }
0x3c: {  	[sflag:s0] =	ssyncadd.s32 @!p0 s1  }
0x3d: {  	[bflag:$0x3] =	sbarrier.arrive $0xFFFF  }
0x3e: {  	_ =	shalt  }

// kernel: kernel.23.cloned.1.call-start
scs
__scs_entry_jumppad:
0x0: {  	(pc) =	sbr.rel $0x88, $3  }
0x1: {  	(tag) =	ssettag $0x0;
	lr =	simm.s32 $0x1  }
0x2: {  	[smem:$0x3F83] =	sst lr;
	_ =	strace $0xD0000000  }
0x3: {  	_ = 	snop  }
0x4: {  	_ = 	snop  }
0x5: {  	_ = 	snop  }
0x6: {  	_ = 	snop  }
0x7: {  	_ = 	snop  }
__scs_overlays_trampoline_lowered:
0x8: {  	[smem:$0x3F92] =	sst s0  }
0x9: {  	[smem:$0x3F93] =	sst s1  }
0xa: {  	[smem:$0x3F94] =	sst s2  }
0xb: {  	[smem:$0x3F95] =	sst s3  }
0xc: {  	[smem:$0x3F96] =	sst s4  }
0xd: {  	[smem:$0x3F97] =	sst s5  }
0xe: {  	[smem:$0x3F98] =	sst s6  }
0xf: {  	[smem:$0x3F99] =	sst s7  }
0x10: {  	[smem:$0x3F9A] =	sst s8  }
0x11: {  	[smem:$0x3F9B] =	sst s9;
	s0 =	simm.s32 @!p0 $0x0  }
0x12: {  	s1 =	sld [smem:$0x3F81];
	s0 =	simm.s32 @p0 $0x1  }
0x13: {  	[smem:$0x3F9C] =	sst s0;
	s0 =	simm.s32 @!p1 $0x0  }
0x14: {  	s2 =	sld [smem:$0x3F80];
	s0 =	simm.s32 @p1 $0x1  }
0x15: {  	[smem:$0x3F9D] =	sst s0;
	s0 =	simm.s32 @!p2 $0x0  }
0x16: {  	s3 =	sld [smem:$0x3FDB];
	s0 =	simm.s32 @p2 $0x1  }
0x17: {  	s4 =	simm.s32 $0x1BF5;
	[smem:$0x3F9F] =	sst s0  }
0x18: {  	s0 =	sld [smem:$0x3F82];
	_ =	swait.ge [sflag:s4], $0x0  }
0x19: {  	s7 =	sld [smem:$0x3F83]  }
0x1a: {  	s8 =	sadd.s32 $0xFFFFE003, lr  }
0x1b: {  	s9 =	sadd.s32 $0xFFFFFEF7, lr;
	s5 =	simm.s32 $0xFFFFFFFF;
	p2 =	slt.u32 s8, $0xFFFFF086  }
0x1c: {  	p1 =	slt.u32 s9, $0xF7A;
	s5 =	simm.s32 @!p2 $0x0  }
0x1d: {  	s5 =	simm.s32 @p1 $0x1;
	p0 =	seq.s32 s7, s2  }
0x1e: {  	s7 =	smul.u32 @!p0 $0xF7A, s2;
	p2 =	seq.s32 @!p0 s5, $0x0  }
0x1f: {  	s9 =	smul.u32 $0xF7A, s1;
	s8 =	simm.s32 @!p0 $0x1BF5;
	p2 =	por !p2, p0  }
0x20: {  	[sflag:s8] =	ssyncset.s32 @!p0 $0xFFFFF086;
	s6 =	sadd.s32 @!p0 s3, s7;
	s7 =	simm.s32 @!p0 $0x108  }
0x21: {  	s3 =	sadd.s32 s3, s9;
	s6 =	sadd.s32 @!p0 $0x88, s6;
	s7 =	simm.s32 @p2 $0x1082  }
0x22: {  	[simem:s7], [sflag:s8] =	dma.local @!p0 [hbm:s6], $0xF7A  }
0x23: {  	s9 =	sor.u32 $0xD0000000, s2;
	s6 =	simm.s32 $0x108;
	_ =	swait.ge @!p0 [sflag:s8], $0x0  }
0x24: {  	s3 =	sadd.s32 $0x88, s3;
	s6 =	simm.s32 @!p1 $0x1082;
	[sflag:s4] =	ssyncset.s32 $0xFFFFF086  }
0x25: {  	[simem:s6], [sflag:s4] =	dma.local [hbm:s3], $0xF7A  }
0x26: {  	[smem:$0x3F83] =	sst s1;
	(tag) =	ssettag s2;
	_ =	strace s9  }
0x27: {  	s1 =	sld [smem:$0x3F93]  }
0x28: {  	s2 =	sld [smem:$0x3F94]  }
0x29: {  	s4 =	sld [smem:$0x3F96]  }
0x2a: {  	p0 =	seq.s32 s5, $0x0;
	s5 =	sld [smem:$0x3F97]  }
0x2b: {  	s6 =	sld [smem:$0x3F98]  }
0x2c: {  	s7 =	sld [smem:$0x3F99]  }
0x2d: {  	s3 =	simm.s32 $0x108;
	s8 =	sld [smem:$0x3F9A]  }
0x2e: {  	s3 =	simm.s32 @!p0 $0x1082;
	s9 =	sld [smem:$0x3F9B]  }
0x2f: {  	lr =	sadd.s32 s0, s3;
	s0 =	sld [smem:$0x3F92]  }
0x30: {  	s3 =	sld [smem:$0x3F95]  }
0x31: {  	[smem:$0x3F9E] =	sst s10  }
0x32: {  	s10 =	sld [smem:$0x3F9C];
	_ =	sdelay $0x3  }
0x33: {  	p0 =	seq.s32 s10, $0x1;
	s10 =	sld [smem:$0x3F9E];
	_ =	sdelay $0x3  }
0x34: {  	[smem:$0x3F9E] =	sst s10  }
0x35: {  	s10 =	sld [smem:$0x3F9D];
	_ =	sdelay $0x3  }
0x36: {  	p1 =	seq.s32 s10, $0x1;
	s10 =	sld [smem:$0x3F9E];
	_ =	sdelay $0x3  }
0x37: {  	[smem:$0x3F9E] =	sst s10  }
0x38: {  	s10 =	sld [smem:$0x3F9F]  }
0x39: {  	_ = 	snop;
	(pc) =	sbr.ind lr, $3  }
0x3a: {  	_ = 	snop  }
0x3b: {  	_ = 	snop  }
0x3c: {  	p2 =	seq.s32 s10, $0x1;
	s10 =	sld [smem:$0x3F9E]  }
0x3d: {  	_ =	shalt  }
0x3e: {  	_ =	shalt  }
0x3f: {  	_ =	shalt  }
0x40: {  	_ =	shalt  }
0x41: {  	_ =	shalt  }
0x42: {  	_ =	shalt  }
0x43: {  	_ =	shalt  }
0x44: {  	_ =	shalt  }
0x45: {  	_ =	shalt  }
0x46: {  	_ =	shalt  }
0x47: {  	_ =	shalt  }
0x48: {  	_ =	shalt  }
0x49: {  	_ =	shalt  }
0x4a: {  	_ =	shalt  }
0x4b: {  	_ =	shalt  }
0x4c: {  	_ =	shalt  }
0x4d: {  	_ =	shalt  }
0x4e: {  	_ =	shalt  }
0x4f: {  	_ =	shalt  }
0x50: {  	_ =	shalt  }
0x51: {  	_ =	shalt  }
0x52: {  	_ =	shalt  }
0x53: {  	_ =	shalt  }
0x54: {  	_ =	shalt  }
0x55: {  	_ =	shalt  }
0x56: {  	_ =	shalt  }
0x57: {  	_ =	shalt  }
0x58: {  	_ =	shalt  }
0x59: {  	_ =	shalt  }
0x5a: {  	_ =	shalt  }
0x5b: {  	_ =	shalt  }
0x5c: {  	_ =	shalt  }
0x5d: {  	_ =	shalt  }
0x5e: {  	_ =	shalt  }
0x5f: {  	_ =	shalt  }
0x60: {  	_ =	shalt  }
0x61: {  	_ =	shalt  }
0x62: {  	_ =	shalt  }
0x63: {  	_ =	shalt  }
0x64: {  	_ =	shalt  }
0x65: {  	_ =	shalt  }
0x66: {  	_ =	shalt  }
0x67: {  	_ =	shalt  }
0x68: {  	_ =	shalt  }
0x69: {  	_ =	shalt  }
0x6a: {  	_ =	shalt  }
0x6b: {  	_ =	shalt  }
0x6c: {  	_ =	shalt  }
0x6d: {  	_ =	shalt  }
0x6e: {  	_ =	shalt  }
0x6f: {  	_ =	shalt  }
0x70: {  	_ =	shalt  }
0x71: {  	_ =	shalt  }
0x72: {  	_ =	shalt  }
0x73: {  	_ =	shalt  }
0x74: {  	_ =	shalt  }
0x75: {  	_ =	shalt  }
0x76: {  	_ =	shalt  }
0x77: {  	_ =	shalt  }
0x78: {  	_ =	shalt  }
0x79: {  	_ =	shalt  }
0x7a: {  	_ =	shalt  }
0x7b: {  	_ =	shalt  }
0x7c: {  	_ =	shalt  }
0x7d: {  	_ =	shalt  }
0x7e: {  	_ =	shalt  }
0x7f: {  	_ =	shalt  }
0x80: {  	_ =	shalt  }
0x81: {  	_ =	shalt  }
0x82: {  	_ =	shalt  }
0x83: {  	_ =	shalt  }
0x84: {  	_ =	shalt  }
0x85: {  	_ =	shalt  }
0x86: {  	_ =	shalt  }
0x87: {  	_ =	shalt  }
.Lfunc_end0:
.L_simem_size_0:
called_computation.2_lowered:
.L_overlay_start_0:
0x88: {  	s2 =	sld [smem:$0x3FD9]  }
0x89: {  	s3 =	sld [smem:$0x3FFE];
	_ =	sdelay $0x1  }
0x8a: {  	s1 =	srdreg.scid  }
0x8b: {  	s0 =	sand.u32 $0x1, s1  }
0x8c: {  	s17 =	sshll.u32 s0, $0xA;
	s2 =	sadd.s32 s3, s2  }
0x8d: {  	s2 =	sadd.s32 s2, s17  }
0x8e: {  	[smem:$0x3FAA] =	sst s2  }
0x8f: {  	_ = 	snop  }
0x90: {  	s2 =	sld [smem:$0x3FD0];
	(tm) =	ssettm $0x1  }
0x91: {  	s18 =	sld [smem:$0x3FFB];
	_ =	sdelay $0x3  }
0x92: {  	_ =	strace s18  }
0x93: {  	s3 =	sld [smem:$0x3FFC];
	_ =	sdelay $0x3  }
0x94: {  	_ =	strace s3  }
0x95: {  	s3 =	sld [smem:$0x3FFD];
	_ =	sdelay $0x3  }
0x96: {  	_ =	strace s3  }
0x97: {  	_ =	strace $0x8FFFFFFF  }
0x98: {  	s19 =	sld [smem:$0x3FDB];
	_ =	sdelay $0x1  }
0x99: {  	s4 =	simm.s32 $_scs_section_size  }
0x9a: {  	s5 =	simm.s32 $_size__tile_overlayer_lowered;
	s6 =	simm.s32 $_tile_overlayer_lowered  }
0x9b: {  	s22 =	simm.s32 $0x1BFF;
	s21 =	sshll.u32 s6, $0x1;
	s3 =	sadd.s32 s4, s19  }
0x9c: {  	s7 =	simm.s32 $0x0;
	s20 =	sshll.u32 s5, $0x1;
	s5 =	sadd.s32 s21, s3  }
0x9d: {  	[timem:s7], [sflag:s22] =	dma.local [hbm:s5], s20  }
0x9e: {  	_ =	swait.ge [sflag:s22], s20  }
0x9f: {  	s4 =	ssub.s32 $0x0, s20;
	[sflag:s22] =	ssyncset.done $0x0  }
0xa0: {  	[sflag:s22] =	ssyncadd.s32 s4;
	_ =	sdelay $0x1  }
0xa1: {  	s23 =	simm.s32 $0x1B8B  }
0xa2: {  	_ =	swait.ge [sflag:s23], $0x1  }
0xa3: {  	[sflag:s23] =	ssyncset.done $0x0  }
0xa4: {  	s25 =	simm.s32 $0x1B8E;
	s24 =	sld [smem:$0x3FFE];
	[sflag:s23] =	ssyncadd.s32 $0xFFFFFFFF  }
0xa5: {  	s26 =	simm.s32 $execute0_lowered;
	[smem:$0x3FD2] =	sst s25  }
0xa6: {  	s5 =	sshll.u32 s26, $0x1;
	_ =	strace $0x8000004C;
	[dreg:$0x1] =	wrdreg $0xFFFFFFFF  }
0xa7: {  	s28 =	simm.s32 $_size_execute0_lowered;
	s3 =	sadd.s32 s3, s5;
	[dreg:$0x0] =	wrdreg $0x0  }
0xa8: {  	s5 =	sshll.u32 s28, $0x1;
	[dreg:$0x2] =	wrdreg s3  }
0xa9: {  	[dreg:$0x3] =	wrdreg s5  }
0xaa: {  	[dreg:$0x4] =	wrdreg $0xC0  }
0xab: {  	_ =	task [dreg:s7], $0x5FFFF  }
0xac: {  	[dreg:$0x1] =	wrdreg $0xFFFFFFFF  }
0xad: {  	[dreg:$0x0] =	wrdreg $0x60  }
0xae: {  	[dreg:$0x2] =	wrdreg s2  }
0xaf: {  	[dreg:$0x3] =	wrdreg s24  }
0xb0: {  	[dreg:$0x4] =	wrdreg $0x90000  }
0xb1: {  	[dreg:$0x5] =	wrdreg $0x9  }
0xb2: {  	_ =	task.clear_ibuf [dreg:s7], $0x6FFFF;
	_ =	strace $0x9000004C  }
0xb3: {  	s29 =	simm.s32 $0x9;
	_ =	strace $0x8000004E  }
0xb4: {  	_ =	swait.ge [sflag:s29], $0x1  }
0xb5: {  	[sflag:s29] =	ssyncadd.s32 $0xFFFFFFFF  }
0xb6: {  	_ =	strace $0x9000004E  }
0xb7: {  	_ =	sfence  }
0xb8: {  	s30 =	sld [smem:$0x0];
	_ =	sdelay $0x2  }
0xb9: {  	s31 =	sshll.u32 s1, $0xD;
	s1 =	sshrl.u32 s1, $0x2  }
0xba: {  	s3 =	sand.u32 $0x4000, s31;
	s1 =	sadd.s32 s1, s30  }
0xbb: {  	s0 =	sor.u32 s3, s0;
	s1 =	sshll.u32 s1, $0x11  }
0xbc: {  	s0 =	sor.u32 s1, s0  }
0xbd: {  	s0 =	sadd.s32 $0x8F2B, s0  }
0xbe: {  	[sflag:s0] =	ssyncadd.remote.s32 $0x1  }
0xbf: {  	_ =	sfence.sel $0xFFFF  }
0xc0: {  	[dreg:$0x0] =	wrdreg $0xFFFFFFFF;
	(pc) =	sbr.abs _section_cstart, $3  }
0xc1: {  	[dreg:$0x1] =	wrdreg $0xFFFFFFFF  }
0xc2: {  	_ =	task.clear_ibuf [dreg:s7], $0x2FFFF;
	_ =	strace $0x9FFFFFFF  }
0xc3: {  	(tm) =	ssettm $0x7FFFFFFF  }
tec
execute0_lowered:
.L_overlay_start_1:
0x0: {  	(tag) =	ssettag $0x1  }
0x1: {  	s1 =	rddreg [dreg:$0x0]  }
0x2: {  	s0 =	srdreg.scid;
	s7 =	rddreg [dreg:$0x1]  }
0x3: {  	s3 =	rddreg [dreg:$0x2];
	s4 =	simm.s32 $0x0;
	s14 =	simm.s32 $0x7D  }
0x4: {  	s15 =	simm.s32 $0x5000;
	s16 =	simm.s32 $0x1;
	s6 =	sand.u32 $0x1, s0  }
0x5: {  	s17 =	simm.s32 $0x0;
	s0 =	stileid.u32;
	s8 =	smul.u32 $0x140000, s6  }
0x6: {  	[smem:$0x7FF] =	sst s4;
	s2 =	sshll.u32 s6, $0x4;
	s9 =	smul.u32 $0x14000, s0  }
0x7: {  	s28 =	smul.u32 $0x50000, s0;
	s6 =	ssub.s32 $0x2, s6;
	s2 =	sor.u32 s0, s2  }
0x8: {  	s31 =	sshll.u32 s0, $0x6;
	s29 =	sshrl.u32 s6, $0x1;
	s5 =	smul.u32 $0x500, s2  }
0x9: {  	s2 =	rddreg [dreg:$0x3];
	_ =	strace $0x8000004D;
	s8 =	sadd.s32 s9, s8  }
0xa: {  	s30 =	sshrl.u32 s28, $0x2;
	s12 =	ssub.s32 s6, s29;
	s6 =	sor.u32 $0x1C02, s31  }
0xb: {  	s8 =	sshrl.u32 s8, $0x3;
	s13 =	sadd.s32 s30, s3;
	s10 =	sadd.s32 s5, s7  }
0xc: {  	s5 =	sadd.s32 $0x7400, s7;
	s11 =	sadd.s32 s8, s7;
	s7 =	sadd.s32 $0xB3C00, s10  }
0xd: {  	s8 =	sadd.s32 $0xA9C00, s10;
	s9 =	sadd.s32 $0xBDC00, s11;
	s10 =	smax.u32 s12, $0x1  }
0xe: {  	s11 =	sshrl.u32 s13, $0x3;
	s12 =	simm.s32 $0x2;
	s13 =	simm.s32 $0x2800  }
.LBB2_1:
0xf: {  	[spmem:s11], [sflag:s6] =	dma.local [hbm:s5], $0x2800  }
0x10: {  	_ =	swait.ge [sflag:s12], $0x2800  }
0x11: {  	[sflag:s12] =	ssyncset.done $0x0  }
0x12: {  	[sflag:s12] =	ssyncadd.s32 $0xFFFFD800  }
0x13: {  	[tilespmem:s4], [sflag:$0x2] =	stream.linear.gather [hbm4b:s7+s4], $0x2800, $0x38;
	[tilespmem:$0x1D000] =	vst v63  }
0x14: {  	_ =	swait.ge [sflag:s12], $0x2800  }
0x15: {  	[sflag:s12] =	ssyncset.done $0x0  }
0x16: {  	[sflag:s12] =	ssyncadd.s32 $0xFFFFD800  }
0x17: {  	[tilespmem:s13], [sflag:$0x2] =	stream.linear.gather [hbm4b:s8+s4], $0x2800, $0x38;
	[tilespmem:$0x1D000] =	vst v63  }
0x18: {  	_ =	swait.ge [sflag:s12], $0x2800  }
0x19: {  	[sflag:s12] =	ssyncset.done $0x0  }
0x1a: {  	[sflag:s12] =	ssyncadd.s32 $0xFFFFD800  }
0x1b: {  	s18 =	simm.s32 $0x0;
	[bflag:$0x0] =	sbarrier.arrive $0xFFFF  }
0x1c: {  	[tilespmem:s15], [sflag:$0x1] =	stream.indirect.gather [hbm4b:s1+s14], $0x80, s18, s14, $0xb8;
	[tilespmem:$0x1D000] =	vst v63  }
0x1d: {  	_ =	swait.ge [sflag:s16], $0x3E80  }
0x1e: {  	[sflag:s16] =	ssyncset.done $0x0  }
0x1f: {  	s31 =	simm.s32 $0x2800;
	[sflag:s16] =	ssyncadd.s32 $0xFFFFC180  }
0x20: {  	[spmem:s3] =	stream.indirect.scatter.add.f32 [tilespmem:s15], [sflag:$0x2], $0x80, s31, s14, $0xb8;
	[tilespmem:$0x1D000] =	vst v63  }
0x21: {  	_ =	swait.ge [sflag:s12], $0x3E80  }
0x22: {  	s19 =	simm.s32 $0x400;
	s18 =	simm.s32 $0x200;
	[sflag:s12] =	ssyncset.done $0x0  }
.LBB2_2:
0x23: {  	s20 =	sshra.s32 s18, $0x2  }
0x24: {  	[sflag:s12] =	ssyncadd.s32 $0xFFFFC180;
	s18 =	smov.u32 s19;
	s21 =	sadd.s32 $0x200, s19  }
0x25: {  	[tilespmem:s15], [sflag:$0x1] =	stream.indirect.gather [hbm4b:s1+s14], $0x80, s20, s14, $0xb8;
	[tilespmem:$0x1D000] =	vst v63  }
0x26: {  	p0 =	sne.s32 s19, $0x9E00;
	_ =	swait.ge [sflag:s16], $0x3E80  }
.Ltmp0:
0x27: {  	[sflag:s16] =	ssyncset.done $0x0;
	(pc) =	sbr.rel @p0 .LBB2_2-.Ltmp0, $4  }
0x28: {  	s19 =	sadd.s32 $0x2800, s20;
	[sflag:s16] =	ssyncadd.s32 $0xFFFFC180  }
0x29: {  	[spmem:s3] =	stream.indirect.scatter.add.f32 [tilespmem:s15], [sflag:$0x2], $0x80, s19, s14, $0xb8;
	[tilespmem:$0x1D000] =	vst v63  }
0x2a: {  	_ =	swait.ge [sflag:s12], $0x3E80  }
0x2b: {  	s19 =	smov.u32 s21;
	[sflag:s12] =	ssyncset.done $0x0  }
0x2c: {  	s18 =	sshra.s32 s18, $0x2;
	[sflag:s12] =	ssyncadd.s32 $0xFFFFC180  }
0x2d: {  	[tilespmem:s15], [sflag:$0x1] =	stream.indirect.gather [hbm4b:s1+s14], $0x80, s18, s14, $0xb8;
	[tilespmem:$0x1D000] =	vst v63  }
0x2e: {  	_ =	swait.ge [sflag:s16], $0x3E80  }
0x2f: {  	[sflag:s16] =	ssyncset.done $0x0  }
0x30: {  	s18 =	sadd.s32 $0x2800, s18;
	[sflag:s16] =	ssyncadd.s32 $0xFFFFC180  }
0x31: {  	[spmem:s3] =	stream.indirect.scatter.add.f32 [tilespmem:s15], [sflag:$0x2], $0x80, s18, s14, $0xb8;
	[tilespmem:$0x1D000] =	vst v63  }
0x32: {  	_ =	swait.ge [sflag:s12], $0x3E80  }
0x33: {  	s17 =	sadd.s32 $0x1, s17;
	[sflag:s12] =	ssyncset.done $0x0  }
0x34: {  	p0 =	sne.s32 s17, s10;
	[sflag:s12] =	ssyncadd.s32 $0xFFFFC180  }
.Ltmp1:
0x35: {  	[bflag:$0x0] =	sbarrier.arrive $0xFFFF;
	(pc) =	sbr.rel @p0 .LBB2_1-.Ltmp1, $4  }
0x36: {  	[hbm:s9], [sflag:s6] =	dma.local [spmem:s11], $0x2800  }
0x37: {  	_ =	swait.ge [sflag:s12], $0x2800  }
0x38: {  	[sflag:s12] =	ssyncset.done $0x0  }
0x39: {  	[sflag:s12] =	ssyncadd.s32 $0xFFFFD800  }
0x3a: {  	_ =	sfence.sel $0x180000  }
0x3b: {  	[bflag:$0x0] =	sbarrier.arrive $0xFFFF  }
0x3c: {  	p0 =	sne.s32 s0, $0x0;
	_ =	strace $0x9000004D  }
0x3d: {  	s0 =	sadd.s32 @!p0 $0x100000, s2;
	[bflag:$0x2] =	sbarrier.arrive $0xFFFF  }
0x3e: {  	[sflag:s0] =	ssyncadd.tile.s32 @!p0 $0x1;
	_ =	shalt  }
.Lfunc_end2:
_tile_overlayer_lowered:
.L_overlay_start_2:
0x3f: {  	(tag) =	ssettag $0x2  }
0x40: {  	s0 =	rddreg [dreg:$0x0];
	s2 =	stileid.u32  }
0x41: {  	s1 =	rddreg [dreg:$0x1];
	p0 =	sne.s32 s2, $0x0  }
0x42: {  	s3 =	rddreg [dreg:$0x2];
	[bflag:$0x3] =	sbarrier.arrive $0xFFFF;
	s2 =	simm.s32 @!p0 $0x1C02  }
0x43: {  	[timem:s3], [sflag:s2] =	dma.local @!p0 [hbm:s0], s1  }
0x44: {  	s0 =	simm.s32 @!p0 $0x2  }
0x45: {  	_ =	swait.ge @!p0 [sflag:s0], s1  }
0x46: {  	s1 =	ssub.s32 @!p0 $0x0, s1;
	[sflag:s0] =	ssyncset.done @!p0 $0x0  }
0x47: {  	[sflag:s0] =	ssyncadd.s32 @!p0 s1  }
0x48: {  	[bflag:$0x3] =	sbarrier.arrive $0xFFFF  }
0x49: {  	_ =	shalt  }

// kernel: kernel.26.cloned.1.call-start
scs
__scs_entry_jumppad:
0x0: {  	(pc) =	sbr.rel $0x88, $3  }
0x1: {  	(tag) =	ssettag $0x0;
	lr =	simm.s32 $0x1  }
0x2: {  	[smem:$0x3F83] =	sst lr;
	_ =	strace $0xD0000000  }
0x3: {  	_ = 	snop  }
0x4: {  	_ = 	snop  }
0x5: {  	_ = 	snop  }
0x6: {  	_ = 	snop  }
0x7: {  	_ = 	snop  }
__scs_overlays_trampoline_lowered:
0x8: {  	[smem:$0x3F92] =	sst s0  }
0x9: {  	[smem:$0x3F93] =	sst s1  }
0xa: {  	[smem:$0x3F94] =	sst s2  }
0xb: {  	[smem:$0x3F95] =	sst s3  }
0xc: {  	[smem:$0x3F96] =	sst s4  }
0xd: {  	[smem:$0x3F97] =	sst s5  }
0xe: {  	[smem:$0x3F98] =	sst s6  }
0xf: {  	[smem:$0x3F99] =	sst s7  }
0x10: {  	[smem:$0x3F9A] =	sst s8  }
0x11: {  	[smem:$0x3F9B] =	sst s9;
	s0 =	simm.s32 @!p0 $0x0  }
0x12: {  	s1 =	sld [smem:$0x3F81];
	s0 =	simm.s32 @p0 $0x1  }
0x13: {  	[smem:$0x3F9C] =	sst s0;
	s0 =	simm.s32 @!p1 $0x0  }
0x14: {  	s2 =	sld [smem:$0x3F80];
	s0 =	simm.s32 @p1 $0x1  }
0x15: {  	[smem:$0x3F9D] =	sst s0;
	s0 =	simm.s32 @!p2 $0x0  }
0x16: {  	s3 =	sld [smem:$0x3FDB];
	s0 =	simm.s32 @p2 $0x1  }
0x17: {  	s4 =	simm.s32 $0x1BF5;
	[smem:$0x3F9F] =	sst s0  }
0x18: {  	s0 =	sld [smem:$0x3F82];
	_ =	swait.ge [sflag:s4], $0x0  }
0x19: {  	s7 =	sld [smem:$0x3F83]  }
0x1a: {  	s8 =	sadd.s32 $0xFFFFE003, lr  }
0x1b: {  	s9 =	sadd.s32 $0xFFFFFEF7, lr;
	s5 =	simm.s32 $0xFFFFFFFF;
	p2 =	slt.u32 s8, $0xFFFFF086  }
0x1c: {  	p1 =	slt.u32 s9, $0xF7A;
	s5 =	simm.s32 @!p2 $0x0  }
0x1d: {  	s5 =	simm.s32 @p1 $0x1;
	p0 =	seq.s32 s7, s2  }
0x1e: {  	s7 =	smul.u32 @!p0 $0xF7A, s2;
	p2 =	seq.s32 @!p0 s5, $0x0  }
0x1f: {  	s9 =	smul.u32 $0xF7A, s1;
	s8 =	simm.s32 @!p0 $0x1BF5;
	p2 =	por !p2, p0  }
0x20: {  	[sflag:s8] =	ssyncset.s32 @!p0 $0xFFFFF086;
	s6 =	sadd.s32 @!p0 s3, s7;
	s7 =	simm.s32 @!p0 $0x108  }
0x21: {  	s3 =	sadd.s32 s3, s9;
	s6 =	sadd.s32 @!p0 $0x88, s6;
	s7 =	simm.s32 @p2 $0x1082  }
0x22: {  	[simem:s7], [sflag:s8] =	dma.local @!p0 [hbm:s6], $0xF7A  }
0x23: {  	s9 =	sor.u32 $0xD0000000, s2;
	s6 =	simm.s32 $0x108;
	_ =	swait.ge @!p0 [sflag:s8], $0x0  }
0x24: {  	s3 =	sadd.s32 $0x88, s3;
	s6 =	simm.s32 @!p1 $0x1082;
	[sflag:s4] =	ssyncset.s32 $0xFFFFF086  }
0x25: {  	[simem:s6], [sflag:s4] =	dma.local [hbm:s3], $0xF7A  }
0x26: {  	[smem:$0x3F83] =	sst s1;
	(tag) =	ssettag s2;
	_ =	strace s9  }
0x27: {  	s1 =	sld [smem:$0x3F93]  }
0x28: {  	s2 =	sld [smem:$0x3F94]  }
0x29: {  	s4 =	sld [smem:$0x3F96]  }
0x2a: {  	p0 =	seq.s32 s5, $0x0;
	s5 =	sld [smem:$0x3F97]  }
0x2b: {  	s6 =	sld [smem:$0x3F98]  }
0x2c: {  	s7 =	sld [smem:$0x3F99]  }
0x2d: {  	s3 =	simm.s32 $0x108;
	s8 =	sld [smem:$0x3F9A]  }
0x2e: {  	s3 =	simm.s32 @!p0 $0x1082;
	s9 =	sld [smem:$0x3F9B]  }
0x2f: {  	lr =	sadd.s32 s0, s3;
	s0 =	sld [smem:$0x3F92]  }
0x30: {  	s3 =	sld [smem:$0x3F95]  }
0x31: {  	[smem:$0x3F9E] =	sst s10  }
0x32: {  	s10 =	sld [smem:$0x3F9C];
	_ =	sdelay $0x3  }
0x33: {  	p0 =	seq.s32 s10, $0x1;
	s10 =	sld [smem:$0x3F9E];
	_ =	sdelay $0x3  }
0x34: {  	[smem:$0x3F9E] =	sst s10  }
0x35: {  	s10 =	sld [smem:$0x3F9D];
	_ =	sdelay $0x3  }
0x36: {  	p1 =	seq.s32 s10, $0x1;
	s10 =	sld [smem:$0x3F9E];
	_ =	sdelay $0x3  }
0x37: {  	[smem:$0x3F9E] =	sst s10  }
0x38: {  	s10 =	sld [smem:$0x3F9F]  }
0x39: {  	_ = 	snop;
	(pc) =	sbr.ind lr, $3  }
0x3a: {  	_ = 	snop  }
0x3b: {  	_ = 	snop  }
0x3c: {  	p2 =	seq.s32 s10, $0x1;
	s10 =	sld [smem:$0x3F9E]  }
0x3d: {  	_ =	shalt  }
0x3e: {  	_ =	shalt  }
0x3f: {  	_ =	shalt  }
0x40: {  	_ =	shalt  }
0x41: {  	_ =	shalt  }
0x42: {  	_ =	shalt  }
0x43: {  	_ =	shalt  }
0x44: {  	_ =	shalt  }
0x45: {  	_ =	shalt  }
0x46: {  	_ =	shalt  }
0x47: {  	_ =	shalt  }
0x48: {  	_ =	shalt  }
0x49: {  	_ =	shalt  }
0x4a: {  	_ =	shalt  }
0x4b: {  	_ =	shalt  }
0x4c: {  	_ =	shalt  }
0x4d: {  	_ =	shalt  }
0x4e: {  	_ =	shalt  }
0x4f: {  	_ =	shalt  }
0x50: {  	_ =	shalt  }
0x51: {  	_ =	shalt  }
0x52: {  	_ =	shalt  }
0x53: {  	_ =	shalt  }
0x54: {  	_ =	shalt  }
0x55: {  	_ =	shalt  }
0x56: {  	_ =	shalt  }
0x57: {  	_ =	shalt  }
0x58: {  	_ =	shalt  }
0x59: {  	_ =	shalt  }
0x5a: {  	_ =	shalt  }
0x5b: {  	_ =	shalt  }
0x5c: {  	_ =	shalt  }
0x5d: {  	_ =	shalt  }
0x5e: {  	_ =	shalt  }
0x5f: {  	_ =	shalt  }
0x60: {  	_ =	shalt  }
0x61: {  	_ =	shalt  }
0x62: {  	_ =	shalt  }
0x63: {  	_ =	shalt  }
0x64: {  	_ =	shalt  }
0x65: {  	_ =	shalt  }
0x66: {  	_ =	shalt  }
0x67: {  	_ =	shalt  }
0x68: {  	_ =	shalt  }
0x69: {  	_ =	shalt  }
0x6a: {  	_ =	shalt  }
0x6b: {  	_ =	shalt  }
0x6c: {  	_ =	shalt  }
0x6d: {  	_ =	shalt  }
0x6e: {  	_ =	shalt  }
0x6f: {  	_ =	shalt  }
0x70: {  	_ =	shalt  }
0x71: {  	_ =	shalt  }
0x72: {  	_ =	shalt  }
0x73: {  	_ =	shalt  }
0x74: {  	_ =	shalt  }
0x75: {  	_ =	shalt  }
0x76: {  	_ =	shalt  }
0x77: {  	_ =	shalt  }
0x78: {  	_ =	shalt  }
0x79: {  	_ =	shalt  }
0x7a: {  	_ =	shalt  }
0x7b: {  	_ =	shalt  }
0x7c: {  	_ =	shalt  }
0x7d: {  	_ =	shalt  }
0x7e: {  	_ =	shalt  }
0x7f: {  	_ =	shalt  }
0x80: {  	_ =	shalt  }
0x81: {  	_ =	shalt  }
0x82: {  	_ =	shalt  }
0x83: {  	_ =	shalt  }
0x84: {  	_ =	shalt  }
0x85: {  	_ =	shalt  }
0x86: {  	_ =	shalt  }
0x87: {  	_ =	shalt  }
.Lfunc_end0:
.L_simem_size_0:
called_computation.3_lowered:
.L_overlay_start_0:
0x88: {  	s2 =	sld [smem:$0x3FD9]  }
0x89: {  	s3 =	sld [smem:$0x3FFE];
	_ =	sdelay $0x1  }
0x8a: {  	s1 =	srdreg.scid  }
0x8b: {  	s0 =	sand.u32 $0x1, s1  }
0x8c: {  	s17 =	sshll.u32 s0, $0xA;
	s2 =	sadd.s32 s3, s2  }
0x8d: {  	s2 =	sadd.s32 s2, s17  }
0x8e: {  	[smem:$0x3FAA] =	sst s2  }
0x8f: {  	_ = 	snop  }
0x90: {  	(tm) =	ssettm $0x1  }
0x91: {  	s18 =	sld [smem:$0x3FFB];
	_ =	sdelay $0x3  }
0x92: {  	_ =	strace s18  }
0x93: {  	s2 =	sld [smem:$0x3FFC];
	_ =	sdelay $0x3  }
0x94: {  	_ =	strace s2  }
0x95: {  	s2 =	sld [smem:$0x3FFD];
	_ =	sdelay $0x3  }
0x96: {  	_ =	strace s2  }
0x97: {  	_ =	strace $0x8FFFFFFF  }
0x98: {  	s19 =	sld [smem:$0x3FDB];
	_ =	sdelay $0x1  }
0x99: {  	s20 =	simm.s32 $_scs_section_size  }
0x9a: {  	s4 =	simm.s32 $_size__tile_overlayer_lowered;
	s5 =	simm.s32 $_tile_overlayer_lowered  }
0x9b: {  	s6 =	simm.s32 $0x1BFF;
	s21 =	sshll.u32 s5, $0x1;
	s3 =	sadd.s32 s20, s19  }
0x9c: {  	s22 =	simm.s32 $0x0;
	s4 =	sshll.u32 s4, $0x1;
	s5 =	sadd.s32 s21, s3  }
0x9d: {  	[timem:s22], [sflag:s6] =	dma.local [hbm:s5], s4  }
0x9e: {  	_ =	swait.ge [sflag:s6], s4  }
0x9f: {  	s4 =	ssub.s32 $0x0, s4;
	[sflag:s6] =	ssyncset.done $0x0  }
0xa0: {  	[sflag:s6] =	ssyncadd.s32 s4;
	_ =	sdelay $0x1  }
0xa1: {  	s23 =	simm.s32 $0x1B8B  }
0xa2: {  	_ =	swait.ge [sflag:s23], $0x1  }
0xa3: {  	[sflag:s23] =	ssyncset.done $0x0  }
0xa4: {  	[sflag:s23] =	ssyncadd.s32 $0xFFFFFFFF  }
0xa5: {  	s4 =	sld [smem:$0x0]  }
0xa6: {  	s5 =	sand.u32 $0xFFFFFFFE, s1  }
0xa7: {  	p0 =	sne.s32 s1, s5  }
0xa8: {  	s5 =	sshll.u32 @p0 s5, $0xE  }
0xa9: {  	s5 =	sadd.s32 @p0 $0x11B8D, s5;
	s6 =	sshll.u32 @p0 s4, $0x11  }
0xaa: {  	s5 =	sor.u32 @p0 s6, s5  }
0xab: {  	[sflag:s5] =	ssyncadd.remote.s32 @p0 $0x1;
	_ =	sdelay $0x1  }
0xac: {  	s5 =	simm.s32 @p0 $0x1B8D  }
0xad: {  	_ =	swait.eq @p0 [sflag:s5], $0x1  }
0xae: {  	[sflag:s5] =	ssyncadd.s32 @p0 $0xFFFFFFFF  }
0xaf: {  	s6 =	sshll.u32 @!p0 s1, $0xE  }
0xb0: {  	s6 =	sor.u32 @!p0 $0x4000, s6;
	s5 =	simm.s32 @!p0 $0x1B8D  }
0xb1: {  	s4 =	sshll.u32 @!p0 s4, $0x11;
	s6 =	sadd.s32 @!p0 $0x11B8D, s6;
	_ =	swait.eq @!p0 [sflag:s5], $0x1  }
0xb2: {  	s4 =	sor.u32 @!p0 s4, s6;
	[sflag:s5] =	ssyncadd.s32 @!p0 $0xFFFFFFFF  }
0xb3: {  	s25 =	simm.s32 $0x1B8E;
	s24 =	sld [smem:$0x3FFE];
	[sflag:s4] =	ssyncadd.remote.s32 @!p0 $0x1  }
0xb4: {  	s26 =	simm.s32 $execute0_lowered;
	[smem:$0x3FD2] =	sst s25  }
0xb5: {  	s5 =	sshll.u32 s26, $0x1;
	_ =	strace $0x8000004F;
	[dreg:$0x1] =	wrdreg $0xFFFFFFFF  }
0xb6: {  	s28 =	simm.s32 $_size_execute0_lowered;
	s3 =	sadd.s32 s3, s5;
	[dreg:$0x0] =	wrdreg $0x0  }
0xb7: {  	s5 =	sshll.u32 s28, $0x1;
	[dreg:$0x2] =	wrdreg s3  }
0xb8: {  	[dreg:$0x3] =	wrdreg s5  }
0xb9: {  	[dreg:$0x4] =	wrdreg $0xC0  }
0xba: {  	_ =	task [dreg:s22], $0x5FFFF  }
0xbb: {  	[dreg:$0x1] =	wrdreg $0xFFFFFFFF  }
0xbc: {  	[dreg:$0x0] =	wrdreg $0x60  }
0xbd: {  	[dreg:$0x2] =	wrdreg s24  }
0xbe: {  	[dreg:$0x3] =	wrdreg $0x68000  }
0xbf: {  	[dreg:$0x4] =	wrdreg $0xA  }
0xc0: {  	_ =	task.clear_ibuf [dreg:s22], $0x5FFFF;
	_ =	strace $0x9000004F  }
0xc1: {  	s29 =	simm.s32 $0xA;
	_ =	strace $0x80000051  }
0xc2: {  	_ =	swait.ge [sflag:s29], $0x1  }
0xc3: {  	[sflag:s29] =	ssyncadd.s32 $0xFFFFFFFF  }
0xc4: {  	_ =	strace $0x90000051  }
0xc5: {  	_ =	sfence  }
0xc6: {  	s30 =	sld [smem:$0x0];
	_ =	sdelay $0x2  }
0xc7: {  	s31 =	sshll.u32 s1, $0xD;
	s1 =	sshrl.u32 s1, $0x2  }
0xc8: {  	s4 =	sand.u32 $0x4000, s31;
	s1 =	sadd.s32 s1, s30  }
0xc9: {  	s0 =	sor.u32 s4, s0;
	s1 =	sshll.u32 s1, $0x11  }
0xca: {  	s0 =	sor.u32 s1, s0  }
0xcb: {  	s0 =	sadd.s32 $0x8F2B, s0  }
0xcc: {  	[sflag:s0] =	ssyncadd.remote.s32 $0x1  }
0xcd: {  	_ =	sfence.sel $0xFFFF  }
0xce: {  	[dreg:$0x0] =	wrdreg $0xFFFFFFFF;
	(pc) =	sbr.abs _section_cstart, $3  }
0xcf: {  	[dreg:$0x1] =	wrdreg $0xFFFFFFFF  }
0xd0: {  	_ =	task.clear_ibuf [dreg:s22], $0x2FFFF;
	_ =	strace $0x9FFFFFFF  }
0xd1: {  	(tm) =	ssettm $0x7FFFFFFF  }
tec
execute0_lowered:
.L_overlay_start_1:
0x0: {  	(tag) =	ssettag $0x1  }
0x1: {  	s5 =	rddreg [dreg:$0x0]  }
0x2: {  	s1 =	rddreg [dreg:$0x1]  }
0x3: {  	s2 =	srdreg.scid;
	s0 =	rddreg [dreg:$0x2]  }
0x4: {  	s3 =	simm.s32 $0x0;
	s13 =	simm.s32 $0x50;
	s4 =	sand.u32 $0x1, s2  }
0x5: {  	s14 =	simm.s32 $0x0;
	s2 =	stileid.u32;
	s6 =	smul.u32 $0x271000, s4  }
0x6: {  	[smem:$0x7FF] =	sst s3;
	s7 =	smul.u32 $0x140000, s4;
	s8 =	sshll.u32 s2, $0xB  }
0x7: {  	s9 =	sshll.u32 s4, $0xF;
	s10 =	smul.u32 $0x14000, s2;
	_ =	strace $0x80000050  }
0x8: {  	s24 =	ssub.s32 $0x2, s4;
	s26 =	smul.u32 $0x50000, s2;
	s4 =	sadd.s32 $0x7400, s5  }
0x9: {  	s29 =	sshll.u32 s2, $0x6;
	s30 =	smul.u32 $0x27100, s2;
	s23 =	sor.u32 s8, s9  }
0xa: {  	s25 =	sshrl.u32 s24, $0x1;
	s11 =	sadd.s32 s6, s5;
	s6 =	sadd.s32 s23, s5  }
0xb: {  	s7 =	sadd.s32 s10, s7;
	s8 =	ssub.s32 s24, s25;
	s28 =	sshrl.u32 s26, $0x2  }
0xc: {  	s7 =	sshrl.u32 s7, $0x3;
	s12 =	sadd.s32 s28, s1;
	s6 =	sadd.s32 $0x4F3200, s6  }
0xd: {  	s8 =	smax.u32 s8, $0x1;
	s31 =	sadd.s32 s30, s11;
	s11 =	simm.s32 $0x1  }
0xe: {  	s7 =	sadd.s32 s7, s5;
	s5 =	sor.u32 $0x1C01, s29;
	s9 =	sadd.s32 $0xEC7200, s31  }
0xf: {  	s10 =	sshrl.u32 s12, $0x3;
	s12 =	simm.s32 $0x4000;
	s7 =	sadd.s32 $0x10DC00, s7  }
.LBB2_1:
0x10: {  	[spmem:s10], [sflag:s5] =	dma.local [hbm:s4], $0x2800  }
0x11: {  	_ =	swait.ge [sflag:s11], $0x2800  }
0x12: {  	[sflag:s11] =	ssyncset.done $0x0  }
0x13: {  	[sflag:s11] =	ssyncadd.s32 $0xFFFFD800  }
0x14: {  	[tilespmem:s3], [sflag:$0x1] =	stream.linear.gather [hbm4b:s6+s3], $0x3E80, $0x38;
	[tilespmem:$0x1A800] =	vst v63  }
0x15: {  	_ =	swait.ge [sflag:s11], $0x3E80  }
0x16: {  	[sflag:s11] =	ssyncset.done $0x0  }
0x17: {  	[sflag:s11] =	ssyncadd.s32 $0xFFFFC180  }
0x18: {  	[bflag:$0x0] =	sbarrier.arrive $0xFFFF  }
0x19: {  	[tilespmem:s12], [sflag:$0x1] =	stream.linear.gather [hbm4b:s9+s3], $0x2800, $0x38;
	[tilespmem:$0x1A800] =	vst v63  }
0x1a: {  	_ =	swait.ge [sflag:s11], $0x2800  }
0x1b: {  	[sflag:s11] =	ssyncset.done $0x0  }
0x1c: {  	s15 =	simm.s32 $0x0;
	[sflag:s11] =	ssyncadd.s32 $0xFFFFD800  }
0x1d: {  	[spmem:s1] =	stream.indirect.scatter.add.f32 [tilespmem:s12], [sflag:$0x1], $0x80, s15, s13, $0xb8;
	[tilespmem:$0x1A800] =	vst v63  }
0x1e: {  	_ =	swait.ge [sflag:s11], $0x2800  }
0x1f: {  	s16 =	smov.u32 s9;
	s15 =	simm.s32 $0x200;
	[sflag:s11] =	ssyncset.done $0x0  }
.LBB2_2:
0x20: {  	p0 =	sne.s32 s15, $0xF800;
	[sflag:s11] =	ssyncadd.s32 $0xFFFFD800;
	s16 =	sadd.s32 $0x500, s16  }
0x21: {  	[tilespmem:s12], [sflag:$0x1] =	stream.linear.gather [hbm4b:s16+s3], $0x2800, $0x38;
	[tilespmem:$0x1A800] =	vst v63  }
0x22: {  	s17 =	smov.u32 s15;
	s15 =	sadd.s32 $0x200, s15;
	_ =	swait.ge [sflag:s11], $0x2800  }
.Ltmp0:
0x23: {  	[sflag:s11] =	ssyncset.done $0x0;
	(pc) =	sbr.rel @p0 .LBB2_2-.Ltmp0, $4  }
0x24: {  	s17 =	sshra.s32 s17, $0x2;
	[sflag:s11] =	ssyncadd.s32 $0xFFFFD800  }
0x25: {  	[spmem:s1] =	stream.indirect.scatter.add.f32 [tilespmem:s12], [sflag:$0x1], $0x80, s17, s13, $0xb8;
	[tilespmem:$0x1A800] =	vst v63  }
0x26: {  	_ =	swait.ge [sflag:s11], $0x2800  }
0x27: {  	[sflag:s11] =	ssyncset.done $0x0  }
0x28: {  	s14 =	sadd.s32 $0x1, s14  }
0x29: {  	[sflag:s11] =	ssyncadd.s32 $0xFFFFD800;
	p0 =	sne.s32 s14, s8  }
.Ltmp1:
0x2a: {  	[bflag:$0x0] =	sbarrier.arrive $0xFFFF;
	(pc) =	sbr.rel @p0 .LBB2_1-.Ltmp1, $4  }
0x2b: {  	[hbm:s7], [sflag:s5] =	dma.local [spmem:s10], $0x2800  }
0x2c: {  	_ =	swait.ge [sflag:s11], $0x2800  }
0x2d: {  	[sflag:s11] =	ssyncset.done $0x0  }
0x2e: {  	[sflag:s11] =	ssyncadd.s32 $0xFFFFD800  }
0x2f: {  	_ =	sfence.sel $0x180000  }
0x30: {  	[bflag:$0x0] =	sbarrier.arrive $0xFFFF  }
0x31: {  	p0 =	sne.s32 s2, $0x0;
	_ =	strace $0x90000050  }
0x32: {  	s0 =	sadd.s32 @!p0 $0x100000, s0;
	[bflag:$0x2] =	sbarrier.arrive $0xFFFF  }
0x33: {  	[sflag:s0] =	ssyncadd.tile.s32 @!p0 $0x1;
	_ =	shalt  }
.Lfunc_end2:
_tile_overlayer_lowered:
.L_overlay_start_2:
0x34: {  	(tag) =	ssettag $0x2  }
0x35: {  	s0 =	rddreg [dreg:$0x0];
	s2 =	stileid.u32  }
0x36: {  	s1 =	rddreg [dreg:$0x1];
	p0 =	sne.s32 s2, $0x0  }
0x37: {  	s3 =	rddreg [dreg:$0x2];
	[bflag:$0x3] =	sbarrier.arrive $0xFFFF;
	s2 =	simm.s32 @!p0 $0x1C01  }
0x38: {  	[timem:s3], [sflag:s2] =	dma.local @!p0 [hbm:s0], s1  }
0x39: {  	s0 =	simm.s32 @!p0 $0x1  }
0x3a: {  	_ =	swait.ge @!p0 [sflag:s0], s1  }
0x3b: {  	s1 =	ssub.s32 @!p0 $0x0, s1;
	[sflag:s0] =	ssyncset.done @!p0 $0x0  }
0x3c: {  	[sflag:s0] =	ssyncadd.s32 @!p0 s1  }
0x3d: {  	[bflag:$0x3] =	sbarrier.arrive $0xFFFF  }
0x3e: {  	_ =	shalt  }

// kernel: kernel.29.cloned.1.call-start
scs
__scs_entry_jumppad:
0x0: {  	(pc) =	sbr.rel $0x88, $3  }
0x1: {  	(tag) =	ssettag $0x0;
	lr =	simm.s32 $0x1  }
0x2: {  	[smem:$0x3F83] =	sst lr;
	_ =	strace $0xD0000000  }
0x3: {  	_ = 	snop  }
0x4: {  	_ = 	snop  }
0x5: {  	_ = 	snop  }
0x6: {  	_ = 	snop  }
0x7: {  	_ = 	snop  }
__scs_overlays_trampoline_lowered:
0x8: {  	[smem:$0x3F92] =	sst s0  }
0x9: {  	[smem:$0x3F93] =	sst s1  }
0xa: {  	[smem:$0x3F94] =	sst s2  }
0xb: {  	[smem:$0x3F95] =	sst s3  }
0xc: {  	[smem:$0x3F96] =	sst s4  }
0xd: {  	[smem:$0x3F97] =	sst s5  }
0xe: {  	[smem:$0x3F98] =	sst s6  }
0xf: {  	[smem:$0x3F99] =	sst s7  }
0x10: {  	[smem:$0x3F9A] =	sst s8  }
0x11: {  	[smem:$0x3F9B] =	sst s9;
	s0 =	simm.s32 @!p0 $0x0  }
0x12: {  	s1 =	sld [smem:$0x3F81];
	s0 =	simm.s32 @p0 $0x1  }
0x13: {  	[smem:$0x3F9C] =	sst s0;
	s0 =	simm.s32 @!p1 $0x0  }
0x14: {  	s2 =	sld [smem:$0x3F80];
	s0 =	simm.s32 @p1 $0x1  }
0x15: {  	[smem:$0x3F9D] =	sst s0;
	s0 =	simm.s32 @!p2 $0x0  }
0x16: {  	s3 =	sld [smem:$0x3FDB];
	s0 =	simm.s32 @p2 $0x1  }
0x17: {  	s4 =	simm.s32 $0x1BF5;
	[smem:$0x3F9F] =	sst s0  }
0x18: {  	s0 =	sld [smem:$0x3F82];
	_ =	swait.ge [sflag:s4], $0x0  }
0x19: {  	s7 =	sld [smem:$0x3F83]  }
0x1a: {  	s8 =	sadd.s32 $0xFFFFE003, lr  }
0x1b: {  	s9 =	sadd.s32 $0xFFFFFEF7, lr;
	s5 =	simm.s32 $0xFFFFFFFF;
	p2 =	slt.u32 s8, $0xFFFFF086  }
0x1c: {  	p1 =	slt.u32 s9, $0xF7A;
	s5 =	simm.s32 @!p2 $0x0  }
0x1d: {  	s5 =	simm.s32 @p1 $0x1;
	p0 =	seq.s32 s7, s2  }
0x1e: {  	s7 =	smul.u32 @!p0 $0xF7A, s2;
	p2 =	seq.s32 @!p0 s5, $0x0  }
0x1f: {  	s9 =	smul.u32 $0xF7A, s1;
	s8 =	simm.s32 @!p0 $0x1BF5;
	p2 =	por !p2, p0  }
0x20: {  	[sflag:s8] =	ssyncset.s32 @!p0 $0xFFFFF086;
	s6 =	sadd.s32 @!p0 s3, s7;
	s7 =	simm.s32 @!p0 $0x108  }
0x21: {  	s3 =	sadd.s32 s3, s9;
	s6 =	sadd.s32 @!p0 $0x88, s6;
	s7 =	simm.s32 @p2 $0x1082  }
0x22: {  	[simem:s7], [sflag:s8] =	dma.local @!p0 [hbm:s6], $0xF7A  }
0x23: {  	s9 =	sor.u32 $0xD0000000, s2;
	s6 =	simm.s32 $0x108;
	_ =	swait.ge @!p0 [sflag:s8], $0x0  }
0x24: {  	s3 =	sadd.s32 $0x88, s3;
	s6 =	simm.s32 @!p1 $0x1082;
	[sflag:s4] =	ssyncset.s32 $0xFFFFF086  }
0x25: {  	[simem:s6], [sflag:s4] =	dma.local [hbm:s3], $0xF7A  }
0x26: {  	[smem:$0x3F83] =	sst s1;
	(tag) =	ssettag s2;
	_ =	strace s9  }
0x27: {  	s1 =	sld [smem:$0x3F93]  }
0x28: {  	s2 =	sld [smem:$0x3F94]  }
0x29: {  	s4 =	sld [smem:$0x3F96]  }
0x2a: {  	p0 =	seq.s32 s5, $0x0;
	s5 =	sld [smem:$0x3F97]  }
0x2b: {  	s6 =	sld [smem:$0x3F98]  }
0x2c: {  	s7 =	sld [smem:$0x3F99]  }
0x2d: {  	s3 =	simm.s32 $0x108;
	s8 =	sld [smem:$0x3F9A]  }
0x2e: {  	s3 =	simm.s32 @!p0 $0x1082;
	s9 =	sld [smem:$0x3F9B]  }
0x2f: {  	lr =	sadd.s32 s0, s3;
	s0 =	sld [smem:$0x3F92]  }
0x30: {  	s3 =	sld [smem:$0x3F95]  }
0x31: {  	[smem:$0x3F9E] =	sst s10  }
0x32: {  	s10 =	sld [smem:$0x3F9C];
	_ =	sdelay $0x3  }
0x33: {  	p0 =	seq.s32 s10, $0x1;
	s10 =	sld [smem:$0x3F9E];
	_ =	sdelay $0x3  }
0x34: {  	[smem:$0x3F9E] =	sst s10  }
0x35: {  	s10 =	sld [smem:$0x3F9D];
	_ =	sdelay $0x3  }
0x36: {  	p1 =	seq.s32 s10, $0x1;
	s10 =	sld [smem:$0x3F9E];
	_ =	sdelay $0x3  }
0x37: {  	[smem:$0x3F9E] =	sst s10  }
0x38: {  	s10 =	sld [smem:$0x3F9F]  }
0x39: {  	_ = 	snop;
	(pc) =	sbr.ind lr, $3  }
0x3a: {  	_ = 	snop  }
0x3b: {  	_ = 	snop  }
0x3c: {  	p2 =	seq.s32 s10, $0x1;
	s10 =	sld [smem:$0x3F9E]  }
0x3d: {  	_ =	shalt  }
0x3e: {  	_ =	shalt  }
0x3f: {  	_ =	shalt  }
0x40: {  	_ =	shalt  }
0x41: {  	_ =	shalt  }
0x42: {  	_ =	shalt  }
0x43: {  	_ =	shalt  }
0x44: {  	_ =	shalt  }
0x45: {  	_ =	shalt  }
0x46: {  	_ =	shalt  }
0x47: {  	_ =	shalt  }
0x48: {  	_ =	shalt  }
0x49: {  	_ =	shalt  }
0x4a: {  	_ =	shalt  }
0x4b: {  	_ =	shalt  }
0x4c: {  	_ =	shalt  }
0x4d: {  	_ =	shalt  }
0x4e: {  	_ =	shalt  }
0x4f: {  	_ =	shalt  }
0x50: {  	_ =	shalt  }
0x51: {  	_ =	shalt  }
0x52: {  	_ =	shalt  }
0x53: {  	_ =	shalt  }
0x54: {  	_ =	shalt  }
0x55: {  	_ =	shalt  }
0x56: {  	_ =	shalt  }
0x57: {  	_ =	shalt  }
0x58: {  	_ =	shalt  }
0x59: {  	_ =	shalt  }
0x5a: {  	_ =	shalt  }
0x5b: {  	_ =	shalt  }
0x5c: {  	_ =	shalt  }
0x5d: {  	_ =	shalt  }
0x5e: {  	_ =	shalt  }
0x5f: {  	_ =	shalt  }
0x60: {  	_ =	shalt  }
0x61: {  	_ =	shalt  }
0x62: {  	_ =	shalt  }
0x63: {  	_ =	shalt  }
0x64: {  	_ =	shalt  }
0x65: {  	_ =	shalt  }
0x66: {  	_ =	shalt  }
0x67: {  	_ =	shalt  }
0x68: {  	_ =	shalt  }
0x69: {  	_ =	shalt  }
0x6a: {  	_ =	shalt  }
0x6b: {  	_ =	shalt  }
0x6c: {  	_ =	shalt  }
0x6d: {  	_ =	shalt  }
0x6e: {  	_ =	shalt  }
0x6f: {  	_ =	shalt  }
0x70: {  	_ =	shalt  }
0x71: {  	_ =	shalt  }
0x72: {  	_ =	shalt  }
0x73: {  	_ =	shalt  }
0x74: {  	_ =	shalt  }
0x75: {  	_ =	shalt  }
0x76: {  	_ =	shalt  }
0x77: {  	_ =	shalt  }
0x78: {  	_ =	shalt  }
0x79: {  	_ =	shalt  }
0x7a: {  	_ =	shalt  }
0x7b: {  	_ =	shalt  }
0x7c: {  	_ =	shalt  }
0x7d: {  	_ =	shalt  }
0x7e: {  	_ =	shalt  }
0x7f: {  	_ =	shalt  }
0x80: {  	_ =	shalt  }
0x81: {  	_ =	shalt  }
0x82: {  	_ =	shalt  }
0x83: {  	_ =	shalt  }
0x84: {  	_ =	shalt  }
0x85: {  	_ =	shalt  }
0x86: {  	_ =	shalt  }
0x87: {  	_ =	shalt  }
.Lfunc_end0:
.L_simem_size_0:
called_computation.4_lowered:
.L_overlay_start_0:
0x88: {  	s2 =	sld [smem:$0x3FD9]  }
0x89: {  	s3 =	sld [smem:$0x3FFE];
	_ =	sdelay $0x1  }
0x8a: {  	s1 =	srdreg.scid  }
0x8b: {  	s0 =	sand.u32 $0x1, s1  }
0x8c: {  	s17 =	sshll.u32 s0, $0xA;
	s2 =	sadd.s32 s3, s2  }
0x8d: {  	s2 =	sadd.s32 s2, s17  }
0x8e: {  	[smem:$0x3FAA] =	sst s2  }
0x8f: {  	_ = 	snop  }
0x90: {  	s2 =	sld [smem:$0x3FD0];
	(tm) =	ssettm $0x1  }
0x91: {  	s18 =	sld [smem:$0x3FFB];
	_ =	sdelay $0x3  }
0x92: {  	_ =	strace s18  }
0x93: {  	s3 =	sld [smem:$0x3FFC];
	_ =	sdelay $0x3  }
0x94: {  	_ =	strace s3  }
0x95: {  	s3 =	sld [smem:$0x3FFD];
	_ =	sdelay $0x3  }
0x96: {  	_ =	strace s3  }
0x97: {  	_ =	strace $0x8FFFFFFF  }
0x98: {  	s19 =	sld [smem:$0x3FDB];
	_ =	sdelay $0x1  }
0x99: {  	s4 =	simm.s32 $_scs_section_size  }
0x9a: {  	s5 =	simm.s32 $_size__tile_overlayer_lowered;
	s6 =	simm.s32 $_tile_overlayer_lowered  }
0x9b: {  	s22 =	simm.s32 $0x1BFF;
	s21 =	sshll.u32 s6, $0x1;
	s3 =	sadd.s32 s4, s19  }
0x9c: {  	s7 =	simm.s32 $0x0;
	s20 =	sshll.u32 s5, $0x1;
	s5 =	sadd.s32 s21, s3  }
0x9d: {  	[timem:s7], [sflag:s22] =	dma.local [hbm:s5], s20  }
0x9e: {  	_ =	swait.ge [sflag:s22], s20  }
0x9f: {  	s4 =	ssub.s32 $0x0, s20;
	[sflag:s22] =	ssyncset.done $0x0  }
0xa0: {  	[sflag:s22] =	ssyncadd.s32 s4;
	_ =	sdelay $0x1  }
0xa1: {  	s23 =	simm.s32 $0x1B8B  }
0xa2: {  	_ =	swait.ge [sflag:s23], $0x1  }
0xa3: {  	[sflag:s23] =	ssyncset.done $0x0  }
0xa4: {  	s25 =	simm.s32 $0x1B8E;
	s24 =	sld [smem:$0x3FFE];
	[sflag:s23] =	ssyncadd.s32 $0xFFFFFFFF  }
0xa5: {  	s26 =	simm.s32 $execute0_lowered;
	[smem:$0x3FD2] =	sst s25  }
0xa6: {  	s5 =	sshll.u32 s26, $0x1;
	_ =	strace $0x80000052;
	[dreg:$0x1] =	wrdreg $0xFFFFFFFF  }
0xa7: {  	s28 =	simm.s32 $_size_execute0_lowered;
	s3 =	sadd.s32 s3, s5;
	[dreg:$0x0] =	wrdreg $0x0  }
0xa8: {  	s5 =	sshll.u32 s28, $0x1;
	[dreg:$0x2] =	wrdreg s3  }
0xa9: {  	[dreg:$0x3] =	wrdreg s5  }
0xaa: {  	[dreg:$0x4] =	wrdreg $0xC0  }
0xab: {  	_ =	task [dreg:s7], $0x5FFFF  }
0xac: {  	[dreg:$0x1] =	wrdreg $0xFFFFFFFF  }
0xad: {  	[dreg:$0x0] =	wrdreg $0x60  }
0xae: {  	[dreg:$0x2] =	wrdreg s2  }
0xaf: {  	[dreg:$0x3] =	wrdreg s24  }
0xb0: {  	[dreg:$0x4] =	wrdreg $0x90000  }
0xb1: {  	[dreg:$0x5] =	wrdreg $0x9  }
0xb2: {  	_ =	task.clear_ibuf [dreg:s7], $0x6FFFF;
	_ =	strace $0x90000052  }
0xb3: {  	s29 =	simm.s32 $0x9;
	_ =	strace $0x80000054  }
0xb4: {  	_ =	swait.ge [sflag:s29], $0x1  }
0xb5: {  	[sflag:s29] =	ssyncadd.s32 $0xFFFFFFFF  }
0xb6: {  	_ =	strace $0x90000054  }
0xb7: {  	_ =	sfence  }
0xb8: {  	s30 =	sld [smem:$0x0];
	_ =	sdelay $0x2  }
0xb9: {  	s31 =	sshll.u32 s1, $0xD;
	s1 =	sshrl.u32 s1, $0x2  }
0xba: {  	s3 =	sand.u32 $0x4000, s31;
	s1 =	sadd.s32 s1, s30  }
0xbb: {  	s0 =	sor.u32 s3, s0;
	s1 =	sshll.u32 s1, $0x11  }
0xbc: {  	s0 =	sor.u32 s1, s0  }
0xbd: {  	s0 =	sadd.s32 $0x8F2B, s0  }
0xbe: {  	[sflag:s0] =	ssyncadd.remote.s32 $0x1  }
0xbf: {  	_ =	sfence.sel $0xFFFF  }
0xc0: {  	[dreg:$0x0] =	wrdreg $0xFFFFFFFF;
	(pc) =	sbr.abs _section_cstart, $3  }
0xc1: {  	[dreg:$0x1] =	wrdreg $0xFFFFFFFF  }
0xc2: {  	_ =	task.clear_ibuf [dreg:s7], $0x2FFFF;
	_ =	strace $0x9FFFFFFF  }
0xc3: {  	(tm) =	ssettm $0x7FFFFFFF  }
tec
execute0_lowered:
.L_overlay_start_1:
0x0: {  	(tag) =	ssettag $0x1  }
0x1: {  	s1 =	rddreg [dreg:$0x0]  }
0x2: {  	s0 =	srdreg.scid;
	s7 =	rddreg [dreg:$0x1]  }
0x3: {  	s3 =	rddreg [dreg:$0x2];
	s4 =	simm.s32 $0x0;
	s14 =	simm.s32 $0x7D  }
0x4: {  	s15 =	simm.s32 $0x5000;
	s16 =	simm.s32 $0x1;
	s6 =	sand.u32 $0x1, s0  }
0x5: {  	s17 =	simm.s32 $0x0;
	s0 =	stileid.u32;
	s8 =	smul.u32 $0x140000, s6  }
0x6: {  	[smem:$0x7FF] =	sst s4;
	s2 =	sshll.u32 s6, $0x4;
	s9 =	smul.u32 $0x14000, s0  }
0x7: {  	s28 =	smul.u32 $0x50000, s0;
	s6 =	ssub.s32 $0x2, s6;
	s2 =	sor.u32 s0, s2  }
0x8: {  	s31 =	sshll.u32 s0, $0x6;
	s29 =	sshrl.u32 s6, $0x1;
	s5 =	smul.u32 $0x500, s2  }
0x9: {  	s2 =	rddreg [dreg:$0x3];
	_ =	strace $0x80000053;
	s8 =	sadd.s32 s9, s8  }
0xa: {  	s30 =	sshrl.u32 s28, $0x2;
	s12 =	ssub.s32 s6, s29;
	s6 =	sor.u32 $0x1C02, s31  }
0xb: {  	s8 =	sshrl.u32 s8, $0x3;
	s13 =	sadd.s32 s30, s3;
	s10 =	sadd.s32 s5, s7  }
0xc: {  	s5 =	sadd.s32 $0x7400, s7;
	s11 =	sadd.s32 s8, s7;
	s7 =	sadd.s32 $0xB3C00, s10  }
0xd: {  	s8 =	sadd.s32 $0xA9C00, s10;
	s9 =	sadd.s32 $0x9C00, s11;
	s10 =	smax.u32 s12, $0x1  }
0xe: {  	s11 =	sshrl.u32 s13, $0x3;
	s12 =	simm.s32 $0x2;
	s13 =	simm.s32 $0x2800  }
.LBB2_1:
0xf: {  	[spmem:s11], [sflag:s6] =	dma.local [hbm:s5], $0x2800  }
0x10: {  	_ =	swait.ge [sflag:s12], $0x2800  }
0x11: {  	[sflag:s12] =	ssyncset.done $0x0  }
0x12: {  	[sflag:s12] =	ssyncadd.s32 $0xFFFFD800  }
0x13: {  	[tilespmem:s4], [sflag:$0x2] =	stream.linear.gather [hbm4b:s7+s4], $0x2800, $0x38;
	[tilespmem:$0x1D000] =	vst v63  }
0x14: {  	_ =	swait.ge [sflag:s12], $0x2800  }
0x15: {  	[sflag:s12] =	ssyncset.done $0x0  }
0x16: {  	[sflag:s12] =	ssyncadd.s32 $0xFFFFD800  }
0x17: {  	[tilespmem:s13], [sflag:$0x2] =	stream.linear.gather [hbm4b:s8+s4], $0x2800, $0x38;
	[tilespmem:$0x1D000] =	vst v63  }
0x18: {  	_ =	swait.ge [sflag:s12], $0x2800  }
0x19: {  	[sflag:s12] =	ssyncset.done $0x0  }
0x1a: {  	[sflag:s12] =	ssyncadd.s32 $0xFFFFD800  }
0x1b: {  	s18 =	simm.s32 $0x0;
	[bflag:$0x0] =	sbarrier.arrive $0xFFFF  }
0x1c: {  	[tilespmem:s15], [sflag:$0x1] =	stream.indirect.gather [hbm4b:s1+s14], $0x80, s18, s14, $0xb8;
	[tilespmem:$0x1D000] =	vst v63  }
0x1d: {  	_ =	swait.ge [sflag:s16], $0x3E80  }
0x1e: {  	[sflag:s16] =	ssyncset.done $0x0  }
0x1f: {  	s31 =	simm.s32 $0x2800;
	[sflag:s16] =	ssyncadd.s32 $0xFFFFC180  }
0x20: {  	[spmem:s3] =	stream.indirect.scatter.add.f32 [tilespmem:s15], [sflag:$0x2], $0x80, s31, s14, $0xb8;
	[tilespmem:$0x1D000] =	vst v63  }
0x21: {  	_ =	swait.ge [sflag:s12], $0x3E80  }
0x22: {  	s19 =	simm.s32 $0x400;
	s18 =	simm.s32 $0x200;
	[sflag:s12] =	ssyncset.done $0x0  }
.LBB2_2:
0x23: {  	s20 =	sshra.s32 s18, $0x2  }
0x24: {  	[sflag:s12] =	ssyncadd.s32 $0xFFFFC180;
	s18 =	smov.u32 s19;
	s21 =	sadd.s32 $0x200, s19  }
0x25: {  	[tilespmem:s15], [sflag:$0x1] =	stream.indirect.gather [hbm4b:s1+s14], $0x80, s20, s14, $0xb8;
	[tilespmem:$0x1D000] =	vst v63  }
0x26: {  	p0 =	sne.s32 s19, $0x9E00;
	_ =	swait.ge [sflag:s16], $0x3E80  }
.Ltmp0:
0x27: {  	[sflag:s16] =	ssyncset.done $0x0;
	(pc) =	sbr.rel @p0 .LBB2_2-.Ltmp0, $4  }
0x28: {  	s19 =	sadd.s32 $0x2800, s20;
	[sflag:s16] =	ssyncadd.s32 $0xFFFFC180  }
0x29: {  	[spmem:s3] =	stream.indirect.scatter.add.f32 [tilespmem:s15], [sflag:$0x2], $0x80, s19, s14, $0xb8;
	[tilespmem:$0x1D000] =	vst v63  }
0x2a: {  	_ =	swait.ge [sflag:s12], $0x3E80  }
0x2b: {  	s19 =	smov.u32 s21;
	[sflag:s12] =	ssyncset.done $0x0  }
0x2c: {  	s18 =	sshra.s32 s18, $0x2;
	[sflag:s12] =	ssyncadd.s32 $0xFFFFC180  }
0x2d: {  	[tilespmem:s15], [sflag:$0x1] =	stream.indirect.gather [hbm4b:s1+s14], $0x80, s18, s14, $0xb8;
	[tilespmem:$0x1D000] =	vst v63  }
0x2e: {  	_ =	swait.ge [sflag:s16], $0x3E80  }
0x2f: {  	[sflag:s16] =	ssyncset.done $0x0  }
0x30: {  	s18 =	sadd.s32 $0x2800, s18;
	[sflag:s16] =	ssyncadd.s32 $0xFFFFC180  }
0x31: {  	[spmem:s3] =	stream.indirect.scatter.add.f32 [tilespmem:s15], [sflag:$0x2], $0x80, s18, s14, $0xb8;
	[tilespmem:$0x1D000] =	vst v63  }
0x32: {  	_ =	swait.ge [sflag:s12], $0x3E80  }
0x33: {  	s17 =	sadd.s32 $0x1, s17;
	[sflag:s12] =	ssyncset.done $0x0  }
0x34: {  	p0 =	sne.s32 s17, s10;
	[sflag:s12] =	ssyncadd.s32 $0xFFFFC180  }
.Ltmp1:
0x35: {  	[bflag:$0x0] =	sbarrier.arrive $0xFFFF;
	(pc) =	sbr.rel @p0 .LBB2_1-.Ltmp1, $4  }
0x36: {  	[hbm:s9], [sflag:s6] =	dma.local [spmem:s11], $0x2800  }
0x37: {  	_ =	swait.ge [sflag:s12], $0x2800  }
0x38: {  	[sflag:s12] =	ssyncset.done $0x0  }
0x39: {  	[sflag:s12] =	ssyncadd.s32 $0xFFFFD800  }
0x3a: {  	_ =	sfence.sel $0x180000  }
0x3b: {  	[bflag:$0x0] =	sbarrier.arrive $0xFFFF  }
0x3c: {  	p0 =	sne.s32 s0, $0x0;
	_ =	strace $0x90000053  }
0x3d: {  	s0 =	sadd.s32 @!p0 $0x100000, s2;
	[bflag:$0x2] =	sbarrier.arrive $0xFFFF  }
0x3e: {  	[sflag:s0] =	ssyncadd.tile.s32 @!p0 $0x1;
	_ =	shalt  }
.Lfunc_end2:
_tile_overlayer_lowered:
.L_overlay_start_2:
0x3f: {  	(tag) =	ssettag $0x2  }
0x40: {  	s0 =	rddreg [dreg:$0x0];
	s2 =	stileid.u32  }
0x41: {  	s1 =	rddreg [dreg:$0x1];
	p0 =	sne.s32 s2, $0x0  }
0x42: {  	s3 =	rddreg [dreg:$0x2];
	[bflag:$0x3] =	sbarrier.arrive $0xFFFF;
	s2 =	simm.s32 @!p0 $0x1C02  }
0x43: {  	[timem:s3], [sflag:s2] =	dma.local @!p0 [hbm:s0], s1  }
0x44: {  	s0 =	simm.s32 @!p0 $0x2  }
0x45: {  	_ =	swait.ge @!p0 [sflag:s0], s1  }
0x46: {  	s1 =	ssub.s32 @!p0 $0x0, s1;
	[sflag:s0] =	ssyncset.done @!p0 $0x0  }
0x47: {  	[sflag:s0] =	ssyncadd.s32 @!p0 s1  }
0x48: {  	[bflag:$0x3] =	sbarrier.arrive $0xFFFF  }
0x49: {  	_ =	shalt  }

// kernel: kernel.32.cloned.1.call-start
scs
__scs_entry_jumppad:
0x0: {  	(pc) =	sbr.rel $0x88, $3  }
0x1: {  	(tag) =	ssettag $0x0;
	lr =	simm.s32 $0x1  }
0x2: {  	[smem:$0x3F83] =	sst lr;
	_ =	strace $0xD0000000  }
0x3: {  	_ = 	snop  }
0x4: {  	_ = 	snop  }
0x5: {  	_ = 	snop  }
0x6: {  	_ = 	snop  }
0x7: {  	_ = 	snop  }
__scs_overlays_trampoline_lowered:
0x8: {  	[smem:$0x3F92] =	sst s0  }
0x9: {  	[smem:$0x3F93] =	sst s1  }
0xa: {  	[smem:$0x3F94] =	sst s2  }
0xb: {  	[smem:$0x3F95] =	sst s3  }
0xc: {  	[smem:$0x3F96] =	sst s4  }
0xd: {  	[smem:$0x3F97] =	sst s5  }
0xe: {  	[smem:$0x3F98] =	sst s6  }
0xf: {  	[smem:$0x3F99] =	sst s7  }
0x10: {  	[smem:$0x3F9A] =	sst s8  }
0x11: {  	[smem:$0x3F9B] =	sst s9;
	s0 =	simm.s32 @!p0 $0x0  }
0x12: {  	s1 =	sld [smem:$0x3F81];
	s0 =	simm.s32 @p0 $0x1  }
0x13: {  	[smem:$0x3F9C] =	sst s0;
	s0 =	simm.s32 @!p1 $0x0  }
0x14: {  	s2 =	sld [smem:$0x3F80];
	s0 =	simm.s32 @p1 $0x1  }
0x15: {  	[smem:$0x3F9D] =	sst s0;
	s0 =	simm.s32 @!p2 $0x0  }
0x16: {  	s3 =	sld [smem:$0x3FDB];
	s0 =	simm.s32 @p2 $0x1  }
0x17: {  	s4 =	simm.s32 $0x1BF5;
	[smem:$0x3F9F] =	sst s0  }
0x18: {  	s0 =	sld [smem:$0x3F82];
	_ =	swait.ge [sflag:s4], $0x0  }
0x19: {  	s7 =	sld [smem:$0x3F83]  }
0x1a: {  	s8 =	sadd.s32 $0xFFFFE003, lr  }
0x1b: {  	s9 =	sadd.s32 $0xFFFFFEF7, lr;
	s5 =	simm.s32 $0xFFFFFFFF;
	p2 =	slt.u32 s8, $0xFFFFF086  }
0x1c: {  	p1 =	slt.u32 s9, $0xF7A;
	s5 =	simm.s32 @!p2 $0x0  }
0x1d: {  	s5 =	simm.s32 @p1 $0x1;
	p0 =	seq.s32 s7, s2  }
0x1e: {  	s7 =	smul.u32 @!p0 $0xF7A, s2;
	p2 =	seq.s32 @!p0 s5, $0x0  }
0x1f: {  	s9 =	smul.u32 $0xF7A, s1;
	s8 =	simm.s32 @!p0 $0x1BF5;
	p2 =	por !p2, p0  }
0x20: {  	[sflag:s8] =	ssyncset.s32 @!p0 $0xFFFFF086;
	s6 =	sadd.s32 @!p0 s3, s7;
	s7 =	simm.s32 @!p0 $0x108  }
0x21: {  	s3 =	sadd.s32 s3, s9;
	s6 =	sadd.s32 @!p0 $0x88, s6;
	s7 =	simm.s32 @p2 $0x1082  }
0x22: {  	[simem:s7], [sflag:s8] =	dma.local @!p0 [hbm:s6], $0xF7A  }
0x23: {  	s9 =	sor.u32 $0xD0000000, s2;
	s6 =	simm.s32 $0x108;
	_ =	swait.ge @!p0 [sflag:s8], $0x0  }
0x24: {  	s3 =	sadd.s32 $0x88, s3;
	s6 =	simm.s32 @!p1 $0x1082;
	[sflag:s4] =	ssyncset.s32 $0xFFFFF086  }
0x25: {  	[simem:s6], [sflag:s4] =	dma.local [hbm:s3], $0xF7A  }
0x26: {  	[smem:$0x3F83] =	sst s1;
	(tag) =	ssettag s2;
	_ =	strace s9  }
0x27: {  	s1 =	sld [smem:$0x3F93]  }
0x28: {  	s2 =	sld [smem:$0x3F94]  }
0x29: {  	s4 =	sld [smem:$0x3F96]  }
0x2a: {  	p0 =	seq.s32 s5, $0x0;
	s5 =	sld [smem:$0x3F97]  }
0x2b: {  	s6 =	sld [smem:$0x3F98]  }
0x2c: {  	s7 =	sld [smem:$0x3F99]  }
0x2d: {  	s3 =	simm.s32 $0x108;
	s8 =	sld [smem:$0x3F9A]  }
0x2e: {  	s3 =	simm.s32 @!p0 $0x1082;
	s9 =	sld [smem:$0x3F9B]  }
0x2f: {  	lr =	sadd.s32 s0, s3;
	s0 =	sld [smem:$0x3F92]  }
0x30: {  	s3 =	sld [smem:$0x3F95]  }
0x31: {  	[smem:$0x3F9E] =	sst s10  }
0x32: {  	s10 =	sld [smem:$0x3F9C];
	_ =	sdelay $0x3  }
0x33: {  	p0 =	seq.s32 s10, $0x1;
	s10 =	sld [smem:$0x3F9E];
	_ =	sdelay $0x3  }
0x34: {  	[smem:$0x3F9E] =	sst s10  }
0x35: {  	s10 =	sld [smem:$0x3F9D];
	_ =	sdelay $0x3  }
0x36: {  	p1 =	seq.s32 s10, $0x1;
	s10 =	sld [smem:$0x3F9E];
	_ =	sdelay $0x3  }
0x37: {  	[smem:$0x3F9E] =	sst s10  }
0x38: {  	s10 =	sld [smem:$0x3F9F]  }
0x39: {  	_ = 	snop;
	(pc) =	sbr.ind lr, $3  }
0x3a: {  	_ = 	snop  }
0x3b: {  	_ = 	snop  }
0x3c: {  	p2 =	seq.s32 s10, $0x1;
	s10 =	sld [smem:$0x3F9E]  }
0x3d: {  	_ =	shalt  }
0x3e: {  	_ =	shalt  }
0x3f: {  	_ =	shalt  }
0x40: {  	_ =	shalt  }
0x41: {  	_ =	shalt  }
0x42: {  	_ =	shalt  }
0x43: {  	_ =	shalt  }
0x44: {  	_ =	shalt  }
0x45: {  	_ =	shalt  }
0x46: {  	_ =	shalt  }
0x47: {  	_ =	shalt  }
0x48: {  	_ =	shalt  }
0x49: {  	_ =	shalt  }
0x4a: {  	_ =	shalt  }
0x4b: {  	_ =	shalt  }
0x4c: {  	_ =	shalt  }
0x4d: {  	_ =	shalt  }
0x4e: {  	_ =	shalt  }
0x4f: {  	_ =	shalt  }
0x50: {  	_ =	shalt  }
0x51: {  	_ =	shalt  }
0x52: {  	_ =	shalt  }
0x53: {  	_ =	shalt  }
0x54: {  	_ =	shalt  }
0x55: {  	_ =	shalt  }
0x56: {  	_ =	shalt  }
0x57: {  	_ =	shalt  }
0x58: {  	_ =	shalt  }
0x59: {  	_ =	shalt  }
0x5a: {  	_ =	shalt  }
0x5b: {  	_ =	shalt  }
0x5c: {  	_ =	shalt  }
0x5d: {  	_ =	shalt  }
0x5e: {  	_ =	shalt  }
0x5f: {  	_ =	shalt  }
0x60: {  	_ =	shalt  }
0x61: {  	_ =	shalt  }
0x62: {  	_ =	shalt  }
0x63: {  	_ =	shalt  }
0x64: {  	_ =	shalt  }
0x65: {  	_ =	shalt  }
0x66: {  	_ =	shalt  }
0x67: {  	_ =	shalt  }
0x68: {  	_ =	shalt  }
0x69: {  	_ =	shalt  }
0x6a: {  	_ =	shalt  }
0x6b: {  	_ =	shalt  }
0x6c: {  	_ =	shalt  }
0x6d: {  	_ =	shalt  }
0x6e: {  	_ =	shalt  }
0x6f: {  	_ =	shalt  }
0x70: {  	_ =	shalt  }
0x71: {  	_ =	shalt  }
0x72: {  	_ =	shalt  }
0x73: {  	_ =	shalt  }
0x74: {  	_ =	shalt  }
0x75: {  	_ =	shalt  }
0x76: {  	_ =	shalt  }
0x77: {  	_ =	shalt  }
0x78: {  	_ =	shalt  }
0x79: {  	_ =	shalt  }
0x7a: {  	_ =	shalt  }
0x7b: {  	_ =	shalt  }
0x7c: {  	_ =	shalt  }
0x7d: {  	_ =	shalt  }
0x7e: {  	_ =	shalt  }
0x7f: {  	_ =	shalt  }
0x80: {  	_ =	shalt  }
0x81: {  	_ =	shalt  }
0x82: {  	_ =	shalt  }
0x83: {  	_ =	shalt  }
0x84: {  	_ =	shalt  }
0x85: {  	_ =	shalt  }
0x86: {  	_ =	shalt  }
0x87: {  	_ =	shalt  }
.Lfunc_end0:
.L_simem_size_0:
called_computation.5_lowered:
.L_overlay_start_0:
0x88: {  	s2 =	sld [smem:$0x3FD9]  }
0x89: {  	s3 =	sld [smem:$0x3FFE];
	_ =	sdelay $0x1  }
0x8a: {  	s1 =	srdreg.scid  }
0x8b: {  	s0 =	sand.u32 $0x1, s1  }
0x8c: {  	s17 =	sshll.u32 s0, $0xA;
	s2 =	sadd.s32 s3, s2  }
0x8d: {  	s2 =	sadd.s32 s2, s17  }
0x8e: {  	[smem:$0x3FAA] =	sst s2  }
0x8f: {  	_ = 	snop  }
0x90: {  	(tm) =	ssettm $0x1  }
0x91: {  	s18 =	sld [smem:$0x3FFB];
	_ =	sdelay $0x3  }
0x92: {  	_ =	strace s18  }
0x93: {  	s2 =	sld [smem:$0x3FFC];
	_ =	sdelay $0x3  }
0x94: {  	_ =	strace s2  }
0x95: {  	s2 =	sld [smem:$0x3FFD];
	_ =	sdelay $0x3  }
0x96: {  	_ =	strace s2  }
0x97: {  	_ =	strace $0x8FFFFFFF  }
0x98: {  	s19 =	sld [smem:$0x3FDB];
	_ =	sdelay $0x1  }
0x99: {  	s20 =	simm.s32 $_scs_section_size  }
0x9a: {  	s4 =	simm.s32 $_size__tile_overlayer_lowered;
	s5 =	simm.s32 $_tile_overlayer_lowered  }
0x9b: {  	s6 =	simm.s32 $0x1BFF;
	s21 =	sshll.u32 s5, $0x1;
	s3 =	sadd.s32 s20, s19  }
0x9c: {  	s22 =	simm.s32 $0x0;
	s4 =	sshll.u32 s4, $0x1;
	s5 =	sadd.s32 s21, s3  }
0x9d: {  	[timem:s22], [sflag:s6] =	dma.local [hbm:s5], s4  }
0x9e: {  	_ =	swait.ge [sflag:s6], s4  }
0x9f: {  	s4 =	ssub.s32 $0x0, s4;
	[sflag:s6] =	ssyncset.done $0x0  }
0xa0: {  	[sflag:s6] =	ssyncadd.s32 s4;
	_ =	sdelay $0x1  }
0xa1: {  	s23 =	simm.s32 $0x1B8B  }
0xa2: {  	_ =	swait.ge [sflag:s23], $0x1  }
0xa3: {  	[sflag:s23] =	ssyncset.done $0x0  }
0xa4: {  	[sflag:s23] =	ssyncadd.s32 $0xFFFFFFFF  }
0xa5: {  	s4 =	sld [smem:$0x0]  }
0xa6: {  	s5 =	sand.u32 $0xFFFFFFFE, s1  }
0xa7: {  	p0 =	sne.s32 s1, s5  }
0xa8: {  	s5 =	sshll.u32 @p0 s5, $0xE  }
0xa9: {  	s5 =	sadd.s32 @p0 $0x11B8D, s5;
	s6 =	sshll.u32 @p0 s4, $0x11  }
0xaa: {  	s5 =	sor.u32 @p0 s6, s5  }
0xab: {  	[sflag:s5] =	ssyncadd.remote.s32 @p0 $0x1;
	_ =	sdelay $0x1  }
0xac: {  	s5 =	simm.s32 @p0 $0x1B8D  }
0xad: {  	_ =	swait.eq @p0 [sflag:s5], $0x1  }
0xae: {  	[sflag:s5] =	ssyncadd.s32 @p0 $0xFFFFFFFF  }
0xaf: {  	s6 =	sshll.u32 @!p0 s1, $0xE  }
0xb0: {  	s6 =	sor.u32 @!p0 $0x4000, s6;
	s5 =	simm.s32 @!p0 $0x1B8D  }
0xb1: {  	s4 =	sshll.u32 @!p0 s4, $0x11;
	s6 =	sadd.s32 @!p0 $0x11B8D, s6;
	_ =	swait.eq @!p0 [sflag:s5], $0x1  }
0xb2: {  	s4 =	sor.u32 @!p0 s4, s6;
	[sflag:s5] =	ssyncadd.s32 @!p0 $0xFFFFFFFF  }
0xb3: {  	s25 =	simm.s32 $0x1B8E;
	s24 =	sld [smem:$0x3FFE];
	[sflag:s4] =	ssyncadd.remote.s32 @!p0 $0x1  }
0xb4: {  	s26 =	simm.s32 $execute0_lowered;
	[smem:$0x3FD2] =	sst s25  }
0xb5: {  	s5 =	sshll.u32 s26, $0x1;
	_ =	strace $0x80000055;
	[dreg:$0x1] =	wrdreg $0xFFFFFFFF  }
0xb6: {  	s28 =	simm.s32 $_size_execute0_lowered;
	s3 =	sadd.s32 s3, s5;
	[dreg:$0x0] =	wrdreg $0x0  }
0xb7: {  	s5 =	sshll.u32 s28, $0x1;
	[dreg:$0x2] =	wrdreg s3  }
0xb8: {  	[dreg:$0x3] =	wrdreg s5  }
0xb9: {  	[dreg:$0x4] =	wrdreg $0xC0  }
0xba: {  	_ =	task [dreg:s22], $0x5FFFF  }
0xbb: {  	[dreg:$0x1] =	wrdreg $0xFFFFFFFF  }
0xbc: {  	[dreg:$0x0] =	wrdreg $0x60  }
0xbd: {  	[dreg:$0x2] =	wrdreg s24  }
0xbe: {  	[dreg:$0x3] =	wrdreg $0x68000  }
0xbf: {  	[dreg:$0x4] =	wrdreg $0xA  }
0xc0: {  	_ =	task.clear_ibuf [dreg:s22], $0x5FFFF;
	_ =	strace $0x90000055  }
0xc1: {  	s29 =	simm.s32 $0xA;
	_ =	strace $0x80000057  }
0xc2: {  	_ =	swait.ge [sflag:s29], $0x1  }
0xc3: {  	[sflag:s29] =	ssyncadd.s32 $0xFFFFFFFF  }
0xc4: {  	_ =	strace $0x90000057  }
0xc5: {  	_ =	sfence  }
0xc6: {  	s30 =	sld [smem:$0x0];
	_ =	sdelay $0x2  }
0xc7: {  	s31 =	sshll.u32 s1, $0xD;
	s1 =	sshrl.u32 s1, $0x2  }
0xc8: {  	s4 =	sand.u32 $0x4000, s31;
	s1 =	sadd.s32 s1, s30  }
0xc9: {  	s0 =	sor.u32 s4, s0;
	s1 =	sshll.u32 s1, $0x11  }
0xca: {  	s0 =	sor.u32 s1, s0  }
0xcb: {  	s0 =	sadd.s32 $0x8F2B, s0  }
0xcc: {  	[sflag:s0] =	ssyncadd.remote.s32 $0x1  }
0xcd: {  	_ =	sfence.sel $0xFFFF  }
0xce: {  	[dreg:$0x0] =	wrdreg $0xFFFFFFFF;
	(pc) =	sbr.abs _section_cstart, $3  }
0xcf: {  	[dreg:$0x1] =	wrdreg $0xFFFFFFFF  }
0xd0: {  	_ =	task.clear_ibuf [dreg:s22], $0x2FFFF;
	_ =	strace $0x9FFFFFFF  }
0xd1: {  	(tm) =	ssettm $0x7FFFFFFF  }
tec
execute0_lowered:
.L_overlay_start_1:
0x0: {  	(tag) =	ssettag $0x1  }
0x1: {  	s5 =	rddreg [dreg:$0x0]  }
0x2: {  	s1 =	rddreg [dreg:$0x1]  }
0x3: {  	s2 =	srdreg.scid;
	s0 =	rddreg [dreg:$0x2]  }
0x4: {  	s3 =	simm.s32 $0x0;
	s13 =	simm.s32 $0x50;
	s4 =	sand.u32 $0x1, s2  }
0x5: {  	s14 =	simm.s32 $0x0;
	s2 =	stileid.u32;
	s6 =	smul.u32 $0x271000, s4  }
0x6: {  	[smem:$0x7FF] =	sst s3;
	s7 =	smul.u32 $0x140000, s4;
	s8 =	sshll.u32 s2, $0xB  }
0x7: {  	s9 =	sshll.u32 s4, $0xF;
	s10 =	smul.u32 $0x14000, s2;
	_ =	strace $0x80000056  }
0x8: {  	s24 =	ssub.s32 $0x2, s4;
	s26 =	smul.u32 $0x50000, s2;
	s4 =	sadd.s32 $0x7400, s5  }
0x9: {  	s29 =	sshll.u32 s2, $0x6;
	s30 =	smul.u32 $0x27100, s2;
	s23 =	sor.u32 s8, s9  }
0xa: {  	s25 =	sshrl.u32 s24, $0x1;
	s11 =	sadd.s32 s6, s5;
	s6 =	sadd.s32 s23, s5  }
0xb: {  	s7 =	sadd.s32 s10, s7;
	s8 =	ssub.s32 s24, s25;
	s28 =	sshrl.u32 s26, $0x2  }
0xc: {  	s7 =	sshrl.u32 s7, $0x3;
	s12 =	sadd.s32 s28, s1;
	s6 =	sadd.s32 $0x4F3200, s6  }
0xd: {  	s8 =	smax.u32 s8, $0x1;
	s31 =	sadd.s32 s30, s11;
	s11 =	simm.s32 $0x1  }
0xe: {  	s7 =	sadd.s32 s7, s5;
	s5 =	sor.u32 $0x1C01, s29;
	s9 =	sadd.s32 $0x13A9200, s31  }
0xf: {  	s10 =	sshrl.u32 s12, $0x3;
	s12 =	simm.s32 $0x4000;
	s7 =	sadd.s32 $0xBDC00, s7  }
.LBB2_1:
0x10: {  	[spmem:s10], [sflag:s5] =	dma.local [hbm:s4], $0x2800  }
0x11: {  	_ =	swait.ge [sflag:s11], $0x2800  }
0x12: {  	[sflag:s11] =	ssyncset.done $0x0  }
0x13: {  	[sflag:s11] =	ssyncadd.s32 $0xFFFFD800  }
0x14: {  	[tilespmem:s3], [sflag:$0x1] =	stream.linear.gather [hbm4b:s6+s3], $0x3E80, $0x38;
	[tilespmem:$0x1A800] =	vst v63  }
0x15: {  	_ =	swait.ge [sflag:s11], $0x3E80  }
0x16: {  	[sflag:s11] =	ssyncset.done $0x0  }
0x17: {  	[sflag:s11] =	ssyncadd.s32 $0xFFFFC180  }
0x18: {  	[bflag:$0x0] =	sbarrier.arrive $0xFFFF  }
0x19: {  	[tilespmem:s12], [sflag:$0x1] =	stream.linear.gather [hbm4b:s9+s3], $0x2800, $0x38;
	[tilespmem:$0x1A800] =	vst v63  }
0x1a: {  	_ =	swait.ge [sflag:s11], $0x2800  }
0x1b: {  	[sflag:s11] =	ssyncset.done $0x0  }
0x1c: {  	s15 =	simm.s32 $0x0;
	[sflag:s11] =	ssyncadd.s32 $0xFFFFD800  }
0x1d: {  	[spmem:s1] =	stream.indirect.scatter.add.f32 [tilespmem:s12], [sflag:$0x1], $0x80, s15, s13, $0xb8;
	[tilespmem:$0x1A800] =	vst v63  }
0x1e: {  	_ =	swait.ge [sflag:s11], $0x2800  }
0x1f: {  	s16 =	smov.u32 s9;
	s15 =	simm.s32 $0x200;
	[sflag:s11] =	ssyncset.done $0x0  }
.LBB2_2:
0x20: {  	p0 =	sne.s32 s15, $0xF800;
	[sflag:s11] =	ssyncadd.s32 $0xFFFFD800;
	s16 =	sadd.s32 $0x500, s16  }
0x21: {  	[tilespmem:s12], [sflag:$0x1] =	stream.linear.gather [hbm4b:s16+s3], $0x2800, $0x38;
	[tilespmem:$0x1A800] =	vst v63  }
0x22: {  	s17 =	smov.u32 s15;
	s15 =	sadd.s32 $0x200, s15;
	_ =	swait.ge [sflag:s11], $0x2800  }
.Ltmp0:
0x23: {  	[sflag:s11] =	ssyncset.done $0x0;
	(pc) =	sbr.rel @p0 .LBB2_2-.Ltmp0, $4  }
0x24: {  	s17 =	sshra.s32 s17, $0x2;
	[sflag:s11] =	ssyncadd.s32 $0xFFFFD800  }
0x25: {  	[spmem:s1] =	stream.indirect.scatter.add.f32 [tilespmem:s12], [sflag:$0x1], $0x80, s17, s13, $0xb8;
	[tilespmem:$0x1A800] =	vst v63  }
0x26: {  	_ =	swait.ge [sflag:s11], $0x2800  }
0x27: {  	[sflag:s11] =	ssyncset.done $0x0  }
0x28: {  	s14 =	sadd.s32 $0x1, s14  }
0x29: {  	[sflag:s11] =	ssyncadd.s32 $0xFFFFD800;
	p0 =	sne.s32 s14, s8  }
.Ltmp1:
0x2a: {  	[bflag:$0x0] =	sbarrier.arrive $0xFFFF;
	(pc) =	sbr.rel @p0 .LBB2_1-.Ltmp1, $4  }
0x2b: {  	[hbm:s7], [sflag:s5] =	dma.local [spmem:s10], $0x2800  }
0x2c: {  	_ =	swait.ge [sflag:s11], $0x2800  }
0x2d: {  	[sflag:s11] =	ssyncset.done $0x0  }
0x2e: {  	[sflag:s11] =	ssyncadd.s32 $0xFFFFD800  }
0x2f: {  	_ =	sfence.sel $0x180000  }
0x30: {  	[bflag:$0x0] =	sbarrier.arrive $0xFFFF  }
0x31: {  	p0 =	sne.s32 s2, $0x0;
	_ =	strace $0x90000056  }
0x32: {  	s0 =	sadd.s32 @!p0 $0x100000, s0;
	[bflag:$0x2] =	sbarrier.arrive $0xFFFF  }
0x33: {  	[sflag:s0] =	ssyncadd.tile.s32 @!p0 $0x1;
	_ =	shalt  }
.Lfunc_end2:
_tile_overlayer_lowered:
.L_overlay_start_2:
0x34: {  	(tag) =	ssettag $0x2  }
0x35: {  	s0 =	rddreg [dreg:$0x0];
	s2 =	stileid.u32  }
0x36: {  	s1 =	rddreg [dreg:$0x1];
	p0 =	sne.s32 s2, $0x0  }
0x37: {  	s3 =	rddreg [dreg:$0x2];
	[bflag:$0x3] =	sbarrier.arrive $0xFFFF;
	s2 =	simm.s32 @!p0 $0x1C01  }
0x38: {  	[timem:s3], [sflag:s2] =	dma.local @!p0 [hbm:s0], s1  }
0x39: {  	s0 =	simm.s32 @!p0 $0x1  }
0x3a: {  	_ =	swait.ge @!p0 [sflag:s0], s1  }
0x3b: {  	s1 =	ssub.s32 @!p0 $0x0, s1;
	[sflag:s0] =	ssyncset.done @!p0 $0x0  }
0x3c: {  	[sflag:s0] =	ssyncadd.s32 @!p0 s1  }
0x3d: {  	[bflag:$0x3] =	sbarrier.arrive $0xFFFF  }
0x3e: {  	_ =	shalt  }

// kernel: kernel.35.cloned.1.call-start
scs
__scs_entry_jumppad:
0x0: {  	(pc) =	sbr.rel $0x88, $3  }
0x1: {  	(tag) =	ssettag $0x0;
	lr =	simm.s32 $0x1  }
0x2: {  	[smem:$0x3F83] =	sst lr;
	_ =	strace $0xD0000000  }
0x3: {  	_ = 	snop  }
0x4: {  	_ = 	snop  }
0x5: {  	_ = 	snop  }
0x6: {  	_ = 	snop  }
0x7: {  	_ = 	snop  }
__scs_overlays_trampoline_lowered:
0x8: {  	[smem:$0x3F92] =	sst s0  }
0x9: {  	[smem:$0x3F93] =	sst s1  }
0xa: {  	[smem:$0x3F94] =	sst s2  }
0xb: {  	[smem:$0x3F95] =	sst s3  }
0xc: {  	[smem:$0x3F96] =	sst s4  }
0xd: {  	[smem:$0x3F97] =	sst s5  }
0xe: {  	[smem:$0x3F98] =	sst s6  }
0xf: {  	[smem:$0x3F99] =	sst s7  }
0x10: {  	[smem:$0x3F9A] =	sst s8  }
0x11: {  	[smem:$0x3F9B] =	sst s9;
	s0 =	simm.s32 @!p0 $0x0  }
0x12: {  	s1 =	sld [smem:$0x3F81];
	s0 =	simm.s32 @p0 $0x1  }
0x13: {  	[smem:$0x3F9C] =	sst s0;
	s0 =	simm.s32 @!p1 $0x0  }
0x14: {  	s2 =	sld [smem:$0x3F80];
	s0 =	simm.s32 @p1 $0x1  }
0x15: {  	[smem:$0x3F9D] =	sst s0;
	s0 =	simm.s32 @!p2 $0x0  }
0x16: {  	s3 =	sld [smem:$0x3FDB];
	s0 =	simm.s32 @p2 $0x1  }
0x17: {  	s4 =	simm.s32 $0x1BF5;
	[smem:$0x3F9F] =	sst s0  }
0x18: {  	s0 =	sld [smem:$0x3F82];
	_ =	swait.ge [sflag:s4], $0x0  }
0x19: {  	s7 =	sld [smem:$0x3F83]  }
0x1a: {  	s8 =	sadd.s32 $0xFFFFE003, lr  }
0x1b: {  	s9 =	sadd.s32 $0xFFFFFEF7, lr;
	s5 =	simm.s32 $0xFFFFFFFF;
	p2 =	slt.u32 s8, $0xFFFFF086  }
0x1c: {  	p1 =	slt.u32 s9, $0xF7A;
	s5 =	simm.s32 @!p2 $0x0  }
0x1d: {  	s5 =	simm.s32 @p1 $0x1;
	p0 =	seq.s32 s7, s2  }
0x1e: {  	s7 =	smul.u32 @!p0 $0xF7A, s2;
	p2 =	seq.s32 @!p0 s5, $0x0  }
0x1f: {  	s9 =	smul.u32 $0xF7A, s1;
	s8 =	simm.s32 @!p0 $0x1BF5;
	p2 =	por !p2, p0  }
0x20: {  	[sflag:s8] =	ssyncset.s32 @!p0 $0xFFFFF086;
	s6 =	sadd.s32 @!p0 s3, s7;
	s7 =	simm.s32 @!p0 $0x108  }
0x21: {  	s3 =	sadd.s32 s3, s9;
	s6 =	sadd.s32 @!p0 $0x88, s6;
	s7 =	simm.s32 @p2 $0x1082  }
0x22: {  	[simem:s7], [sflag:s8] =	dma.local @!p0 [hbm:s6], $0xF7A  }
0x23: {  	s9 =	sor.u32 $0xD0000000, s2;
	s6 =	simm.s32 $0x108;
	_ =	swait.ge @!p0 [sflag:s8], $0x0  }
0x24: {  	s3 =	sadd.s32 $0x88, s3;
	s6 =	simm.s32 @!p1 $0x1082;
	[sflag:s4] =	ssyncset.s32 $0xFFFFF086  }
0x25: {  	[simem:s6], [sflag:s4] =	dma.local [hbm:s3], $0xF7A  }
0x26: {  	[smem:$0x3F83] =	sst s1;
	(tag) =	ssettag s2;
	_ =	strace s9  }
0x27: {  	s1 =	sld [smem:$0x3F93]  }
0x28: {  	s2 =	sld [smem:$0x3F94]  }
0x29: {  	s4 =	sld [smem:$0x3F96]  }
0x2a: {  	p0 =	seq.s32 s5, $0x0;
	s5 =	sld [smem:$0x3F97]  }
0x2b: {  	s6 =	sld [smem:$0x3F98]  }
0x2c: {  	s7 =	sld [smem:$0x3F99]  }
0x2d: {  	s3 =	simm.s32 $0x108;
	s8 =	sld [smem:$0x3F9A]  }
0x2e: {  	s3 =	simm.s32 @!p0 $0x1082;
	s9 =	sld [smem:$0x3F9B]  }
0x2f: {  	lr =	sadd.s32 s0, s3;
	s0 =	sld [smem:$0x3F92]  }
0x30: {  	s3 =	sld [smem:$0x3F95]  }
0x31: {  	[smem:$0x3F9E] =	sst s10  }
0x32: {  	s10 =	sld [smem:$0x3F9C];
	_ =	sdelay $0x3  }
0x33: {  	p0 =	seq.s32 s10, $0x1;
	s10 =	sld [smem:$0x3F9E];
	_ =	sdelay $0x3  }
0x34: {  	[smem:$0x3F9E] =	sst s10  }
0x35: {  	s10 =	sld [smem:$0x3F9D];
	_ =	sdelay $0x3  }
0x36: {  	p1 =	seq.s32 s10, $0x1;
	s10 =	sld [smem:$0x3F9E];
	_ =	sdelay $0x3  }
0x37: {  	[smem:$0x3F9E] =	sst s10  }
0x38: {  	s10 =	sld [smem:$0x3F9F]  }
0x39: {  	_ = 	snop;
	(pc) =	sbr.ind lr, $3  }
0x3a: {  	_ = 	snop  }
0x3b: {  	_ = 	snop  }
0x3c: {  	p2 =	seq.s32 s10, $0x1;
	s10 =	sld [smem:$0x3F9E]  }
0x3d: {  	_ =	shalt  }
0x3e: {  	_ =	shalt  }
0x3f: {  	_ =	shalt  }
0x40: {  	_ =	shalt  }
0x41: {  	_ =	shalt  }
0x42: {  	_ =	shalt  }
0x43: {  	_ =	shalt  }
0x44: {  	_ =	shalt  }
0x45: {  	_ =	shalt  }
0x46: {  	_ =	shalt  }
0x47: {  	_ =	shalt  }
0x48: {  	_ =	shalt  }
0x49: {  	_ =	shalt  }
0x4a: {  	_ =	shalt  }
0x4b: {  	_ =	shalt  }
0x4c: {  	_ =	shalt  }
0x4d: {  	_ =	shalt  }
0x4e: {  	_ =	shalt  }
0x4f: {  	_ =	shalt  }
0x50: {  	_ =	shalt  }
0x51: {  	_ =	shalt  }
0x52: {  	_ =	shalt  }
0x53: {  	_ =	shalt  }
0x54: {  	_ =	shalt  }
0x55: {  	_ =	shalt  }
0x56: {  	_ =	shalt  }
0x57: {  	_ =	shalt  }
0x58: {  	_ =	shalt  }
0x59: {  	_ =	shalt  }
0x5a: {  	_ =	shalt  }
0x5b: {  	_ =	shalt  }
0x5c: {  	_ =	shalt  }
0x5d: {  	_ =	shalt  }
0x5e: {  	_ =	shalt  }
0x5f: {  	_ =	shalt  }
0x60: {  	_ =	shalt  }
0x61: {  	_ =	shalt  }
0x62: {  	_ =	shalt  }
0x63: {  	_ =	shalt  }
0x64: {  	_ =	shalt  }
0x65: {  	_ =	shalt  }
0x66: {  	_ =	shalt  }
0x67: {  	_ =	shalt  }
0x68: {  	_ =	shalt  }
0x69: {  	_ =	shalt  }
0x6a: {  	_ =	shalt  }
0x6b: {  	_ =	shalt  }
0x6c: {  	_ =	shalt  }
0x6d: {  	_ =	shalt  }
0x6e: {  	_ =	shalt  }
0x6f: {  	_ =	shalt  }
0x70: {  	_ =	shalt  }
0x71: {  	_ =	shalt  }
0x72: {  	_ =	shalt  }
0x73: {  	_ =	shalt  }
0x74: {  	_ =	shalt  }
0x75: {  	_ =	shalt  }
0x76: {  	_ =	shalt  }
0x77: {  	_ =	shalt  }
0x78: {  	_ =	shalt  }
0x79: {  	_ =	shalt  }
0x7a: {  	_ =	shalt  }
0x7b: {  	_ =	shalt  }
0x7c: {  	_ =	shalt  }
0x7d: {  	_ =	shalt  }
0x7e: {  	_ =	shalt  }
0x7f: {  	_ =	shalt  }
0x80: {  	_ =	shalt  }
0x81: {  	_ =	shalt  }
0x82: {  	_ =	shalt  }
0x83: {  	_ =	shalt  }
0x84: {  	_ =	shalt  }
0x85: {  	_ =	shalt  }
0x86: {  	_ =	shalt  }
0x87: {  	_ =	shalt  }
.Lfunc_end0:
.L_simem_size_0:
called_computation.6_lowered:
.L_overlay_start_0:
0x88: {  	s2 =	sld [smem:$0x3FD9]  }
0x89: {  	s3 =	sld [smem:$0x3FFE];
	_ =	sdelay $0x1  }
0x8a: {  	s1 =	srdreg.scid  }
0x8b: {  	s0 =	sand.u32 $0x1, s1  }
0x8c: {  	s17 =	sshll.u32 s0, $0xA;
	s2 =	sadd.s32 s3, s2  }
0x8d: {  	s2 =	sadd.s32 s2, s17  }
0x8e: {  	[smem:$0x3FAA] =	sst s2  }
0x8f: {  	_ = 	snop  }
0x90: {  	s2 =	sld [smem:$0x3FD0];
	(tm) =	ssettm $0x1  }
0x91: {  	s18 =	sld [smem:$0x3FFB];
	_ =	sdelay $0x3  }
0x92: {  	_ =	strace s18  }
0x93: {  	s3 =	sld [smem:$0x3FFC];
	_ =	sdelay $0x3  }
0x94: {  	_ =	strace s3  }
0x95: {  	s3 =	sld [smem:$0x3FFD];
	_ =	sdelay $0x3  }
0x96: {  	_ =	strace s3  }
0x97: {  	_ =	strace $0x8FFFFFFF  }
0x98: {  	s19 =	sld [smem:$0x3FDB];
	_ =	sdelay $0x1  }
0x99: {  	s4 =	simm.s32 $_scs_section_size  }
0x9a: {  	s5 =	simm.s32 $_size__tile_overlayer_lowered;
	s6 =	simm.s32 $_tile_overlayer_lowered  }
0x9b: {  	s22 =	simm.s32 $0x1BFF;
	s21 =	sshll.u32 s6, $0x1;
	s3 =	sadd.s32 s4, s19  }
0x9c: {  	s7 =	simm.s32 $0x0;
	s20 =	sshll.u32 s5, $0x1;
	s5 =	sadd.s32 s21, s3  }
0x9d: {  	[timem:s7], [sflag:s22] =	dma.local [hbm:s5], s20  }
0x9e: {  	_ =	swait.ge [sflag:s22], s20  }
0x9f: {  	s4 =	ssub.s32 $0x0, s20;
	[sflag:s22] =	ssyncset.done $0x0  }
0xa0: {  	[sflag:s22] =	ssyncadd.s32 s4;
	_ =	sdelay $0x1  }
0xa1: {  	s23 =	simm.s32 $0x1B8B  }
0xa2: {  	_ =	swait.ge [sflag:s23], $0x1  }
0xa3: {  	[sflag:s23] =	ssyncset.done $0x0  }
0xa4: {  	s25 =	simm.s32 $0x1B8E;
	s24 =	sld [smem:$0x3FFE];
	[sflag:s23] =	ssyncadd.s32 $0xFFFFFFFF  }
0xa5: {  	s26 =	simm.s32 $execute0_lowered;
	[smem:$0x3FD2] =	sst s25  }
0xa6: {  	s5 =	sshll.u32 s26, $0x1;
	_ =	strace $0x80000058;
	[dreg:$0x1] =	wrdreg $0xFFFFFFFF  }
0xa7: {  	s28 =	simm.s32 $_size_execute0_lowered;
	s3 =	sadd.s32 s3, s5;
	[dreg:$0x0] =	wrdreg $0x0  }
0xa8: {  	s5 =	sshll.u32 s28, $0x1;
	[dreg:$0x2] =	wrdreg s3  }
0xa9: {  	[dreg:$0x3] =	wrdreg s5  }
0xaa: {  	[dreg:$0x4] =	wrdreg $0xC0  }
0xab: {  	_ =	task [dreg:s7], $0x5FFFF  }
0xac: {  	[dreg:$0x1] =	wrdreg $0xFFFFFFFF  }
0xad: {  	[dreg:$0x0] =	wrdreg $0x60  }
0xae: {  	[dreg:$0x2] =	wrdreg s2  }
0xaf: {  	[dreg:$0x3] =	wrdreg s24  }
0xb0: {  	[dreg:$0x4] =	wrdreg $0x90000  }
0xb1: {  	[dreg:$0x5] =	wrdreg $0x9  }
0xb2: {  	_ =	task.clear_ibuf [dreg:s7], $0x6FFFF;
	_ =	strace $0x90000058  }
0xb3: {  	s29 =	simm.s32 $0x9;
	_ =	strace $0x8000005A  }
0xb4: {  	_ =	swait.ge [sflag:s29], $0x1  }
0xb5: {  	[sflag:s29] =	ssyncadd.s32 $0xFFFFFFFF  }
0xb6: {  	_ =	strace $0x9000005A  }
0xb7: {  	_ =	sfence  }
0xb8: {  	s30 =	sld [smem:$0x0];
	_ =	sdelay $0x2  }
0xb9: {  	s31 =	sshll.u32 s1, $0xD;
	s1 =	sshrl.u32 s1, $0x2  }
0xba: {  	s3 =	sand.u32 $0x4000, s31;
	s1 =	sadd.s32 s1, s30  }
0xbb: {  	s0 =	sor.u32 s3, s0;
	s1 =	sshll.u32 s1, $0x11  }
0xbc: {  	s0 =	sor.u32 s1, s0  }
0xbd: {  	s0 =	sadd.s32 $0x8F2B, s0  }
0xbe: {  	[sflag:s0] =	ssyncadd.remote.s32 $0x1  }
0xbf: {  	_ =	sfence.sel $0xFFFF  }
0xc0: {  	[dreg:$0x0] =	wrdreg $0xFFFFFFFF;
	(pc) =	sbr.abs _section_cstart, $3  }
0xc1: {  	[dreg:$0x1] =	wrdreg $0xFFFFFFFF  }
0xc2: {  	_ =	task.clear_ibuf [dreg:s7], $0x2FFFF;
	_ =	strace $0x9FFFFFFF  }
0xc3: {  	(tm) =	ssettm $0x7FFFFFFF  }
tec
execute0_lowered:
.L_overlay_start_1:
0x0: {  	(tag) =	ssettag $0x1  }
0x1: {  	s1 =	rddreg [dreg:$0x0]  }
0x2: {  	s0 =	srdreg.scid;
	s7 =	rddreg [dreg:$0x1]  }
0x3: {  	s3 =	rddreg [dreg:$0x2];
	s4 =	simm.s32 $0x0;
	s14 =	simm.s32 $0x7D  }
0x4: {  	s15 =	simm.s32 $0x5000;
	s16 =	simm.s32 $0x1;
	s6 =	sand.u32 $0x1, s0  }
0x5: {  	s17 =	simm.s32 $0x0;
	s0 =	stileid.u32;
	s8 =	smul.u32 $0x140000, s6  }
0x6: {  	[smem:$0x7FF] =	sst s4;
	s2 =	sshll.u32 s6, $0x4;
	s9 =	smul.u32 $0x14000, s0  }
0x7: {  	s28 =	smul.u32 $0x50000, s0;
	s6 =	ssub.s32 $0x2, s6;
	s2 =	sor.u32 s0, s2  }
0x8: {  	s31 =	sshll.u32 s0, $0x6;
	s29 =	sshrl.u32 s6, $0x1;
	s5 =	smul.u32 $0x500, s2  }
0x9: {  	s2 =	rddreg [dreg:$0x3];
	_ =	strace $0x80000059;
	s8 =	sadd.s32 s9, s8  }
0xa: {  	s30 =	sshrl.u32 s28, $0x2;
	s12 =	ssub.s32 s6, s29;
	s6 =	sor.u32 $0x1C02, s31  }
0xb: {  	s8 =	sshrl.u32 s8, $0x3;
	s13 =	sadd.s32 s30, s3;
	s10 =	sadd.s32 s5, s7  }
0xc: {  	s5 =	sadd.s32 $0x7400, s7;
	s11 =	sadd.s32 s8, s7;
	s7 =	sadd.s32 $0xB3C00, s10  }
0xd: {  	s8 =	sadd.s32 $0xA9C00, s10;
	s9 =	sadd.s32 $0x9C00, s11;
	s10 =	smax.u32 s12, $0x1  }
0xe: {  	s11 =	sshrl.u32 s13, $0x3;
	s12 =	simm.s32 $0x2;
	s13 =	simm.s32 $0x2800  }
.LBB2_1:
0xf: {  	[spmem:s11], [sflag:s6] =	dma.local [hbm:s5], $0x2800  }
0x10: {  	_ =	swait.ge [sflag:s12], $0x2800  }
0x11: {  	[sflag:s12] =	ssyncset.done $0x0  }
0x12: {  	[sflag:s12] =	ssyncadd.s32 $0xFFFFD800  }
0x13: {  	[tilespmem:s4], [sflag:$0x2] =	stream.linear.gather [hbm4b:s7+s4], $0x2800, $0x38;
	[tilespmem:$0x1D000] =	vst v63  }
0x14: {  	_ =	swait.ge [sflag:s12], $0x2800  }
0x15: {  	[sflag:s12] =	ssyncset.done $0x0  }
0x16: {  	[sflag:s12] =	ssyncadd.s32 $0xFFFFD800  }
0x17: {  	[tilespmem:s13], [sflag:$0x2] =	stream.linear.gather [hbm4b:s8+s4], $0x2800, $0x38;
	[tilespmem:$0x1D000] =	vst v63  }
0x18: {  	_ =	swait.ge [sflag:s12], $0x2800  }
0x19: {  	[sflag:s12] =	ssyncset.done $0x0  }
0x1a: {  	[sflag:s12] =	ssyncadd.s32 $0xFFFFD800  }
0x1b: {  	s18 =	simm.s32 $0x0;
	[bflag:$0x0] =	sbarrier.arrive $0xFFFF  }
0x1c: {  	[tilespmem:s15], [sflag:$0x1] =	stream.indirect.gather [hbm4b:s1+s14], $0x80, s18, s14, $0xb8;
	[tilespmem:$0x1D000] =	vst v63  }
0x1d: {  	_ =	swait.ge [sflag:s16], $0x3E80  }
0x1e: {  	[sflag:s16] =	ssyncset.done $0x0  }
0x1f: {  	s31 =	simm.s32 $0x2800;
	[sflag:s16] =	ssyncadd.s32 $0xFFFFC180  }
0x20: {  	[spmem:s3] =	stream.indirect.scatter.add.f32 [tilespmem:s15], [sflag:$0x2], $0x80, s31, s14, $0xb8;
	[tilespmem:$0x1D000] =	vst v63  }
0x21: {  	_ =	swait.ge [sflag:s12], $0x3E80  }
0x22: {  	s19 =	simm.s32 $0x400;
	s18 =	simm.s32 $0x200;
	[sflag:s12] =	ssyncset.done $0x0  }
.LBB2_2:
0x23: {  	s20 =	sshra.s32 s18, $0x2  }
0x24: {  	[sflag:s12] =	ssyncadd.s32 $0xFFFFC180;
	s18 =	smov.u32 s19;
	s21 =	sadd.s32 $0x200, s19  }
0x25: {  	[tilespmem:s15], [sflag:$0x1] =	stream.indirect.gather [hbm4b:s1+s14], $0x80, s20, s14, $0xb8;
	[tilespmem:$0x1D000] =	vst v63  }
0x26: {  	p0 =	sne.s32 s19, $0x9E00;
	_ =	swait.ge [sflag:s16], $0x3E80  }
.Ltmp0:
0x27: {  	[sflag:s16] =	ssyncset.done $0x0;
	(pc) =	sbr.rel @p0 .LBB2_2-.Ltmp0, $4  }
0x28: {  	s19 =	sadd.s32 $0x2800, s20;
	[sflag:s16] =	ssyncadd.s32 $0xFFFFC180  }
0x29: {  	[spmem:s3] =	stream.indirect.scatter.add.f32 [tilespmem:s15], [sflag:$0x2], $0x80, s19, s14, $0xb8;
	[tilespmem:$0x1D000] =	vst v63  }
0x2a: {  	_ =	swait.ge [sflag:s12], $0x3E80  }
0x2b: {  	s19 =	smov.u32 s21;
	[sflag:s12] =	ssyncset.done $0x0  }
0x2c: {  	s18 =	sshra.s32 s18, $0x2;
	[sflag:s12] =	ssyncadd.s32 $0xFFFFC180  }
0x2d: {  	[tilespmem:s15], [sflag:$0x1] =	stream.indirect.gather [hbm4b:s1+s14], $0x80, s18, s14, $0xb8;
	[tilespmem:$0x1D000] =	vst v63  }
0x2e: {  	_ =	swait.ge [sflag:s16], $0x3E80  }
0x2f: {  	[sflag:s16] =	ssyncset.done $0x0  }
0x30: {  	s18 =	sadd.s32 $0x2800, s18;
	[sflag:s16] =	ssyncadd.s32 $0xFFFFC180  }
0x31: {  	[spmem:s3] =	stream.indirect.scatter.add.f32 [tilespmem:s15], [sflag:$0x2], $0x80, s18, s14, $0xb8;
	[tilespmem:$0x1D000] =	vst v63  }
0x32: {  	_ =	swait.ge [sflag:s12], $0x3E80  }
0x33: {  	s17 =	sadd.s32 $0x1, s17;
	[sflag:s12] =	ssyncset.done $0x0  }
0x34: {  	p0 =	sne.s32 s17, s10;
	[sflag:s12] =	ssyncadd.s32 $0xFFFFC180  }
.Ltmp1:
0x35: {  	[bflag:$0x0] =	sbarrier.arrive $0xFFFF;
	(pc) =	sbr.rel @p0 .LBB2_1-.Ltmp1, $4  }
0x36: {  	[hbm:s9], [sflag:s6] =	dma.local [spmem:s11], $0x2800  }
0x37: {  	_ =	swait.ge [sflag:s12], $0x2800  }
0x38: {  	[sflag:s12] =	ssyncset.done $0x0  }
0x39: {  	[sflag:s12] =	ssyncadd.s32 $0xFFFFD800  }
0x3a: {  	_ =	sfence.sel $0x180000  }
0x3b: {  	[bflag:$0x0] =	sbarrier.arrive $0xFFFF  }
0x3c: {  	p0 =	sne.s32 s0, $0x0;
	_ =	strace $0x90000059  }
0x3d: {  	s0 =	sadd.s32 @!p0 $0x100000, s2;
	[bflag:$0x2] =	sbarrier.arrive $0xFFFF  }
0x3e: {  	[sflag:s0] =	ssyncadd.tile.s32 @!p0 $0x1;
	_ =	shalt  }
.Lfunc_end2:
_tile_overlayer_lowered:
.L_overlay_start_2:
0x3f: {  	(tag) =	ssettag $0x2  }
0x40: {  	s0 =	rddreg [dreg:$0x0];
	s2 =	stileid.u32  }
0x41: {  	s1 =	rddreg [dreg:$0x1];
	p0 =	sne.s32 s2, $0x0  }
0x42: {  	s3 =	rddreg [dreg:$0x2];
	[bflag:$0x3] =	sbarrier.arrive $0xFFFF;
	s2 =	simm.s32 @!p0 $0x1C02  }
0x43: {  	[timem:s3], [sflag:s2] =	dma.local @!p0 [hbm:s0], s1  }
0x44: {  	s0 =	simm.s32 @!p0 $0x2  }
0x45: {  	_ =	swait.ge @!p0 [sflag:s0], s1  }
0x46: {  	s1 =	ssub.s32 @!p0 $0x0, s1;
	[sflag:s0] =	ssyncset.done @!p0 $0x0  }
0x47: {  	[sflag:s0] =	ssyncadd.s32 @!p0 s1  }
0x48: {  	[bflag:$0x3] =	sbarrier.arrive $0xFFFF  }
0x49: {  	_ =	shalt  }

</sc_bundles>
